<compile_context>
chip_gen: v7x
topology: tpu7x:2x2x1
jax: 0.10.2.dev20260603
libtpu: 0.0.44.dev20260713+nightly
codegen_flags: <defaults>
</compile_context>

<pallas_src>
import jax
import jax.numpy as jnp
from jax import lax
from jax.experimental import pallas as pl
from jax.experimental.pallas import tpu as pltpu
from jax.experimental.pallas import tpu_sc as plsc

NC = 2
NS = 16
L = 16
NW = NC * NS

NVOX = 96 * 96 * 96
NPAIR = 16
TOTAL = NPAIR * NVOX

RB = 720
NBTC = 6
VTC = NBTC * RB * 128
PER_SC = (NVOX - VTC) // 2
CH = 13824
NCHUNK2 = PER_SC // (2 * CH)

NTHR = 32
NSEG = NTHR + 1
KQ = 1024
SENT = 33
NBANK = 8
BANKW = 1024
HTOT = NBANK * BANKW


def _body(inp_hbm, tar_hbm, s_hbm, lut_hbm, hist_out, sl1_out,
          s_v, lut_v, x0, x1, t0, t1, sx, st, hx, ht, sl1_v,
          sem_x0, sem_x1, sem_t0, sem_t1):
    wid = lax.axis_index("s") * NC + lax.axis_index("c")
    slab = lax.div(wid, jnp.int32(2))
    half = lax.rem(wid, jnp.int32(2))
    base = slab * NVOX + VTC + half * PER_SC

    pltpu.sync_copy(s_hbm, s_v)
    pltpu.sync_copy(lut_hbm, lut_v)

    lane = lax.iota(jnp.int32, L)
    ones = jnp.full((L,), 1.0, jnp.float32)
    zero_f = jnp.zeros((L,), jnp.float32)
    zero_i = jnp.zeros((L,), jnp.int32)

    def _zh(i, c):
        hx[pl.ds(i * L, L)] = zero_f
        ht[pl.ds(i * L, L)] = zero_f
        return c
    lax.fori_loop(0, HTOT // L, _zh, 0)

    def _zs(i, c):
        sx[pl.ds(i * L, L)] = zero_f
        st[pl.ds(i * L, L)] = zero_f
        return c
    lax.fori_loop(0, CH // L, _zs, 0)

    sA = s_v[pl.ds(0, L)]
    sB = s_v[pl.ds(L, L)]
    idx7 = jnp.full((L,), 7, jnp.int32)
    sA7 = jnp.take_along_axis(sA, idx7, axis=0, mode="promise_in_bounds")
    sB7 = jnp.take_along_axis(sB, idx7, axis=0, mode="promise_in_bounds")

    def rank16(tbl, t7, v):
        pos = jnp.where(t7 <= v, jnp.int32(8), jnp.int32(0))
        for step in (4, 2, 1):
            tv = jnp.take_along_axis(tbl, pos + jnp.int32(step - 1), axis=0,
                                     mode="promise_in_bounds")
            pos = pos + jnp.where(tv <= v, jnp.int32(step), jnp.int32(0))
        tv = jnp.take_along_axis(tbl, pos, axis=0, mode="promise_in_bounds")
        return pos + jnp.where(tv <= v, jnp.int32(1), jnp.int32(0))

    def rank(v):
        return rank16(sA, sA7, v) + rank16(sB, sB7, v)

    def process(xr, tr, carry):
        @plsc.parallel_loop(0, CH, L, unroll=8, carry=carry)
        def out(off, c):
            acc, ox, ot = c
            blane = ((off & jnp.int32(0x70)) << 6) + lane
            x = xr[pl.ds(off, L)]
            t = tr[pl.ds(off, L)]
            d = x - t
            ad = jnp.abs(d)
            acc = acc + jnp.where(ad < 1.0, (0.5 * d) * d, ad - 0.5)

            qx = lax.shift_left((x * jnp.float32(KQ)).astype(jnp.int32), 4) + lane
            gx = plsc.load_gather(lut_v, [qx])
            plsc.addupdate_scatter(hx, [lax.shift_left(gx, 4) + blane], ones)
            fx = gx == jnp.int32(SENT)
            mx = jnp.where(fx, jnp.int32(1), jnp.int32(0))
            cx = plsc.cumsum(mx)
            plsc.store_scatter(sx, [ox + cx - mx], x, mask=fx)
            ox = ox + plsc.all_reduce_population_count(fx)

            qt_ = lax.shift_left((t * jnp.float32(KQ)).astype(jnp.int32), 4) + lane
            gt = plsc.load_gather(lut_v, [qt_])
            plsc.addupdate_scatter(ht, [lax.shift_left(gt, 4) + blane], ones)
            ft = gt == jnp.int32(SENT)
            mt = jnp.where(ft, jnp.int32(1), jnp.int32(0))
            ct = plsc.cumsum(mt)
            plsc.store_scatter(st, [ot + ct - mt], t, mask=ft)
            ot = ot + plsc.all_reduce_population_count(ft)
            return acc, ox, ot
        return out

    def refine(side, h, off_v):
        nf = jnp.max(off_v)
        nit = lax.div(nf + jnp.int32(L - 1), jnp.int32(L))

        def b2(i, c):
            msk = (i * L + lane) < off_v
            v = side[pl.ds(i * L, L)]
            slot = lax.shift_left(rank(v), 4) + (((i & 7) << 10) + lane)
            plsc.addupdate_scatter(h, [slot], ones, mask=msk)
            return c
        lax.fori_loop(0, nit, b2, 0)

    def start0(g2):
        pltpu.async_copy(inp_hbm.at[pl.ds(base + g2 * (2 * CH), CH)], x0, sem_x0)
        pltpu.async_copy(tar_hbm.at[pl.ds(base + g2 * (2 * CH), CH)], t0, sem_t0)

    def wait0():
        pltpu.make_async_copy(inp_hbm.at[pl.ds(base, CH)], x0, sem_x0).wait()
        pltpu.make_async_copy(tar_hbm.at[pl.ds(base, CH)], t0, sem_t0).wait()

    start0(0)

    def pair_body(g2, acc):
        off1 = base + g2 * (2 * CH) + CH
        wait0()
        h1 = pltpu.async_copy(inp_hbm.at[pl.ds(off1, CH)], x1, sem_x1)
        h2 = pltpu.async_copy(tar_hbm.at[pl.ds(off1, CH)], t1, sem_t1)
        acc, ox, ot = process(x0, t0, (acc, zero_i, zero_i))
        refine(sx, hx, ox)
        refine(st, ht, ot)

        @pl.when(g2 < NCHUNK2 - 1)
        def _():
            start0(g2 + 1)

        h1.wait()
        h2.wait()
        acc, ox, ot = process(x1, t1, (acc, zero_i, zero_i))
        refine(sx, hx, ox)
        refine(st, ht, ot)
        return acc

    acc = lax.fori_loop(0, NCHUNK2, pair_body, zero_f)

    sl1_v[...] = acc
    pltpu.sync_copy(sl1_v, sl1_out.at[wid])
    pltpu.sync_copy(hx, hist_out.at[wid, 0])
    pltpu.sync_copy(ht, hist_out.at[wid, 1])


def _tc_body(bins_ref, x_ref, t_ref, out_ref):
    b = pl.program_id(1)

    @pl.when(b == 0)
    def _():
        out_ref[...] = jnp.zeros_like(out_ref)

    x = x_ref[0]
    t = t_ref[0]
    d = x - t
    ad = jnp.abs(d)
    out_ref[0, 32, :] += jnp.sum(
        jnp.where(ad < 1.0, (0.5 * d) * d, ad - 0.5), axis=0)
    for j in range(16):
        lo = bins_ref[j, 0]
        hi = bins_ref[j, 1]
        out_ref[0, j, :] += jnp.sum(
            jnp.where((x >= lo) & (x < hi), 1.0, 0.0), axis=0)
        out_ref[0, 16 + j, :] += jnp.sum(
            jnp.where((t >= lo) & (t < hi), 1.0, 0.0), axis=0)


@jax.jit
def kernel(inp, tar, bin_range):
    inp_f = inp.reshape(TOTAL)
    tar_f = tar.reshape(TOTAL)
    s = jnp.sort(bin_range.reshape(NTHR))

    qt = (s * jnp.float32(KQ)).astype(jnp.int32)
    buckets = jnp.arange(KQ, dtype=jnp.int32)
    r0 = jnp.searchsorted(qt, buckets, side="left").astype(jnp.int32)
    isb = jnp.any(buckets[:, None] == qt[None, :], axis=1)
    lut = jnp.repeat(jnp.where(isb, jnp.int32(SENT), r0), L)

    mesh = plsc.VectorSubcoreMesh(core_axis_name="c", subcore_axis_name="s")
    hist, sl1 = pl.kernel(
        _body,
        mesh=mesh,
        compiler_params=pltpu.CompilerParams(needs_layout_passes=False),
        out_type=[
            jax.ShapeDtypeStruct((NW, 2, HTOT), jnp.float32),
            jax.ShapeDtypeStruct((NW, L), jnp.float32),
        ],
        scratch_types=[
            pltpu.VMEM((NTHR,), jnp.float32),
            pltpu.VMEM((KQ * L,), jnp.int32),
            pltpu.VMEM((CH,), jnp.float32),
            pltpu.VMEM((CH,), jnp.float32),
            pltpu.VMEM((CH,), jnp.float32),
            pltpu.VMEM((CH,), jnp.float32),
            pltpu.VMEM((CH,), jnp.float32),
            pltpu.VMEM((CH,), jnp.float32),
            pltpu.VMEM((HTOT,), jnp.float32),
            pltpu.VMEM((HTOT,), jnp.float32),
            pltpu.VMEM((L,), jnp.float32),
            pltpu.SemaphoreType.DMA,
            pltpu.SemaphoreType.DMA,
            pltpu.SemaphoreType.DMA,
            pltpu.SemaphoreType.DMA,
        ],
    )(inp_f, tar_f, s, lut)

    tc = pl.pallas_call(
        _tc_body,
        grid=(NPAIR, NBTC),
        in_specs=[
            pl.BlockSpec(memory_space=pltpu.SMEM),
            pl.BlockSpec((1, RB, 128), lambda i, b: (i, b, 0)),
            pl.BlockSpec((1, RB, 128), lambda i, b: (i, b, 0)),
        ],
        out_specs=pl.BlockSpec((1, 40, 128), lambda i, b: (i, 0, 0)),
        out_shape=jax.ShapeDtypeStruct((NPAIR, 40, 128), jnp.float32),
    )(bin_range, inp_f.reshape(NPAIR, NVOX // 128, 128),
      tar_f.reshape(NPAIR, NVOX // 128, 128))

    h = hist.reshape(NW, 2, NBANK, BANKW // L, L)[:, :, :, :NSEG, :]
    h = h.sum(axis=(2, 4))
    h = h.reshape(NPAIR, 2, 2, NSEG).sum(axis=1)
    cdf = jnp.cumsum(h, axis=-1)
    plo = jnp.searchsorted(s, bin_range[:, 0], side="left")
    phi = jnp.searchsorted(s, bin_range[:, 1], side="left")
    cnt = jnp.maximum(cdf[:, :, phi] - cdf[:, :, plo], 0.0)
    cnt_tc = tc[:, :32, :].sum(-1).reshape(NPAIR, 2, 16)
    freq = (cnt + cnt_tc) / NVOX
    loss2 = jnp.mean(jnp.abs(freq[:, 0, :] - freq[:, 1, :]))
    loss1 = (sl1.sum() + tc[:, 32, :].sum()) / TOTAL
    return 0.5 * loss1 + 0.5 * loss2

# --- scband reference (transcript-rebuilt; emitter-appended) ---
"""Pipeline reference for scband-bin-loss-11132555231951 (READ-ONLY COPY).

The authoritative reference and input builder live on the scoring server;
editing this copy changes nothing except your own understanding.
"""

import jax, jax.numpy as jnp
import numpy as np


def smooth_l1(pred, tgt):
    d = pred - tgt
    ad = jnp.abs(d)
    return jnp.mean(jnp.where(ad < 1.0, 0.5 * d * d, ad - 0.5))


def bin_data(inp, blist):
    b, c, nx, ny, nz = inp.shape
    nvox = nx * ny * nz
    flat = inp.reshape(b, c, -1)
    nbins = blist.shape[0]
    freqs = []
    for i in range(nbins):
        lo = blist[i, 0]
        hi = blist[i, 1]
        cnt = jnp.sum((flat >= lo) & (flat < hi), axis=-1).astype(jnp.float32)
        freqs.append(cnt / nvox)
    return jnp.stack(freqs, axis=-1)


def setup_inputs(seed: int = 0) -> dict:
    key = jax.random.key(seed)
    k1, k2, k3 = jax.random.split(key, 3)
    inp = jax.random.uniform(k1, (4, 4, 96, 96, 96), dtype=jnp.float32)
    tar = jax.random.uniform(k2, (4, 4, 96, 96, 96), dtype=jnp.float32)
    bin_range = jax.random.uniform(k3, (16, 2), dtype=jnp.float32)
    return {"inp": inp, "tar": tar, "bin_range": bin_range}


def reference(inp, tar, bin_range):
    loss1 = smooth_l1(inp, tar)
    loss2 = jnp.mean(jnp.abs(bin_data(inp, bin_range) - bin_data(tar, bin_range)))
    return 0.5 * loss1 + 0.5 * loss2

if __name__ == "__main__":
    import jax
    _d = setup_inputs()
    print(jax.jit(kernel)(*tuple(_d.values())))

</pallas_src>

<mosaic_0001>
#map = affine_map<(d0, d1) -> (0)>
#map1 = affine_map<(d0, d1) -> (0, 0, 0)>
#map2 = affine_map<(d0, d1) -> (0, 0)>
module attributes {stable_mosaic.version = 14 : i64} {
  func.func @_body(%arg0: i32, %arg1: i32, %arg2: memref<14155776xf32, #tpu.memory_space<hbm>>, %arg3: memref<14155776xf32, #tpu.memory_space<hbm>>, %arg4: memref<32xf32, #tpu.memory_space<hbm>>, %arg5: memref<16384xi32, #tpu.memory_space<hbm>>, %arg6: memref<32x2x8192xf32, #tpu.memory_space<hbm>>, %arg7: memref<32x16xf32, #tpu.memory_space<hbm>>, %arg8: memref<32xf32, #tpu.memory_space<vmem>>, %arg9: memref<16384xi32, #tpu.memory_space<vmem>>, %arg10: memref<13824xf32, #tpu.memory_space<vmem>>, %arg11: memref<13824xf32, #tpu.memory_space<vmem>>, %arg12: memref<13824xf32, #tpu.memory_space<vmem>>, %arg13: memref<13824xf32, #tpu.memory_space<vmem>>, %arg14: memref<13824xf32, #tpu.memory_space<vmem>>, %arg15: memref<13824xf32, #tpu.memory_space<vmem>>, %arg16: memref<8192xf32, #tpu.memory_space<vmem>>, %arg17: memref<8192xf32, #tpu.memory_space<vmem>>, %arg18: memref<16xf32, #tpu.memory_space<vmem>>, %arg19: memref<!tpu.dma_semaphore, #tpu.memory_space<semaphore_mem>>, %arg20: memref<!tpu.dma_semaphore, #tpu.memory_space<semaphore_mem>>, %arg21: memref<!tpu.dma_semaphore, #tpu.memory_space<semaphore_mem>>, %arg22: memref<!tpu.dma_semaphore, #tpu.memory_space<semaphore_mem>>) attributes {dimension_semantics = [#tpu.dimension_semantics<core_parallel>, #tpu.dimension_semantics<subcore_parallel>], iteration_bounds = array<i64: 2, 16>, scalar_prefetch = 0 : i64, scratch_operands = 15 : i64, tpu.core_type = #tpu.core_type<sc_vector_subcore>, window_params = [{transform_indices = #map}, {transform_indices = #map}, {transform_indices = #map}, {transform_indices = #map}, {transform_indices = #map1}, {transform_indices = #map2}]} {
    %mul3A = arith.constant 2 : i32
    %mul3A_0 = arith.muli %arg1, %mul3A : i32
    %add3A = arith.addi %mul3A_0, %arg0 : i32
    %div3A = arith.constant 2 : i32
    %div3A_1 = arith.divsi %add3A, %div3A : i32
    %rem3A = arith.constant 2 : i32
    %rem3A_2 = arith.remsi %add3A, %rem3A : i32
    %mul3A_3 = arith.constant 884736 : i32
    %mul3A_4 = arith.muli %div3A_1, %mul3A_3 : i32
    %add3A_5 = arith.constant 552960 : i32
    %add3A_6 = arith.addi %mul3A_4, %add3A_5 : i32
    %mul3A_7 = arith.constant 165888 : i32
    %mul3A_8 = arith.muli %rem3A_2, %mul3A_7 : i32
    %add3A_9 = arith.addi %add3A_6, %mul3A_8 : i32
    "tpu.region"() ({
      %run_scoped3A_50 = tpu.sem_alloc : memref<!tpu.dma_semaphore, #tpu.memory_space<semaphore_mem>>
      tpu.enqueue_dma source(%arg4 : memref<32xf32, #tpu.memory_space<hbm>>) target(%arg8 : memref<32xf32, #tpu.memory_space<vmem>>) target_semaphore(%run_scoped3A_50 : memref<!tpu.dma_semaphore, #tpu.memory_space<semaphore_mem>>)
      tpu.wait_dma2 semaphore(%run_scoped3A_50 : memref<!tpu.dma_semaphore, #tpu.memory_space<semaphore_mem>>) src(%arg4 : memref<32xf32, #tpu.memory_space<hbm>>) dst(%arg8 : memref<32xf32, #tpu.memory_space<vmem>>)
      tpu.yield
    }) : () -> ()
    "tpu.region"() ({
      %run_scoped3A_50 = tpu.sem_alloc : memref<!tpu.dma_semaphore, #tpu.memory_space<semaphore_mem>>
      tpu.enqueue_dma source(%arg5 : memref<16384xi32, #tpu.memory_space<hbm>>) target(%arg9 : memref<16384xi32, #tpu.memory_space<vmem>>) target_semaphore(%run_scoped3A_50 : memref<!tpu.dma_semaphore, #tpu.memory_space<semaphore_mem>>)
      tpu.wait_dma2 semaphore(%run_scoped3A_50 : memref<!tpu.dma_semaphore, #tpu.memory_space<semaphore_mem>>) src(%arg5 : memref<16384xi32, #tpu.memory_space<hbm>>) dst(%arg9 : memref<16384xi32, #tpu.memory_space<vmem>>)
      tpu.yield
    }) : () -> ()
    %iota3A = tpu.iota {dimensions = array<i32: 0>} : vector<16xi32>
    %broadcast_in_dim3A = arith.constant 1.000000e+00 : f32
    %broadcast_in_dim3A_10 = vector.broadcast %broadcast_in_dim3A : f32 to vector<16xf32>
    %broadcast_in_dim3A_11 = arith.constant 0.000000e+00 : f32
    %broadcast_in_dim3A_12 = vector.broadcast %broadcast_in_dim3A_11 : f32 to vector<16xf32>
    %broadcast_in_dim3A_13 = arith.constant 0 : i32
    %broadcast_in_dim3A_14 = vector.broadcast %broadcast_in_dim3A_13 : i32 to vector<16xi32>
    %scan3A = arith.constant 0 : i32
    %scan3A_15 = arith.constant 0 : i32
    %scan3A_16 = arith.constant 512 : i32
    %scan3A_17 = arith.addi %scan3A_15, %scan3A_16 : i32
    %scan3A_18 = arith.constant 1 : i32
    scf.for %scan3A_50 = %scan3A_15 to %scan3A_17 step %scan3A_18  : i32 {
      %mul3A_51 = arith.constant 16 : i32
      %mul3A_52 = arith.muli %scan3A_50, %mul3A_51 : i32
      %swap3A_53 = arith.index_cast %mul3A_52 : i32 to index
      %swap3A_54 = tpu.vector_load %arg16[%swap3A_53] {strides = array<i32>} : memref<8192xf32, #tpu.memory_space<vmem>>, vector<16xf32>,
      tpu.vector_store %arg16[%swap3A_53], %broadcast_in_dim3A_12 {strides = array<i32>} : memref<8192xf32, #tpu.memory_space<vmem>>, vector<16xf32>,
      %mul3A_55 = arith.constant 16 : i32
      %mul3A_56 = arith.muli %scan3A_50, %mul3A_55 : i32
      %swap3A_57 = arith.index_cast %mul3A_56 : i32 to index
      %swap3A_58 = tpu.vector_load %arg17[%swap3A_57] {strides = array<i32>} : memref<8192xf32, #tpu.memory_space<vmem>>, vector<16xf32>,
      tpu.vector_store %arg17[%swap3A_57], %broadcast_in_dim3A_12 {strides = array<i32>} : memref<8192xf32, #tpu.memory_space<vmem>>, vector<16xf32>,
    }
    %scan3A_19 = arith.constant 512 : i32
    %scan3A_20 = arith.constant 0 : i32
    %scan3A_21 = arith.constant 0 : i32
    %scan3A_22 = arith.constant 864 : i32
    %scan3A_23 = arith.addi %scan3A_21, %scan3A_22 : i32
    %scan3A_24 = arith.constant 1 : i32
    scf.for %scan3A_50 = %scan3A_21 to %scan3A_23 step %scan3A_24  : i32 {
      %mul3A_51 = arith.constant 16 : i32
      %mul3A_52 = arith.muli %scan3A_50, %mul3A_51 : i32
      %swap3A_53 = arith.index_cast %mul3A_52 : i32 to index
      %swap3A_54 = tpu.vector_load %arg14[%swap3A_53] {strides = array<i32>} : memref<13824xf32, #tpu.memory_space<vmem>>, vector<16xf32>,
      tpu.vector_store %arg14[%swap3A_53], %broadcast_in_dim3A_12 {strides = array<i32>} : memref<13824xf32, #tpu.memory_space<vmem>>, vector<16xf32>,
      %mul3A_55 = arith.constant 16 : i32
      %mul3A_56 = arith.muli %scan3A_50, %mul3A_55 : i32
      %swap3A_57 = arith.index_cast %mul3A_56 : i32 to index
      %swap3A_58 = tpu.vector_load %arg15[%swap3A_57] {strides = array<i32>} : memref<13824xf32, #tpu.memory_space<vmem>>, vector<16xf32>,
      tpu.vector_store %arg15[%swap3A_57], %broadcast_in_dim3A_12 {strides = array<i32>} : memref<13824xf32, #tpu.memory_space<vmem>>, vector<16xf32>,
    }
    %scan3A_25 = arith.constant 864 : i32
    %get3A = arith.constant 0 : index
    %get3A_26 = tpu.vector_load %arg8[%get3A] {strides = array<i32>} : memref<32xf32, #tpu.memory_space<vmem>>, vector<16xf32>,
    %get3A_27 = arith.constant 16 : index
    %get3A_28 = tpu.vector_load %arg8[%get3A_27] {strides = array<i32>} : memref<32xf32, #tpu.memory_space<vmem>>, vector<16xf32>,
    %broadcast_in_dim3A_29 = arith.constant 7 : i32
    %broadcast_in_dim3A_30 = vector.broadcast %broadcast_in_dim3A_29 : i32 to vector<16xi32>
    %reshape3A = vector.shape_cast %broadcast_in_dim3A_30 : vector<16xi32> to vector<16x1xi32>
    %gather3A = vector.shape_cast %reshape3A : vector<16x1xi32> to vector<16xi32>
    %gather3A_31 = tpu.dynamic_gather %get3A_26[%gather3A] in [0] : vector<16xf32>, vector<16xi32> -> vector<16xf32>
    %reshape3A_32 = vector.shape_cast %broadcast_in_dim3A_30 : vector<16xi32> to vector<16x1xi32>
    %gather3A_33 = vector.shape_cast %reshape3A_32 : vector<16x1xi32> to vector<16xi32>
    %gather3A_34 = tpu.dynamic_gather %get3A_28[%gather3A_33] in [0] : vector<16xf32>, vector<16xi32> -> vector<16xf32>
    %add3A_35 = arith.constant 0 : i32
    %add3A_36 = arith.addi %add3A_9, %add3A_35 : i32
    %dma_start3A = tpu.memref_slice %arg2[%add3A_36] : memref<14155776xf32, #tpu.memory_space<hbm>> -> memref<13824xf32, #tpu.memory_space<hbm>>
    %dma_start3A_37 = tpu.memref_slice %arg2[%add3A_36] : memref<14155776xf32, #tpu.memory_space<hbm>> -> memref<13824xf32, #tpu.memory_space<hbm>>
    tpu.enqueue_dma source(%dma_start3A_37 : memref<13824xf32, #tpu.memory_space<hbm>>) target(%arg10 : memref<13824xf32, #tpu.memory_space<vmem>>) target_semaphore(%arg19 : memref<!tpu.dma_semaphore, #tpu.memory_space<semaphore_mem>>)
    %add3A_38 = arith.constant 0 : i32
    %add3A_39 = arith.addi %add3A_9, %add3A_38 : i32
    %dma_start3A_40 = tpu.memref_slice %arg3[%add3A_39] : memref<14155776xf32, #tpu.memory_space<hbm>> -> memref<13824xf32, #tpu.memory_space<hbm>>
    %dma_start3A_41 = tpu.memref_slice %arg3[%add3A_39] : memref<14155776xf32, #tpu.memory_space<hbm>> -> memref<13824xf32, #tpu.memory_space<hbm>>
    tpu.enqueue_dma source(%dma_start3A_41 : memref<13824xf32, #tpu.memory_space<hbm>>) target(%arg12 : memref<13824xf32, #tpu.memory_space<vmem>>) target_semaphore(%arg21 : memref<!tpu.dma_semaphore, #tpu.memory_space<semaphore_mem>>)
    %scan3A_42 = arith.constant 0 : i32
    %scan3A_43 = arith.constant 6 : i32
    %scan3A_44 = arith.addi %scan3A_42, %scan3A_43 : i32
    %scan3A_45 = arith.constant 1 : i32
    %scan3A_46 = scf.for %scan3A_50 = %scan3A_42 to %scan3A_44 step %scan3A_45 iter_args(%scan3A_51 = %broadcast_in_dim3A_12) -> (vector<16xf32>)  : i32 {
      %mul3A_52 = arith.constant 27648 : i32
      %mul3A_53 = arith.muli %scan3A_50, %mul3A_52 : i32
      %add3A_54 = arith.addi %add3A_9, %mul3A_53 : i32
      %add3A_55 = arith.constant 13824 : i32
      %add3A_56 = arith.addi %add3A_54, %add3A_55 : i32
      %dma_wait3A = tpu.memref_slice %arg2[%add3A_9] : memref<14155776xf32, #tpu.memory_space<hbm>> -> memref<13824xf32, #tpu.memory_space<hbm>>
      %dma_wait3A_57 = tpu.memref_slice %arg2[%add3A_9] : memref<14155776xf32, #tpu.memory_space<hbm>> -> memref<13824xf32, #tpu.memory_space<hbm>>
      tpu.wait_dma2 semaphore(%arg19 : memref<!tpu.dma_semaphore, #tpu.memory_space<semaphore_mem>>) src(%dma_wait3A_57 : memref<13824xf32, #tpu.memory_space<hbm>>) dst(%arg10 : memref<13824xf32, #tpu.memory_space<vmem>>)
      %dma_wait3A_58 = tpu.memref_slice %arg3[%add3A_9] : memref<14155776xf32, #tpu.memory_space<hbm>> -> memref<13824xf32, #tpu.memory_space<hbm>>
      %dma_wait3A_59 = tpu.memref_slice %arg3[%add3A_9] : memref<14155776xf32, #tpu.memory_space<hbm>> -> memref<13824xf32, #tpu.memory_space<hbm>>
      tpu.wait_dma2 semaphore(%arg21 : memref<!tpu.dma_semaphore, #tpu.memory_space<semaphore_mem>>) src(%dma_wait3A_59 : memref<13824xf32, #tpu.memory_space<hbm>>) dst(%arg12 : memref<13824xf32, #tpu.memory_space<vmem>>)
      %dma_start3A_60 = tpu.memref_slice %arg2[%add3A_56] : memref<14155776xf32, #tpu.memory_space<hbm>> -> memref<13824xf32, #tpu.memory_space<hbm>>
      %dma_start3A_61 = tpu.memref_slice %arg2[%add3A_56] : memref<14155776xf32, #tpu.memory_space<hbm>> -> memref<13824xf32, #tpu.memory_space<hbm>>
      tpu.enqueue_dma source(%dma_start3A_61 : memref<13824xf32, #tpu.memory_space<hbm>>) target(%arg11 : memref<13824xf32, #tpu.memory_space<vmem>>) target_semaphore(%arg20 : memref<!tpu.dma_semaphore, #tpu.memory_space<semaphore_mem>>)
      %dma_start3A_62 = tpu.memref_slice %arg3[%add3A_56] : memref<14155776xf32, #tpu.memory_space<hbm>> -> memref<13824xf32, #tpu.memory_space<hbm>>
      %dma_start3A_63 = tpu.memref_slice %arg3[%add3A_56] : memref<14155776xf32, #tpu.memory_space<hbm>> -> memref<13824xf32, #tpu.memory_space<hbm>>
      tpu.enqueue_dma source(%dma_start3A_63 : memref<13824xf32, #tpu.memory_space<hbm>>) target(%arg13 : memref<13824xf32, #tpu.memory_space<vmem>>) target_semaphore(%arg22 : memref<!tpu.dma_semaphore, #tpu.memory_space<semaphore_mem>>)
      %parallel_loop3A = arith.constant 0 : i32
      %parallel_loop3A_64 = arith.constant 13824 : i32
      %parallel_loop3A_65 = arith.constant 16 : i32
      %parallel_loop3A_66:3 = scf.for %parallel_loop3A_163 = %parallel_loop3A to %parallel_loop3A_64 step %parallel_loop3A_65 iter_args(%parallel_loop3A_164 = %scan3A_51, %parallel_loop3A_165 = %broadcast_in_dim3A_14, %parallel_loop3A_166 = %broadcast_in_dim3A_14) -> (vector<16xf32>, vector<16xi32>, vector<16xi32>)  : i32 {
        %parallel_loop3A_167 = arith.constant 112 : i32
        %parallel_loop3A_168 = arith.andi %parallel_loop3A_163, %parallel_loop3A_167 : i32
        %parallel_loop3A_169 = arith.constant 6 : i32
        %parallel_loop3A_170 = arith.shli %parallel_loop3A_168, %parallel_loop3A_169 : i32
        %parallel_loop3A_171 = vector.broadcast %parallel_loop3A_170 : i32 to vector<16xi32>
        %parallel_loop3A_172 = arith.addi %parallel_loop3A_171, %iota3A : vector<16xi32>
        %parallel_loop3A_173 = arith.index_cast %parallel_loop3A_163 : i32 to index
        %parallel_loop3A_174 = tpu.vector_load %arg10[%parallel_loop3A_173] {strides = array<i32>} : memref<13824xf32, #tpu.memory_space<vmem>>, vector<16xf32>,
        %parallel_loop3A_175 = arith.index_cast %parallel_loop3A_163 : i32 to index
        %parallel_loop3A_176 = tpu.vector_load %arg12[%parallel_loop3A_175] {strides = array<i32>} : memref<13824xf32, #tpu.memory_space<vmem>>, vector<16xf32>,
        %parallel_loop3A_177 = arith.subf %parallel_loop3A_174, %parallel_loop3A_176 : vector<16xf32>
        %parallel_loop3A_178 = math.absf %parallel_loop3A_177 : vector<16xf32>
        %parallel_loop3A_179 = arith.constant 1.000000e+00 : f32
        %parallel_loop3A_180 = vector.broadcast %parallel_loop3A_179 : f32 to vector<16xf32>
        %parallel_loop3A_181 = arith.cmpf olt, %parallel_loop3A_178, %parallel_loop3A_180 : vector<16xf32>
        %parallel_loop3A_182 = arith.constant 5.000000e-01 : f32
        %parallel_loop3A_183 = vector.broadcast %parallel_loop3A_182 : f32 to vector<16xf32>
        %parallel_loop3A_184 = arith.mulf %parallel_loop3A_183, %parallel_loop3A_177 : vector<16xf32>
        %parallel_loop3A_185 = arith.mulf %parallel_loop3A_184, %parallel_loop3A_177 : vector<16xf32>
        %parallel_loop3A_186 = arith.constant 5.000000e-01 : f32
        %parallel_loop3A_187 = vector.broadcast %parallel_loop3A_186 : f32 to vector<16xf32>
        %parallel_loop3A_188 = arith.subf %parallel_loop3A_178, %parallel_loop3A_187 : vector<16xf32>
        %parallel_loop3A_189 = arith.select %parallel_loop3A_181, %parallel_loop3A_185, %parallel_loop3A_188 : vector<16xi1>, vector<16xf32>
        %parallel_loop3A_190 = arith.addf %parallel_loop3A_164, %parallel_loop3A_189 : vector<16xf32>
        %parallel_loop3A_191 = arith.constant 1.024000e+03 : f32
        %parallel_loop3A_192 = vector.broadcast %parallel_loop3A_191 : f32 to vector<16xf32>
        %parallel_loop3A_193 = arith.mulf %parallel_loop3A_174, %parallel_loop3A_192 : vector<16xf32>
        %parallel_loop3A_194 = arith.fptosi %parallel_loop3A_193 : vector<16xf32> to vector<16xi32>
        %parallel_loop3A_195 = arith.constant 4 : i32
        %parallel_loop3A_196 = vector.broadcast %parallel_loop3A_195 : i32 to vector<16xi32>
        %parallel_loop3A_197 = arith.shli %parallel_loop3A_194, %parallel_loop3A_196 : vector<16xi32>
        %parallel_loop3A_198 = arith.addi %parallel_loop3A_197, %iota3A : vector<16xi32>
        %parallel_loop3A_199 = tpu.vector_load_idx %arg9[%parallel_loop3A_198] : memref<16384xi32, #tpu.memory_space<vmem>>[vector<16xi32>], vector<16xi32>,
        %parallel_loop3A_200 = arith.constant 4 : i32
        %parallel_loop3A_201 = vector.broadcast %parallel_loop3A_200 : i32 to vector<16xi32>
        %parallel_loop3A_202 = arith.shli %parallel_loop3A_199, %parallel_loop3A_201 : vector<16xi32>
        %parallel_loop3A_203 = arith.addi %parallel_loop3A_202, %parallel_loop3A_172 : vector<16xi32>
        tpu.vector_store_idx %arg16[%parallel_loop3A_203], %broadcast_in_dim3A_10 {add = true} : memref<8192xf32, #tpu.memory_space<vmem>>[vector<16xi32>], vector<16xf32>,
        %parallel_loop3A_204 = arith.constant 33 : i32
        %parallel_loop3A_205 = vector.broadcast %parallel_loop3A_204 : i32 to vector<16xi32>
        %parallel_loop3A_206 = arith.cmpi eq, %parallel_loop3A_199, %parallel_loop3A_205 : vector<16xi32>
        %parallel_loop3A_207 = arith.constant 1 : i32
        %parallel_loop3A_208 = arith.constant 0 : i32
        %parallel_loop3A_209 = vector.broadcast %parallel_loop3A_207 : i32 to vector<16xi32>
        %parallel_loop3A_210 = vector.broadcast %parallel_loop3A_208 : i32 to vector<16xi32>
        %parallel_loop3A_211 = arith.select %parallel_loop3A_206, %parallel_loop3A_209, %parallel_loop3A_210 : vector<16xi1>, vector<16xi32>
        %parallel_loop3A_212 = arith.constant true
        %parallel_loop3A_213 = vector.broadcast %parallel_loop3A_212 : i1 to vector<16xi1>
        %parallel_loop3A_214 = tpu.scan <sum>, %parallel_loop3A_211 masked %parallel_loop3A_213 : vector<16xi32>, vector<16xi1> -> vector<16xi32>
        %parallel_loop3A_215 = arith.addi %parallel_loop3A_165, %parallel_loop3A_214 : vector<16xi32>
        %parallel_loop3A_216 = arith.subi %parallel_loop3A_215, %parallel_loop3A_211 : vector<16xi32>
        tpu.vector_store_idx %arg14[%parallel_loop3A_216], %parallel_loop3A_174 masked %parallel_loop3A_206 : memref<13824xf32, #tpu.memory_space<vmem>>[vector<16xi32>], vector<16xf32>, vector<16xi1>
        %parallel_loop3A_217 = tpu.all_reduce %parallel_loop3A_206 {dim = 0 : i64, kind = #tpu.reduction_kind<sum>} : vector<16xi1> -> vector<16xi32>
        %parallel_loop3A_218 = arith.addi %parallel_loop3A_165, %parallel_loop3A_217 : vector<16xi32>
        %parallel_loop3A_219 = arith.constant 1.024000e+03 : f32
        %parallel_loop3A_220 = vector.broadcast %parallel_loop3A_219 : f32 to vector<16xf32>
        %parallel_loop3A_221 = arith.mulf %parallel_loop3A_176, %parallel_loop3A_220 : vector<16xf32>
        %parallel_loop3A_222 = arith.fptosi %parallel_loop3A_221 : vector<16xf32> to vector<16xi32>
        %parallel_loop3A_223 = arith.constant 4 : i32
        %parallel_loop3A_224 = vector.broadcast %parallel_loop3A_223 : i32 to vector<16xi32>
        %parallel_loop3A_225 = arith.shli %parallel_loop3A_222, %parallel_loop3A_224 : vector<16xi32>
        %parallel_loop3A_226 = arith.addi %parallel_loop3A_225, %iota3A : vector<16xi32>
        %parallel_loop3A_227 = tpu.vector_load_idx %arg9[%parallel_loop3A_226] : memref<16384xi32, #tpu.memory_space<vmem>>[vector<16xi32>], vector<16xi32>,
        %parallel_loop3A_228 = arith.constant 4 : i32
        %parallel_loop3A_229 = vector.broadcast %parallel_loop3A_228 : i32 to vector<16xi32>
        %parallel_loop3A_230 = arith.shli %parallel_loop3A_227, %parallel_loop3A_229 : vector<16xi32>
        %parallel_loop3A_231 = arith.addi %parallel_loop3A_230, %parallel_loop3A_172 : vector<16xi32>
        tpu.vector_store_idx %arg17[%parallel_loop3A_231], %broadcast_in_dim3A_10 {add = true} : memref<8192xf32, #tpu.memory_space<vmem>>[vector<16xi32>], vector<16xf32>,
        %parallel_loop3A_232 = arith.constant 33 : i32
        %parallel_loop3A_233 = vector.broadcast %parallel_loop3A_232 : i32 to vector<16xi32>
        %parallel_loop3A_234 = arith.cmpi eq, %parallel_loop3A_227, %parallel_loop3A_233 : vector<16xi32>
        %parallel_loop3A_235 = arith.constant 1 : i32
        %parallel_loop3A_236 = arith.constant 0 : i32
        %parallel_loop3A_237 = vector.broadcast %parallel_loop3A_235 : i32 to vector<16xi32>
        %parallel_loop3A_238 = vector.broadcast %parallel_loop3A_236 : i32 to vector<16xi32>
        %parallel_loop3A_239 = arith.select %parallel_loop3A_234, %parallel_loop3A_237, %parallel_loop3A_238 : vector<16xi1>, vector<16xi32>
        %parallel_loop3A_240 = arith.constant true
        %parallel_loop3A_241 = vector.broadcast %parallel_loop3A_240 : i1 to vector<16xi1>
        %parallel_loop3A_242 = tpu.scan <sum>, %parallel_loop3A_239 masked %parallel_loop3A_241 : vector<16xi32>, vector<16xi1> -> vector<16xi32>
        %parallel_loop3A_243 = arith.addi %parallel_loop3A_166, %parallel_loop3A_242 : vector<16xi32>
        %parallel_loop3A_244 = arith.subi %parallel_loop3A_243, %parallel_loop3A_239 : vector<16xi32>
        tpu.vector_store_idx %arg15[%parallel_loop3A_244], %parallel_loop3A_176 masked %parallel_loop3A_234 : memref<13824xf32, #tpu.memory_space<vmem>>[vector<16xi32>], vector<16xf32>, vector<16xi1>
        %parallel_loop3A_245 = tpu.all_reduce %parallel_loop3A_234 {dim = 0 : i64, kind = #tpu.reduction_kind<sum>} : vector<16xi1> -> vector<16xi32>
        %parallel_loop3A_246 = arith.addi %parallel_loop3A_166, %parallel_loop3A_245 : vector<16xi32>
        scf.yield %parallel_loop3A_190, %parallel_loop3A_218, %parallel_loop3A_246 : vector<16xf32>, vector<16xi32>, vector<16xi32>
      } {sc.loop_unroll_factor = 8 : i64, sc.parallel_access}
      %reduce_max3A = arith.constant true
      %reduce_max3A_67 = vector.broadcast %reduce_max3A : i1 to vector<16xi1>
      %reduce_max3A_68 = arith.constant -2147483648 : i32
      %reduce_max3A_69 = vector.broadcast %reduce_max3A_68 : i32 to vector<16xi32>
      %reduce_max3A_70 = arith.xori %parallel_loop3A_66#1, %reduce_max3A_69 : vector<16xi32>
      %reduce_max3A_71 = tpu.scan <max>, %reduce_max3A_70 masked %reduce_max3A_67 : vector<16xi32>, vector<16xi1> -> vector<16xi32>
      %reduce_max3A_72 = arith.xori %reduce_max3A_71, %reduce_max3A_69 : vector<16xi32>
      %reduce_max3A_73 = vector.extract %reduce_max3A_72[15] : i32 from vector<16xi32>
      %add3A_74 = arith.constant 15 : i32
      %add3A_75 = arith.addi %reduce_max3A_73, %add3A_74 : i32
      %div3A_76 = arith.constant 16 : i32
      %div3A_77 = arith.divsi %add3A_75, %div3A_76 : i32
      %while3A = arith.constant 0 : i32
      %while3A_78 = arith.constant 0 : i32
      %while3A_79 = arith.subi %div3A_77, %while3A_78 : i32
      %while3A_80 = arith.addi %while3A_78, %while3A_79 : i32
      %while3A_81 = arith.constant 1 : i32
      %while3A_82 = arith.divsi %while3A_79, %while3A_81 : i32
      %while3A_83 = arith.muli %while3A_82, %while3A_81 : i32
      %while3A_84 = arith.addi %while3A_78, %while3A_83 : i32
      %while3A_85 = arith.constant 1 : i32
      scf.for %while3A_163 = %while3A_78 to %while3A_84 step %while3A_85  : i32 {
        %mul3A_164 = arith.constant 16 : i32
        %mul3A_165 = arith.muli %while3A_163, %mul3A_164 : i32
        %add3A_166 = vector.broadcast %mul3A_165 : i32 to vector<16xi32>
        %add3A_167 = arith.addi %add3A_166, %iota3A : vector<16xi32>
        %lt3A_168 = arith.cmpi slt, %add3A_167, %parallel_loop3A_66#1 : vector<16xi32>
        %mul3A_169 = arith.constant 16 : i32
        %mul3A_170 = arith.muli %while3A_163, %mul3A_169 : i32
        %get3A_171 = arith.index_cast %mul3A_170 : i32 to index
        %get3A_172 = tpu.vector_load %arg14[%get3A_171] {strides = array<i32>} : memref<13824xf32, #tpu.memory_space<vmem>>, vector<16xf32>,
        %le3A = arith.cmpf ole, %gather3A_31, %get3A_172 : vector<16xf32>
        %jit3A = arith.constant 8 : i32
        %jit3A_173 = arith.constant 0 : i32
        %broadcast_in_dim3A_174 = vector.broadcast %jit3A : i32 to vector<16xi32>
        %broadcast_in_dim3A_175 = vector.broadcast %jit3A_173 : i32 to vector<16xi32>
        %select_n3A = arith.select %le3A, %broadcast_in_dim3A_174, %broadcast_in_dim3A_175 : vector<16xi1>, vector<16xi32>
        %add3A_176 = arith.constant 3 : i32
        %add3A_177 = vector.broadcast %add3A_176 : i32 to vector<16xi32>
        %add3A_178 = arith.addi %select_n3A, %add3A_177 : vector<16xi32>
        %reshape3A_179 = vector.shape_cast %add3A_178 : vector<16xi32> to vector<16x1xi32>
        %gather3A_180 = vector.shape_cast %reshape3A_179 : vector<16x1xi32> to vector<16xi32>
        %gather3A_181 = tpu.dynamic_gather %get3A_26[%gather3A_180] in [0] : vector<16xf32>, vector<16xi32> -> vector<16xf32>
        %le3A_182 = arith.cmpf ole, %gather3A_181, %get3A_172 : vector<16xf32>
        %jit3A_183 = arith.constant 4 : i32
        %jit3A_184 = arith.constant 0 : i32
        %broadcast_in_dim3A_185 = vector.broadcast %jit3A_183 : i32 to vector<16xi32>
        %broadcast_in_dim3A_186 = vector.broadcast %jit3A_184 : i32 to vector<16xi32>
        %select_n3A_187 = arith.select %le3A_182, %broadcast_in_dim3A_185, %broadcast_in_dim3A_186 : vector<16xi1>, vector<16xi32>
        %add3A_188 = arith.addi %select_n3A, %select_n3A_187 : vector<16xi32>
        %add3A_189 = arith.constant 1 : i32
        %add3A_190 = vector.broadcast %add3A_189 : i32 to vector<16xi32>
        %add3A_191 = arith.addi %add3A_188, %add3A_190 : vector<16xi32>
        %reshape3A_192 = vector.shape_cast %add3A_191 : vector<16xi32> to vector<16x1xi32>
        %gather3A_193 = vector.shape_cast %reshape3A_192 : vector<16x1xi32> to vector<16xi32>
        %gather3A_194 = tpu.dynamic_gather %get3A_26[%gather3A_193] in [0] : vector<16xf32>, vector<16xi32> -> vector<16xf32>
        %le3A_195 = arith.cmpf ole, %gather3A_194, %get3A_172 : vector<16xf32>
        %jit3A_196 = arith.constant 2 : i32
        %jit3A_197 = arith.constant 0 : i32
        %broadcast_in_dim3A_198 = vector.broadcast %jit3A_196 : i32 to vector<16xi32>
        %broadcast_in_dim3A_199 = vector.broadcast %jit3A_197 : i32 to vector<16xi32>
        %select_n3A_200 = arith.select %le3A_195, %broadcast_in_dim3A_198, %broadcast_in_dim3A_199 : vector<16xi1>, vector<16xi32>
        %add3A_201 = arith.addi %add3A_188, %select_n3A_200 : vector<16xi32>
        %add3A_202 = arith.constant 0 : i32
        %add3A_203 = vector.broadcast %add3A_202 : i32 to vector<16xi32>
        %add3A_204 = arith.addi %add3A_201, %add3A_203 : vector<16xi32>
        %reshape3A_205 = vector.shape_cast %add3A_204 : vector<16xi32> to vector<16x1xi32>
        %gather3A_206 = vector.shape_cast %reshape3A_205 : vector<16x1xi32> to vector<16xi32>
        %gather3A_207 = tpu.dynamic_gather %get3A_26[%gather3A_206] in [0] : vector<16xf32>, vector<16xi32> -> vector<16xf32>
        %le3A_208 = arith.cmpf ole, %gather3A_207, %get3A_172 : vector<16xf32>
        %jit3A_209 = arith.constant 1 : i32
        %jit3A_210 = arith.constant 0 : i32
        %broadcast_in_dim3A_211 = vector.broadcast %jit3A_209 : i32 to vector<16xi32>
        %broadcast_in_dim3A_212 = vector.broadcast %jit3A_210 : i32 to vector<16xi32>
        %select_n3A_213 = arith.select %le3A_208, %broadcast_in_dim3A_211, %broadcast_in_dim3A_212 : vector<16xi1>, vector<16xi32>
        %add3A_214 = arith.addi %add3A_201, %select_n3A_213 : vector<16xi32>
        %reshape3A_215 = vector.shape_cast %add3A_214 : vector<16xi32> to vector<16x1xi32>
        %gather3A_216 = vector.shape_cast %reshape3A_215 : vector<16x1xi32> to vector<16xi32>
        %gather3A_217 = tpu.dynamic_gather %get3A_26[%gather3A_216] in [0] : vector<16xf32>, vector<16xi32> -> vector<16xf32>
        %le3A_218 = arith.cmpf ole, %gather3A_217, %get3A_172 : vector<16xf32>
        %jit3A_219 = arith.constant 1 : i32
        %jit3A_220 = arith.constant 0 : i32
        %broadcast_in_dim3A_221 = vector.broadcast %jit3A_219 : i32 to vector<16xi32>
        %broadcast_in_dim3A_222 = vector.broadcast %jit3A_220 : i32 to vector<16xi32>
        %select_n3A_223 = arith.select %le3A_218, %broadcast_in_dim3A_221, %broadcast_in_dim3A_222 : vector<16xi1>, vector<16xi32>
        %add3A_224 = arith.addi %add3A_214, %select_n3A_223 : vector<16xi32>
        %le3A_225 = arith.cmpf ole, %gather3A_34, %get3A_172 : vector<16xf32>
        %jit3A_226 = arith.constant 8 : i32
        %jit3A_227 = arith.constant 0 : i32
        %broadcast_in_dim3A_228 = vector.broadcast %jit3A_226 : i32 to vector<16xi32>
        %broadcast_in_dim3A_229 = vector.broadcast %jit3A_227 : i32 to vector<16xi32>
        %select_n3A_230 = arith.select %le3A_225, %broadcast_in_dim3A_228, %broadcast_in_dim3A_229 : vector<16xi1>, vector<16xi32>
        %add3A_231 = arith.constant 3 : i32
        %add3A_232 = vector.broadcast %add3A_231 : i32 to vector<16xi32>
        %add3A_233 = arith.addi %select_n3A_230, %add3A_232 : vector<16xi32>
        %reshape3A_234 = vector.shape_cast %add3A_233 : vector<16xi32> to vector<16x1xi32>
        %gather3A_235 = vector.shape_cast %reshape3A_234 : vector<16x1xi32> to vector<16xi32>
        %gather3A_236 = tpu.dynamic_gather %get3A_28[%gather3A_235] in [0] : vector<16xf32>, vector<16xi32> -> vector<16xf32>
        %le3A_237 = arith.cmpf ole, %gather3A_236, %get3A_172 : vector<16xf32>
        %jit3A_238 = arith.constant 4 : i32
        %jit3A_239 = arith.constant 0 : i32
        %broadcast_in_dim3A_240 = vector.broadcast %jit3A_238 : i32 to vector<16xi32>
        %broadcast_in_dim3A_241 = vector.broadcast %jit3A_239 : i32 to vector<16xi32>
        %select_n3A_242 = arith.select %le3A_237, %broadcast_in_dim3A_240, %broadcast_in_dim3A_241 : vector<16xi1>, vector<16xi32>
        %add3A_243 = arith.addi %select_n3A_230, %select_n3A_242 : vector<16xi32>
        %add3A_244 = arith.constant 1 : i32
        %add3A_245 = vector.broadcast %add3A_244 : i32 to vector<16xi32>
        %add3A_246 = arith.addi %add3A_243, %add3A_245 : vector<16xi32>
        %reshape3A_247 = vector.shape_cast %add3A_246 : vector<16xi32> to vector<16x1xi32>
        %gather3A_248 = vector.shape_cast %reshape3A_247 : vector<16x1xi32> to vector<16xi32>
        %gather3A_249 = tpu.dynamic_gather %get3A_28[%gather3A_248] in [0] : vector<16xf32>, vector<16xi32> -> vector<16xf32>
        %le3A_250 = arith.cmpf ole, %gather3A_249, %get3A_172 : vector<16xf32>
        %jit3A_251 = arith.constant 2 : i32
        %jit3A_252 = arith.constant 0 : i32
        %broadcast_in_dim3A_253 = vector.broadcast %jit3A_251 : i32 to vector<16xi32>
        %broadcast_in_dim3A_254 = vector.broadcast %jit3A_252 : i32 to vector<16xi32>
        %select_n3A_255 = arith.select %le3A_250, %broadcast_in_dim3A_253, %broadcast_in_dim3A_254 : vector<16xi1>, vector<16xi32>
        %add3A_256 = arith.addi %add3A_243, %select_n3A_255 : vector<16xi32>
        %add3A_257 = arith.constant 0 : i32
        %add3A_258 = vector.broadcast %add3A_257 : i32 to vector<16xi32>
        %add3A_259 = arith.addi %add3A_256, %add3A_258 : vector<16xi32>
        %reshape3A_260 = vector.shape_cast %add3A_259 : vector<16xi32> to vector<16x1xi32>
        %gather3A_261 = vector.shape_cast %reshape3A_260 : vector<16x1xi32> to vector<16xi32>
        %gather3A_262 = tpu.dynamic_gather %get3A_28[%gather3A_261] in [0] : vector<16xf32>, vector<16xi32> -> vector<16xf32>
        %le3A_263 = arith.cmpf ole, %gather3A_262, %get3A_172 : vector<16xf32>
        %jit3A_264 = arith.constant 1 : i32
        %jit3A_265 = arith.constant 0 : i32
        %broadcast_in_dim3A_266 = vector.broadcast %jit3A_264 : i32 to vector<16xi32>
        %broadcast_in_dim3A_267 = vector.broadcast %jit3A_265 : i32 to vector<16xi32>
        %select_n3A_268 = arith.select %le3A_263, %broadcast_in_dim3A_266, %broadcast_in_dim3A_267 : vector<16xi1>, vector<16xi32>
        %add3A_269 = arith.addi %add3A_256, %select_n3A_268 : vector<16xi32>
        %reshape3A_270 = vector.shape_cast %add3A_269 : vector<16xi32> to vector<16x1xi32>
        %gather3A_271 = vector.shape_cast %reshape3A_270 : vector<16x1xi32> to vector<16xi32>
        %gather3A_272 = tpu.dynamic_gather %get3A_28[%gather3A_271] in [0] : vector<16xf32>, vector<16xi32> -> vector<16xf32>
        %le3A_273 = arith.cmpf ole, %gather3A_272, %get3A_172 : vector<16xf32>
        %jit3A_274 = arith.constant 1 : i32
        %jit3A_275 = arith.constant 0 : i32
        %broadcast_in_dim3A_276 = vector.broadcast %jit3A_274 : i32 to vector<16xi32>
        %broadcast_in_dim3A_277 = vector.broadcast %jit3A_275 : i32 to vector<16xi32>
        %select_n3A_278 = arith.select %le3A_273, %broadcast_in_dim3A_276, %broadcast_in_dim3A_277 : vector<16xi1>, vector<16xi32>
        %add3A_279 = arith.addi %add3A_269, %select_n3A_278 : vector<16xi32>
        %add3A_280 = arith.addi %add3A_224, %add3A_279 : vector<16xi32>
        %shift_left3A = arith.constant 4 : i32
        %shift_left3A_281 = vector.broadcast %shift_left3A : i32 to vector<16xi32>
        %shift_left3A_282 = arith.shli %add3A_280, %shift_left3A_281 : vector<16xi32>
        %and3A = arith.constant 7 : i32
        %and3A_283 = arith.andi %while3A_163, %and3A : i32
        %shift_left3A_284 = arith.constant 10 : i32
        %shift_left3A_285 = arith.shli %and3A_283, %shift_left3A_284 : i32
        %add3A_286 = vector.broadcast %shift_left3A_285 : i32 to vector<16xi32>
        %add3A_287 = arith.addi %add3A_286, %iota3A : vector<16xi32>
        %add3A_288 = arith.addi %shift_left3A_282, %add3A_287 : vector<16xi32>
        tpu.vector_store_idx %arg16[%add3A_288], %broadcast_in_dim3A_10 masked %lt3A_168 {add = true} : memref<8192xf32, #tpu.memory_space<vmem>>[vector<16xi32>], vector<16xf32>, vector<16xi1>
      }
      %while3A_86 = arith.constant 1 : i32
      scf.for %while3A_163 = %while3A_84 to %while3A_80 step %while3A_86  : i32 {
        %mul3A_164 = arith.constant 16 : i32
        %mul3A_165 = arith.muli %while3A_163, %mul3A_164 : i32
        %add3A_166 = vector.broadcast %mul3A_165 : i32 to vector<16xi32>
        %add3A_167 = arith.addi %add3A_166, %iota3A : vector<16xi32>
        %lt3A_168 = arith.cmpi slt, %add3A_167, %parallel_loop3A_66#1 : vector<16xi32>
        %mul3A_169 = arith.constant 16 : i32
        %mul3A_170 = arith.muli %while3A_163, %mul3A_169 : i32
        %get3A_171 = arith.index_cast %mul3A_170 : i32 to index
        %get3A_172 = tpu.vector_load %arg14[%get3A_171] {strides = array<i32>} : memref<13824xf32, #tpu.memory_space<vmem>>, vector<16xf32>,
        %le3A = arith.cmpf ole, %gather3A_31, %get3A_172 : vector<16xf32>
        %jit3A = arith.constant 8 : i32
        %jit3A_173 = arith.constant 0 : i32
        %broadcast_in_dim3A_174 = vector.broadcast %jit3A : i32 to vector<16xi32>
        %broadcast_in_dim3A_175 = vector.broadcast %jit3A_173 : i32 to vector<16xi32>
        %select_n3A = arith.select %le3A, %broadcast_in_dim3A_174, %broadcast_in_dim3A_175 : vector<16xi1>, vector<16xi32>
        %add3A_176 = arith.constant 3 : i32
        %add3A_177 = vector.broadcast %add3A_176 : i32 to vector<16xi32>
        %add3A_178 = arith.addi %select_n3A, %add3A_177 : vector<16xi32>
        %reshape3A_179 = vector.shape_cast %add3A_178 : vector<16xi32> to vector<16x1xi32>
        %gather3A_180 = vector.shape_cast %reshape3A_179 : vector<16x1xi32> to vector<16xi32>
        %gather3A_181 = tpu.dynamic_gather %get3A_26[%gather3A_180] in [0] : vector<16xf32>, vector<16xi32> -> vector<16xf32>
        %le3A_182 = arith.cmpf ole, %gather3A_181, %get3A_172 : vector<16xf32>
        %jit3A_183 = arith.constant 4 : i32
        %jit3A_184 = arith.constant 0 : i32
        %broadcast_in_dim3A_185 = vector.broadcast %jit3A_183 : i32 to vector<16xi32>
        %broadcast_in_dim3A_186 = vector.broadcast %jit3A_184 : i32 to vector<16xi32>
        %select_n3A_187 = arith.select %le3A_182, %broadcast_in_dim3A_185, %broadcast_in_dim3A_186 : vector<16xi1>, vector<16xi32>
        %add3A_188 = arith.addi %select_n3A, %select_n3A_187 : vector<16xi32>
        %add3A_189 = arith.constant 1 : i32
        %add3A_190 = vector.broadcast %add3A_189 : i32 to vector<16xi32>
        %add3A_191 = arith.addi %add3A_188, %add3A_190 : vector<16xi32>
        %reshape3A_192 = vector.shape_cast %add3A_191 : vector<16xi32> to vector<16x1xi32>
        %gather3A_193 = vector.shape_cast %reshape3A_192 : vector<16x1xi32> to vector<16xi32>
        %gather3A_194 = tpu.dynamic_gather %get3A_26[%gather3A_193] in [0] : vector<16xf32>, vector<16xi32> -> vector<16xf32>
        %le3A_195 = arith.cmpf ole, %gather3A_194, %get3A_172 : vector<16xf32>
        %jit3A_196 = arith.constant 2 : i32
        %jit3A_197 = arith.constant 0 : i32
        %broadcast_in_dim3A_198 = vector.broadcast %jit3A_196 : i32 to vector<16xi32>
        %broadcast_in_dim3A_199 = vector.broadcast %jit3A_197 : i32 to vector<16xi32>
        %select_n3A_200 = arith.select %le3A_195, %broadcast_in_dim3A_198, %broadcast_in_dim3A_199 : vector<16xi1>, vector<16xi32>
        %add3A_201 = arith.addi %add3A_188, %select_n3A_200 : vector<16xi32>
        %add3A_202 = arith.constant 0 : i32
        %add3A_203 = vector.broadcast %add3A_202 : i32 to vector<16xi32>
        %add3A_204 = arith.addi %add3A_201, %add3A_203 : vector<16xi32>
        %reshape3A_205 = vector.shape_cast %add3A_204 : vector<16xi32> to vector<16x1xi32>
        %gather3A_206 = vector.shape_cast %reshape3A_205 : vector<16x1xi32> to vector<16xi32>
        %gather3A_207 = tpu.dynamic_gather %get3A_26[%gather3A_206] in [0] : vector<16xf32>, vector<16xi32> -> vector<16xf32>
        %le3A_208 = arith.cmpf ole, %gather3A_207, %get3A_172 : vector<16xf32>
        %jit3A_209 = arith.constant 1 : i32
        %jit3A_210 = arith.constant 0 : i32
        %broadcast_in_dim3A_211 = vector.broadcast %jit3A_209 : i32 to vector<16xi32>
        %broadcast_in_dim3A_212 = vector.broadcast %jit3A_210 : i32 to vector<16xi32>
        %select_n3A_213 = arith.select %le3A_208, %broadcast_in_dim3A_211, %broadcast_in_dim3A_212 : vector<16xi1>, vector<16xi32>
        %add3A_214 = arith.addi %add3A_201, %select_n3A_213 : vector<16xi32>
        %reshape3A_215 = vector.shape_cast %add3A_214 : vector<16xi32> to vector<16x1xi32>
        %gather3A_216 = vector.shape_cast %reshape3A_215 : vector<16x1xi32> to vector<16xi32>
        %gather3A_217 = tpu.dynamic_gather %get3A_26[%gather3A_216] in [0] : vector<16xf32>, vector<16xi32> -> vector<16xf32>
        %le3A_218 = arith.cmpf ole, %gather3A_217, %get3A_172 : vector<16xf32>
        %jit3A_219 = arith.constant 1 : i32
        %jit3A_220 = arith.constant 0 : i32
        %broadcast_in_dim3A_221 = vector.broadcast %jit3A_219 : i32 to vector<16xi32>
        %broadcast_in_dim3A_222 = vector.broadcast %jit3A_220 : i32 to vector<16xi32>
        %select_n3A_223 = arith.select %le3A_218, %broadcast_in_dim3A_221, %broadcast_in_dim3A_222 : vector<16xi1>, vector<16xi32>
        %add3A_224 = arith.addi %add3A_214, %select_n3A_223 : vector<16xi32>
        %le3A_225 = arith.cmpf ole, %gather3A_34, %get3A_172 : vector<16xf32>
        %jit3A_226 = arith.constant 8 : i32
        %jit3A_227 = arith.constant 0 : i32
        %broadcast_in_dim3A_228 = vector.broadcast %jit3A_226 : i32 to vector<16xi32>
        %broadcast_in_dim3A_229 = vector.broadcast %jit3A_227 : i32 to vector<16xi32>
        %select_n3A_230 = arith.select %le3A_225, %broadcast_in_dim3A_228, %broadcast_in_dim3A_229 : vector<16xi1>, vector<16xi32>
        %add3A_231 = arith.constant 3 : i32
        %add3A_232 = vector.broadcast %add3A_231 : i32 to vector<16xi32>
        %add3A_233 = arith.addi %select_n3A_230, %add3A_232 : vector<16xi32>
        %reshape3A_234 = vector.shape_cast %add3A_233 : vector<16xi32> to vector<16x1xi32>
        %gather3A_235 = vector.shape_cast %reshape3A_234 : vector<16x1xi32> to vector<16xi32>
        %gather3A_236 = tpu.dynamic_gather %get3A_28[%gather3A_235] in [0] : vector<16xf32>, vector<16xi32> -> vector<16xf32>
        %le3A_237 = arith.cmpf ole, %gather3A_236, %get3A_172 : vector<16xf32>
        %jit3A_238 = arith.constant 4 : i32
        %jit3A_239 = arith.constant 0 : i32
        %broadcast_in_dim3A_240 = vector.broadcast %jit3A_238 : i32 to vector<16xi32>
        %broadcast_in_dim3A_241 = vector.broadcast %jit3A_239 : i32 to vector<16xi32>
        %select_n3A_242 = arith.select %le3A_237, %broadcast_in_dim3A_240, %broadcast_in_dim3A_241 : vector<16xi1>, vector<16xi32>
        %add3A_243 = arith.addi %select_n3A_230, %select_n3A_242 : vector<16xi32>
        %add3A_244 = arith.constant 1 : i32
        %add3A_245 = vector.broadcast %add3A_244 : i32 to vector<16xi32>
        %add3A_246 = arith.addi %add3A_243, %add3A_245 : vector<16xi32>
        %reshape3A_247 = vector.shape_cast %add3A_246 : vector<16xi32> to vector<16x1xi32>
        %gather3A_248 = vector.shape_cast %reshape3A_247 : vector<16x1xi32> to vector<16xi32>
        %gather3A_249 = tpu.dynamic_gather %get3A_28[%gather3A_248] in [0] : vector<16xf32>, vector<16xi32> -> vector<16xf32>
        %le3A_250 = arith.cmpf ole, %gather3A_249, %get3A_172 : vector<16xf32>
        %jit3A_251 = arith.constant 2 : i32
        %jit3A_252 = arith.constant 0 : i32
        %broadcast_in_dim3A_253 = vector.broadcast %jit3A_251 : i32 to vector<16xi32>
        %broadcast_in_dim3A_254 = vector.broadcast %jit3A_252 : i32 to vector<16xi32>
        %select_n3A_255 = arith.select %le3A_250, %broadcast_in_dim3A_253, %broadcast_in_dim3A_254 : vector<16xi1>, vector<16xi32>
        %add3A_256 = arith.addi %add3A_243, %select_n3A_255 : vector<16xi32>
        %add3A_257 = arith.constant 0 : i32
        %add3A_258 = vector.broadcast %add3A_257 : i32 to vector<16xi32>
        %add3A_259 = arith.addi %add3A_256, %add3A_258 : vector<16xi32>
        %reshape3A_260 = vector.shape_cast %add3A_259 : vector<16xi32> to vector<16x1xi32>
        %gather3A_261 = vector.shape_cast %reshape3A_260 : vector<16x1xi32> to vector<16xi32>
        %gather3A_262 = tpu.dynamic_gather %get3A_28[%gather3A_261] in [0] : vector<16xf32>, vector<16xi32> -> vector<16xf32>
        %le3A_263 = arith.cmpf ole, %gather3A_262, %get3A_172 : vector<16xf32>
        %jit3A_264 = arith.constant 1 : i32
        %jit3A_265 = arith.constant 0 : i32
        %broadcast_in_dim3A_266 = vector.broadcast %jit3A_264 : i32 to vector<16xi32>
        %broadcast_in_dim3A_267 = vector.broadcast %jit3A_265 : i32 to vector<16xi32>
        %select_n3A_268 = arith.select %le3A_263, %broadcast_in_dim3A_266, %broadcast_in_dim3A_267 : vector<16xi1>, vector<16xi32>
        %add3A_269 = arith.addi %add3A_256, %select_n3A_268 : vector<16xi32>
        %reshape3A_270 = vector.shape_cast %add3A_269 : vector<16xi32> to vector<16x1xi32>
        %gather3A_271 = vector.shape_cast %reshape3A_270 : vector<16x1xi32> to vector<16xi32>
        %gather3A_272 = tpu.dynamic_gather %get3A_28[%gather3A_271] in [0] : vector<16xf32>, vector<16xi32> -> vector<16xf32>
        %le3A_273 = arith.cmpf ole, %gather3A_272, %get3A_172 : vector<16xf32>
        %jit3A_274 = arith.constant 1 : i32
        %jit3A_275 = arith.constant 0 : i32
        %broadcast_in_dim3A_276 = vector.broadcast %jit3A_274 : i32 to vector<16xi32>
        %broadcast_in_dim3A_277 = vector.broadcast %jit3A_275 : i32 to vector<16xi32>
        %select_n3A_278 = arith.select %le3A_273, %broadcast_in_dim3A_276, %broadcast_in_dim3A_277 : vector<16xi1>, vector<16xi32>
        %add3A_279 = arith.addi %add3A_269, %select_n3A_278 : vector<16xi32>
        %add3A_280 = arith.addi %add3A_224, %add3A_279 : vector<16xi32>
        %shift_left3A = arith.constant 4 : i32
        %shift_left3A_281 = vector.broadcast %shift_left3A : i32 to vector<16xi32>
        %shift_left3A_282 = arith.shli %add3A_280, %shift_left3A_281 : vector<16xi32>
        %and3A = arith.constant 7 : i32
        %and3A_283 = arith.andi %while3A_163, %and3A : i32
        %shift_left3A_284 = arith.constant 10 : i32
        %shift_left3A_285 = arith.shli %and3A_283, %shift_left3A_284 : i32
        %add3A_286 = vector.broadcast %shift_left3A_285 : i32 to vector<16xi32>
        %add3A_287 = arith.addi %add3A_286, %iota3A : vector<16xi32>
        %add3A_288 = arith.addi %shift_left3A_282, %add3A_287 : vector<16xi32>
        tpu.vector_store_idx %arg16[%add3A_288], %broadcast_in_dim3A_10 masked %lt3A_168 {add = true} : memref<8192xf32, #tpu.memory_space<vmem>>[vector<16xi32>], vector<16xf32>, vector<16xi1>
      }
      %reduce_max3A_87 = arith.constant true
      %reduce_max3A_88 = vector.broadcast %reduce_max3A_87 : i1 to vector<16xi1>
      %reduce_max3A_89 = arith.constant -2147483648 : i32
      %reduce_max3A_90 = vector.broadcast %reduce_max3A_89 : i32 to vector<16xi32>
      %reduce_max3A_91 = arith.xori %parallel_loop3A_66#2, %reduce_max3A_90 : vector<16xi32>
      %reduce_max3A_92 = tpu.scan <max>, %reduce_max3A_91 masked %reduce_max3A_88 : vector<16xi32>, vector<16xi1> -> vector<16xi32>
      %reduce_max3A_93 = arith.xori %reduce_max3A_92, %reduce_max3A_90 : vector<16xi32>
      %reduce_max3A_94 = vector.extract %reduce_max3A_93[15] : i32 from vector<16xi32>
      %add3A_95 = arith.constant 15 : i32
      %add3A_96 = arith.addi %reduce_max3A_94, %add3A_95 : i32
      %div3A_97 = arith.constant 16 : i32
      %div3A_98 = arith.divsi %add3A_96, %div3A_97 : i32
      %while3A_99 = arith.constant 0 : i32
      %while3A_100 = arith.constant 0 : i32
      %while3A_101 = arith.subi %div3A_98, %while3A_100 : i32
      %while3A_102 = arith.addi %while3A_100, %while3A_101 : i32
      %while3A_103 = arith.constant 1 : i32
      %while3A_104 = arith.divsi %while3A_101, %while3A_103 : i32
      %while3A_105 = arith.muli %while3A_104, %while3A_103 : i32
      %while3A_106 = arith.addi %while3A_100, %while3A_105 : i32
      %while3A_107 = arith.constant 1 : i32
      scf.for %while3A_163 = %while3A_100 to %while3A_106 step %while3A_107  : i32 {
        %mul3A_164 = arith.constant 16 : i32
        %mul3A_165 = arith.muli %while3A_163, %mul3A_164 : i32
        %add3A_166 = vector.broadcast %mul3A_165 : i32 to vector<16xi32>
        %add3A_167 = arith.addi %add3A_166, %iota3A : vector<16xi32>
        %lt3A_168 = arith.cmpi slt, %add3A_167, %parallel_loop3A_66#2 : vector<16xi32>
        %mul3A_169 = arith.constant 16 : i32
        %mul3A_170 = arith.muli %while3A_163, %mul3A_169 : i32
        %get3A_171 = arith.index_cast %mul3A_170 : i32 to index
        %get3A_172 = tpu.vector_load %arg15[%get3A_171] {strides = array<i32>} : memref<13824xf32, #tpu.memory_space<vmem>>, vector<16xf32>,
        %le3A = arith.cmpf ole, %gather3A_31, %get3A_172 : vector<16xf32>
        %jit3A = arith.constant 8 : i32
        %jit3A_173 = arith.constant 0 : i32
        %broadcast_in_dim3A_174 = vector.broadcast %jit3A : i32 to vector<16xi32>
        %broadcast_in_dim3A_175 = vector.broadcast %jit3A_173 : i32 to vector<16xi32>
        %select_n3A = arith.select %le3A, %broadcast_in_dim3A_174, %broadcast_in_dim3A_175 : vector<16xi1>, vector<16xi32>
        %add3A_176 = arith.constant 3 : i32
        %add3A_177 = vector.broadcast %add3A_176 : i32 to vector<16xi32>
        %add3A_178 = arith.addi %select_n3A, %add3A_177 : vector<16xi32>
        %reshape3A_179 = vector.shape_cast %add3A_178 : vector<16xi32> to vector<16x1xi32>
        %gather3A_180 = vector.shape_cast %reshape3A_179 : vector<16x1xi32> to vector<16xi32>
        %gather3A_181 = tpu.dynamic_gather %get3A_26[%gather3A_180] in [0] : vector<16xf32>, vector<16xi32> -> vector<16xf32>
        %le3A_182 = arith.cmpf ole, %gather3A_181, %get3A_172 : vector<16xf32>
        %jit3A_183 = arith.constant 4 : i32
        %jit3A_184 = arith.constant 0 : i32
        %broadcast_in_dim3A_185 = vector.broadcast %jit3A_183 : i32 to vector<16xi32>
        %broadcast_in_dim3A_186 = vector.broadcast %jit3A_184 : i32 to vector<16xi32>
        %select_n3A_187 = arith.select %le3A_182, %broadcast_in_dim3A_185, %broadcast_in_dim3A_186 : vector<16xi1>, vector<16xi32>
        %add3A_188 = arith.addi %select_n3A, %select_n3A_187 : vector<16xi32>
        %add3A_189 = arith.constant 1 : i32
        %add3A_190 = vector.broadcast %add3A_189 : i32 to vector<16xi32>
        %add3A_191 = arith.addi %add3A_188, %add3A_190 : vector<16xi32>
        %reshape3A_192 = vector.shape_cast %add3A_191 : vector<16xi32> to vector<16x1xi32>
        %gather3A_193 = vector.shape_cast %reshape3A_192 : vector<16x1xi32> to vector<16xi32>
        %gather3A_194 = tpu.dynamic_gather %get3A_26[%gather3A_193] in [0] : vector<16xf32>, vector<16xi32> -> vector<16xf32>
        %le3A_195 = arith.cmpf ole, %gather3A_194, %get3A_172 : vector<16xf32>
        %jit3A_196 = arith.constant 2 : i32
        %jit3A_197 = arith.constant 0 : i32
        %broadcast_in_dim3A_198 = vector.broadcast %jit3A_196 : i32 to vector<16xi32>
        %broadcast_in_dim3A_199 = vector.broadcast %jit3A_197 : i32 to vector<16xi32>
        %select_n3A_200 = arith.select %le3A_195, %broadcast_in_dim3A_198, %broadcast_in_dim3A_199 : vector<16xi1>, vector<16xi32>
        %add3A_201 = arith.addi %add3A_188, %select_n3A_200 : vector<16xi32>
        %add3A_202 = arith.constant 0 : i32
        %add3A_203 = vector.broadcast %add3A_202 : i32 to vector<16xi32>
        %add3A_204 = arith.addi %add3A_201, %add3A_203 : vector<16xi32>
        %reshape3A_205 = vector.shape_cast %add3A_204 : vector<16xi32> to vector<16x1xi32>
        %gather3A_206 = vector.shape_cast %reshape3A_205 : vector<16x1xi32> to vector<16xi32>
        %gather3A_207 = tpu.dynamic_gather %get3A_26[%gather3A_206] in [0] : vector<16xf32>, vector<16xi32> -> vector<16xf32>
        %le3A_208 = arith.cmpf ole, %gather3A_207, %get3A_172 : vector<16xf32>
        %jit3A_209 = arith.constant 1 : i32
        %jit3A_210 = arith.constant 0 : i32
        %broadcast_in_dim3A_211 = vector.broadcast %jit3A_209 : i32 to vector<16xi32>
        %broadcast_in_dim3A_212 = vector.broadcast %jit3A_210 : i32 to vector<16xi32>
        %select_n3A_213 = arith.select %le3A_208, %broadcast_in_dim3A_211, %broadcast_in_dim3A_212 : vector<16xi1>, vector<16xi32>
        %add3A_214 = arith.addi %add3A_201, %select_n3A_213 : vector<16xi32>
        %reshape3A_215 = vector.shape_cast %add3A_214 : vector<16xi32> to vector<16x1xi32>
        %gather3A_216 = vector.shape_cast %reshape3A_215 : vector<16x1xi32> to vector<16xi32>
        %gather3A_217 = tpu.dynamic_gather %get3A_26[%gather3A_216] in [0] : vector<16xf32>, vector<16xi32> -> vector<16xf32>
        %le3A_218 = arith.cmpf ole, %gather3A_217, %get3A_172 : vector<16xf32>
        %jit3A_219 = arith.constant 1 : i32
        %jit3A_220 = arith.constant 0 : i32
        %broadcast_in_dim3A_221 = vector.broadcast %jit3A_219 : i32 to vector<16xi32>
        %broadcast_in_dim3A_222 = vector.broadcast %jit3A_220 : i32 to vector<16xi32>
        %select_n3A_223 = arith.select %le3A_218, %broadcast_in_dim3A_221, %broadcast_in_dim3A_222 : vector<16xi1>, vector<16xi32>
        %add3A_224 = arith.addi %add3A_214, %select_n3A_223 : vector<16xi32>
        %le3A_225 = arith.cmpf ole, %gather3A_34, %get3A_172 : vector<16xf32>
        %jit3A_226 = arith.constant 8 : i32
        %jit3A_227 = arith.constant 0 : i32
        %broadcast_in_dim3A_228 = vector.broadcast %jit3A_226 : i32 to vector<16xi32>
        %broadcast_in_dim3A_229 = vector.broadcast %jit3A_227 : i32 to vector<16xi32>
        %select_n3A_230 = arith.select %le3A_225, %broadcast_in_dim3A_228, %broadcast_in_dim3A_229 : vector<16xi1>, vector<16xi32>
        %add3A_231 = arith.constant 3 : i32
        %add3A_232 = vector.broadcast %add3A_231 : i32 to vector<16xi32>
        %add3A_233 = arith.addi %select_n3A_230, %add3A_232 : vector<16xi32>
        %reshape3A_234 = vector.shape_cast %add3A_233 : vector<16xi32> to vector<16x1xi32>
        %gather3A_235 = vector.shape_cast %reshape3A_234 : vector<16x1xi32> to vector<16xi32>
        %gather3A_236 = tpu.dynamic_gather %get3A_28[%gather3A_235] in [0] : vector<16xf32>, vector<16xi32> -> vector<16xf32>
        %le3A_237 = arith.cmpf ole, %gather3A_236, %get3A_172 : vector<16xf32>
        %jit3A_238 = arith.constant 4 : i32
        %jit3A_239 = arith.constant 0 : i32
        %broadcast_in_dim3A_240 = vector.broadcast %jit3A_238 : i32 to vector<16xi32>
        %broadcast_in_dim3A_241 = vector.broadcast %jit3A_239 : i32 to vector<16xi32>
        %select_n3A_242 = arith.select %le3A_237, %broadcast_in_dim3A_240, %broadcast_in_dim3A_241 : vector<16xi1>, vector<16xi32>
        %add3A_243 = arith.addi %select_n3A_230, %select_n3A_242 : vector<16xi32>
        %add3A_244 = arith.constant 1 : i32
        %add3A_245 = vector.broadcast %add3A_244 : i32 to vector<16xi32>
        %add3A_246 = arith.addi %add3A_243, %add3A_245 : vector<16xi32>
        %reshape3A_247 = vector.shape_cast %add3A_246 : vector<16xi32> to vector<16x1xi32>
        %gather3A_248 = vector.shape_cast %reshape3A_247 : vector<16x1xi32> to vector<16xi32>
        %gather3A_249 = tpu.dynamic_gather %get3A_28[%gather3A_248] in [0] : vector<16xf32>, vector<16xi32> -> vector<16xf32>
        %le3A_250 = arith.cmpf ole, %gather3A_249, %get3A_172 : vector<16xf32>
        %jit3A_251 = arith.constant 2 : i32
        %jit3A_252 = arith.constant 0 : i32
        %broadcast_in_dim3A_253 = vector.broadcast %jit3A_251 : i32 to vector<16xi32>
        %broadcast_in_dim3A_254 = vector.broadcast %jit3A_252 : i32 to vector<16xi32>
        %select_n3A_255 = arith.select %le3A_250, %broadcast_in_dim3A_253, %broadcast_in_dim3A_254 : vector<16xi1>, vector<16xi32>
        %add3A_256 = arith.addi %add3A_243, %select_n3A_255 : vector<16xi32>
        %add3A_257 = arith.constant 0 : i32
        %add3A_258 = vector.broadcast %add3A_257 : i32 to vector<16xi32>
        %add3A_259 = arith.addi %add3A_256, %add3A_258 : vector<16xi32>
        %reshape3A_260 = vector.shape_cast %add3A_259 : vector<16xi32> to vector<16x1xi32>
        %gather3A_261 = vector.shape_cast %reshape3A_260 : vector<16x1xi32> to vector<16xi32>
        %gather3A_262 = tpu.dynamic_gather %get3A_28[%gather3A_261] in [0] : vector<16xf32>, vector<16xi32> -> vector<16xf32>
        %le3A_263 = arith.cmpf ole, %gather3A_262, %get3A_172 : vector<16xf32>
        %jit3A_264 = arith.constant 1 : i32
        %jit3A_265 = arith.constant 0 : i32
        %broadcast_in_dim3A_266 = vector.broadcast %jit3A_264 : i32 to vector<16xi32>
        %broadcast_in_dim3A_267 = vector.broadcast %jit3A_265 : i32 to vector<16xi32>
        %select_n3A_268 = arith.select %le3A_263, %broadcast_in_dim3A_266, %broadcast_in_dim3A_267 : vector<16xi1>, vector<16xi32>
        %add3A_269 = arith.addi %add3A_256, %select_n3A_268 : vector<16xi32>
        %reshape3A_270 = vector.shape_cast %add3A_269 : vector<16xi32> to vector<16x1xi32>
        %gather3A_271 = vector.shape_cast %reshape3A_270 : vector<16x1xi32> to vector<16xi32>
        %gather3A_272 = tpu.dynamic_gather %get3A_28[%gather3A_271] in [0] : vector<16xf32>, vector<16xi32> -> vector<16xf32>
        %le3A_273 = arith.cmpf ole, %gather3A_272, %get3A_172 : vector<16xf32>
        %jit3A_274 = arith.constant 1 : i32
        %jit3A_275 = arith.constant 0 : i32
        %broadcast_in_dim3A_276 = vector.broadcast %jit3A_274 : i32 to vector<16xi32>
        %broadcast_in_dim3A_277 = vector.broadcast %jit3A_275 : i32 to vector<16xi32>
        %select_n3A_278 = arith.select %le3A_273, %broadcast_in_dim3A_276, %broadcast_in_dim3A_277 : vector<16xi1>, vector<16xi32>
        %add3A_279 = arith.addi %add3A_269, %select_n3A_278 : vector<16xi32>
        %add3A_280 = arith.addi %add3A_224, %add3A_279 : vector<16xi32>
        %shift_left3A = arith.constant 4 : i32
        %shift_left3A_281 = vector.broadcast %shift_left3A : i32 to vector<16xi32>
        %shift_left3A_282 = arith.shli %add3A_280, %shift_left3A_281 : vector<16xi32>
        %and3A = arith.constant 7 : i32
        %and3A_283 = arith.andi %while3A_163, %and3A : i32
        %shift_left3A_284 = arith.constant 10 : i32
        %shift_left3A_285 = arith.shli %and3A_283, %shift_left3A_284 : i32
        %add3A_286 = vector.broadcast %shift_left3A_285 : i32 to vector<16xi32>
        %add3A_287 = arith.addi %add3A_286, %iota3A : vector<16xi32>
        %add3A_288 = arith.addi %shift_left3A_282, %add3A_287 : vector<16xi32>
        tpu.vector_store_idx %arg17[%add3A_288], %broadcast_in_dim3A_10 masked %lt3A_168 {add = true} : memref<8192xf32, #tpu.memory_space<vmem>>[vector<16xi32>], vector<16xf32>, vector<16xi1>
      }
      %while3A_108 = arith.constant 1 : i32
      scf.for %while3A_163 = %while3A_106 to %while3A_102 step %while3A_108  : i32 {
        %mul3A_164 = arith.constant 16 : i32
        %mul3A_165 = arith.muli %while3A_163, %mul3A_164 : i32
        %add3A_166 = vector.broadcast %mul3A_165 : i32 to vector<16xi32>
        %add3A_167 = arith.addi %add3A_166, %iota3A : vector<16xi32>
        %lt3A_168 = arith.cmpi slt, %add3A_167, %parallel_loop3A_66#2 : vector<16xi32>
        %mul3A_169 = arith.constant 16 : i32
        %mul3A_170 = arith.muli %while3A_163, %mul3A_169 : i32
        %get3A_171 = arith.index_cast %mul3A_170 : i32 to index
        %get3A_172 = tpu.vector_load %arg15[%get3A_171] {strides = array<i32>} : memref<13824xf32, #tpu.memory_space<vmem>>, vector<16xf32>,
        %le3A = arith.cmpf ole, %gather3A_31, %get3A_172 : vector<16xf32>
        %jit3A = arith.constant 8 : i32
        %jit3A_173 = arith.constant 0 : i32
        %broadcast_in_dim3A_174 = vector.broadcast %jit3A : i32 to vector<16xi32>
        %broadcast_in_dim3A_175 = vector.broadcast %jit3A_173 : i32 to vector<16xi32>
        %select_n3A = arith.select %le3A, %broadcast_in_dim3A_174, %broadcast_in_dim3A_175 : vector<16xi1>, vector<16xi32>
        %add3A_176 = arith.constant 3 : i32
        %add3A_177 = vector.broadcast %add3A_176 : i32 to vector<16xi32>
        %add3A_178 = arith.addi %select_n3A, %add3A_177 : vector<16xi32>
        %reshape3A_179 = vector.shape_cast %add3A_178 : vector<16xi32> to vector<16x1xi32>
        %gather3A_180 = vector.shape_cast %reshape3A_179 : vector<16x1xi32> to vector<16xi32>
        %gather3A_181 = tpu.dynamic_gather %get3A_26[%gather3A_180] in [0] : vector<16xf32>, vector<16xi32> -> vector<16xf32>
        %le3A_182 = arith.cmpf ole, %gather3A_181, %get3A_172 : vector<16xf32>
        %jit3A_183 = arith.constant 4 : i32
        %jit3A_184 = arith.constant 0 : i32
        %broadcast_in_dim3A_185 = vector.broadcast %jit3A_183 : i32 to vector<16xi32>
        %broadcast_in_dim3A_186 = vector.broadcast %jit3A_184 : i32 to vector<16xi32>
        %select_n3A_187 = arith.select %le3A_182, %broadcast_in_dim3A_185, %broadcast_in_dim3A_186 : vector<16xi1>, vector<16xi32>
        %add3A_188 = arith.addi %select_n3A, %select_n3A_187 : vector<16xi32>
        %add3A_189 = arith.constant 1 : i32
        %add3A_190 = vector.broadcast %add3A_189 : i32 to vector<16xi32>
        %add3A_191 = arith.addi %add3A_188, %add3A_190 : vector<16xi32>
        %reshape3A_192 = vector.shape_cast %add3A_191 : vector<16xi32> to vector<16x1xi32>
        %gather3A_193 = vector.shape_cast %reshape3A_192 : vector<16x1xi32> to vector<16xi32>
        %gather3A_194 = tpu.dynamic_gather %get3A_26[%gather3A_193] in [0] : vector<16xf32>, vector<16xi32> -> vector<16xf32>
        %le3A_195 = arith.cmpf ole, %gather3A_194, %get3A_172 : vector<16xf32>
        %jit3A_196 = arith.constant 2 : i32
        %jit3A_197 = arith.constant 0 : i32
        %broadcast_in_dim3A_198 = vector.broadcast %jit3A_196 : i32 to vector<16xi32>
        %broadcast_in_dim3A_199 = vector.broadcast %jit3A_197 : i32 to vector<16xi32>
        %select_n3A_200 = arith.select %le3A_195, %broadcast_in_dim3A_198, %broadcast_in_dim3A_199 : vector<16xi1>, vector<16xi32>
        %add3A_201 = arith.addi %add3A_188, %select_n3A_200 : vector<16xi32>
        %add3A_202 = arith.constant 0 : i32
        %add3A_203 = vector.broadcast %add3A_202 : i32 to vector<16xi32>
        %add3A_204 = arith.addi %add3A_201, %add3A_203 : vector<16xi32>
        %reshape3A_205 = vector.shape_cast %add3A_204 : vector<16xi32> to vector<16x1xi32>
        %gather3A_206 = vector.shape_cast %reshape3A_205 : vector<16x1xi32> to vector<16xi32>
        %gather3A_207 = tpu.dynamic_gather %get3A_26[%gather3A_206] in [0] : vector<16xf32>, vector<16xi32> -> vector<16xf32>
        %le3A_208 = arith.cmpf ole, %gather3A_207, %get3A_172 : vector<16xf32>
        %jit3A_209 = arith.constant 1 : i32
        %jit3A_210 = arith.constant 0 : i32
        %broadcast_in_dim3A_211 = vector.broadcast %jit3A_209 : i32 to vector<16xi32>
        %broadcast_in_dim3A_212 = vector.broadcast %jit3A_210 : i32 to vector<16xi32>
        %select_n3A_213 = arith.select %le3A_208, %broadcast_in_dim3A_211, %broadcast_in_dim3A_212 : vector<16xi1>, vector<16xi32>
        %add3A_214 = arith.addi %add3A_201, %select_n3A_213 : vector<16xi32>
        %reshape3A_215 = vector.shape_cast %add3A_214 : vector<16xi32> to vector<16x1xi32>
        %gather3A_216 = vector.shape_cast %reshape3A_215 : vector<16x1xi32> to vector<16xi32>
        %gather3A_217 = tpu.dynamic_gather %get3A_26[%gather3A_216] in [0] : vector<16xf32>, vector<16xi32> -> vector<16xf32>
        %le3A_218 = arith.cmpf ole, %gather3A_217, %get3A_172 : vector<16xf32>
        %jit3A_219 = arith.constant 1 : i32
        %jit3A_220 = arith.constant 0 : i32
        %broadcast_in_dim3A_221 = vector.broadcast %jit3A_219 : i32 to vector<16xi32>
        %broadcast_in_dim3A_222 = vector.broadcast %jit3A_220 : i32 to vector<16xi32>
        %select_n3A_223 = arith.select %le3A_218, %broadcast_in_dim3A_221, %broadcast_in_dim3A_222 : vector<16xi1>, vector<16xi32>
        %add3A_224 = arith.addi %add3A_214, %select_n3A_223 : vector<16xi32>
        %le3A_225 = arith.cmpf ole, %gather3A_34, %get3A_172 : vector<16xf32>
        %jit3A_226 = arith.constant 8 : i32
        %jit3A_227 = arith.constant 0 : i32
        %broadcast_in_dim3A_228 = vector.broadcast %jit3A_226 : i32 to vector<16xi32>
        %broadcast_in_dim3A_229 = vector.broadcast %jit3A_227 : i32 to vector<16xi32>
        %select_n3A_230 = arith.select %le3A_225, %broadcast_in_dim3A_228, %broadcast_in_dim3A_229 : vector<16xi1>, vector<16xi32>
        %add3A_231 = arith.constant 3 : i32
        %add3A_232 = vector.broadcast %add3A_231 : i32 to vector<16xi32>
        %add3A_233 = arith.addi %select_n3A_230, %add3A_232 : vector<16xi32>
        %reshape3A_234 = vector.shape_cast %add3A_233 : vector<16xi32> to vector<16x1xi32>
        %gather3A_235 = vector.shape_cast %reshape3A_234 : vector<16x1xi32> to vector<16xi32>
        %gather3A_236 = tpu.dynamic_gather %get3A_28[%gather3A_235] in [0] : vector<16xf32>, vector<16xi32> -> vector<16xf32>
        %le3A_237 = arith.cmpf ole, %gather3A_236, %get3A_172 : vector<16xf32>
        %jit3A_238 = arith.constant 4 : i32
        %jit3A_239 = arith.constant 0 : i32
        %broadcast_in_dim3A_240 = vector.broadcast %jit3A_238 : i32 to vector<16xi32>
        %broadcast_in_dim3A_241 = vector.broadcast %jit3A_239 : i32 to vector<16xi32>
        %select_n3A_242 = arith.select %le3A_237, %broadcast_in_dim3A_240, %broadcast_in_dim3A_241 : vector<16xi1>, vector<16xi32>
        %add3A_243 = arith.addi %select_n3A_230, %select_n3A_242 : vector<16xi32>
        %add3A_244 = arith.constant 1 : i32
        %add3A_245 = vector.broadcast %add3A_244 : i32 to vector<16xi32>
        %add3A_246 = arith.addi %add3A_243, %add3A_245 : vector<16xi32>
        %reshape3A_247 = vector.shape_cast %add3A_246 : vector<16xi32> to vector<16x1xi32>
        %gather3A_248 = vector.shape_cast %reshape3A_247 : vector<16x1xi32> to vector<16xi32>
        %gather3A_249 = tpu.dynamic_gather %get3A_28[%gather3A_248] in [0] : vector<16xf32>, vector<16xi32> -> vector<16xf32>
        %le3A_250 = arith.cmpf ole, %gather3A_249, %get3A_172 : vector<16xf32>
        %jit3A_251 = arith.constant 2 : i32
        %jit3A_252 = arith.constant 0 : i32
        %broadcast_in_dim3A_253 = vector.broadcast %jit3A_251 : i32 to vector<16xi32>
        %broadcast_in_dim3A_254 = vector.broadcast %jit3A_252 : i32 to vector<16xi32>
        %select_n3A_255 = arith.select %le3A_250, %broadcast_in_dim3A_253, %broadcast_in_dim3A_254 : vector<16xi1>, vector<16xi32>
        %add3A_256 = arith.addi %add3A_243, %select_n3A_255 : vector<16xi32>
        %add3A_257 = arith.constant 0 : i32
        %add3A_258 = vector.broadcast %add3A_257 : i32 to vector<16xi32>
        %add3A_259 = arith.addi %add3A_256, %add3A_258 : vector<16xi32>
        %reshape3A_260 = vector.shape_cast %add3A_259 : vector<16xi32> to vector<16x1xi32>
        %gather3A_261 = vector.shape_cast %reshape3A_260 : vector<16x1xi32> to vector<16xi32>
        %gather3A_262 = tpu.dynamic_gather %get3A_28[%gather3A_261] in [0] : vector<16xf32>, vector<16xi32> -> vector<16xf32>
        %le3A_263 = arith.cmpf ole, %gather3A_262, %get3A_172 : vector<16xf32>
        %jit3A_264 = arith.constant 1 : i32
        %jit3A_265 = arith.constant 0 : i32
        %broadcast_in_dim3A_266 = vector.broadcast %jit3A_264 : i32 to vector<16xi32>
        %broadcast_in_dim3A_267 = vector.broadcast %jit3A_265 : i32 to vector<16xi32>
        %select_n3A_268 = arith.select %le3A_263, %broadcast_in_dim3A_266, %broadcast_in_dim3A_267 : vector<16xi1>, vector<16xi32>
        %add3A_269 = arith.addi %add3A_256, %select_n3A_268 : vector<16xi32>
        %reshape3A_270 = vector.shape_cast %add3A_269 : vector<16xi32> to vector<16x1xi32>
        %gather3A_271 = vector.shape_cast %reshape3A_270 : vector<16x1xi32> to vector<16xi32>
        %gather3A_272 = tpu.dynamic_gather %get3A_28[%gather3A_271] in [0] : vector<16xf32>, vector<16xi32> -> vector<16xf32>
        %le3A_273 = arith.cmpf ole, %gather3A_272, %get3A_172 : vector<16xf32>
        %jit3A_274 = arith.constant 1 : i32
        %jit3A_275 = arith.constant 0 : i32
        %broadcast_in_dim3A_276 = vector.broadcast %jit3A_274 : i32 to vector<16xi32>
        %broadcast_in_dim3A_277 = vector.broadcast %jit3A_275 : i32 to vector<16xi32>
        %select_n3A_278 = arith.select %le3A_273, %broadcast_in_dim3A_276, %broadcast_in_dim3A_277 : vector<16xi1>, vector<16xi32>
        %add3A_279 = arith.addi %add3A_269, %select_n3A_278 : vector<16xi32>
        %add3A_280 = arith.addi %add3A_224, %add3A_279 : vector<16xi32>
        %shift_left3A = arith.constant 4 : i32
        %shift_left3A_281 = vector.broadcast %shift_left3A : i32 to vector<16xi32>
        %shift_left3A_282 = arith.shli %add3A_280, %shift_left3A_281 : vector<16xi32>
        %and3A = arith.constant 7 : i32
        %and3A_283 = arith.andi %while3A_163, %and3A : i32
        %shift_left3A_284 = arith.constant 10 : i32
        %shift_left3A_285 = arith.shli %and3A_283, %shift_left3A_284 : i32
        %add3A_286 = vector.broadcast %shift_left3A_285 : i32 to vector<16xi32>
        %add3A_287 = arith.addi %add3A_286, %iota3A : vector<16xi32>
        %add3A_288 = arith.addi %shift_left3A_282, %add3A_287 : vector<16xi32>
        tpu.vector_store_idx %arg17[%add3A_288], %broadcast_in_dim3A_10 masked %lt3A_168 {add = true} : memref<8192xf32, #tpu.memory_space<vmem>>[vector<16xi32>], vector<16xf32>, vector<16xi1>
      }
      %lt3A = arith.constant 5 : i32
      %lt3A_109 = arith.cmpi slt, %scan3A_50, %lt3A : i32
      %convert_element_type3A = arith.extui %lt3A_109 : i1 to i32
      %cond3A = arith.constant 0 : i32
      %cond3A_110 = arith.cmpi ne, %convert_element_type3A, %cond3A : i32
      scf.if %cond3A_110 {
        %add3A_163 = arith.constant 1 : i32
        %add3A_164 = arith.addi %scan3A_50, %add3A_163 : i32
        %mul3A_165 = arith.constant 27648 : i32
        %mul3A_166 = arith.muli %add3A_164, %mul3A_165 : i32
        %add3A_167 = arith.addi %add3A_9, %mul3A_166 : i32
        %dma_start3A_168 = tpu.memref_slice %arg2[%add3A_167] : memref<14155776xf32, #tpu.memory_space<hbm>> -> memref<13824xf32, #tpu.memory_space<hbm>>
        %dma_start3A_169 = tpu.memref_slice %arg2[%add3A_167] : memref<14155776xf32, #tpu.memory_space<hbm>> -> memref<13824xf32, #tpu.memory_space<hbm>>
        tpu.enqueue_dma source(%dma_start3A_169 : memref<13824xf32, #tpu.memory_space<hbm>>) target(%arg10 : memref<13824xf32, #tpu.memory_space<vmem>>) target_semaphore(%arg19 : memref<!tpu.dma_semaphore, #tpu.memory_space<semaphore_mem>>)
        %mul3A_170 = arith.constant 27648 : i32
        %mul3A_171 = arith.muli %add3A_164, %mul3A_170 : i32
        %add3A_172 = arith.addi %add3A_9, %mul3A_171 : i32
        %dma_start3A_173 = tpu.memref_slice %arg3[%add3A_172] : memref<14155776xf32, #tpu.memory_space<hbm>> -> memref<13824xf32, #tpu.memory_space<hbm>>
        %dma_start3A_174 = tpu.memref_slice %arg3[%add3A_172] : memref<14155776xf32, #tpu.memory_space<hbm>> -> memref<13824xf32, #tpu.memory_space<hbm>>
        tpu.enqueue_dma source(%dma_start3A_174 : memref<13824xf32, #tpu.memory_space<hbm>>) target(%arg12 : memref<13824xf32, #tpu.memory_space<vmem>>) target_semaphore(%arg21 : memref<!tpu.dma_semaphore, #tpu.memory_space<semaphore_mem>>)
      } else {
      }
      %dma_wait3A_111 = tpu.memref_slice %arg2[%add3A_56] : memref<14155776xf32, #tpu.memory_space<hbm>> -> memref<13824xf32, #tpu.memory_space<hbm>>
      %dma_wait3A_112 = tpu.memref_slice %arg2[%add3A_56] : memref<14155776xf32, #tpu.memory_space<hbm>> -> memref<13824xf32, #tpu.memory_space<hbm>>
      tpu.wait_dma2 semaphore(%arg20 : memref<!tpu.dma_semaphore, #tpu.memory_space<semaphore_mem>>) src(%dma_wait3A_112 : memref<13824xf32, #tpu.memory_space<hbm>>) dst(%arg11 : memref<13824xf32, #tpu.memory_space<vmem>>)
      %dma_wait3A_113 = tpu.memref_slice %arg3[%add3A_56] : memref<14155776xf32, #tpu.memory_space<hbm>> -> memref<13824xf32, #tpu.memory_space<hbm>>
      %dma_wait3A_114 = tpu.memref_slice %arg3[%add3A_56] : memref<14155776xf32, #tpu.memory_space<hbm>> -> memref<13824xf32, #tpu.memory_space<hbm>>
      tpu.wait_dma2 semaphore(%arg22 : memref<!tpu.dma_semaphore, #tpu.memory_space<semaphore_mem>>) src(%dma_wait3A_114 : memref<13824xf32, #tpu.memory_space<hbm>>) dst(%arg13 : memref<13824xf32, #tpu.memory_space<vmem>>)
      %parallel_loop3A_115 = arith.constant 0 : i32
      %parallel_loop3A_116 = arith.constant 13824 : i32
      %parallel_loop3A_117 = arith.constant 16 : i32
      %parallel_loop3A_118:3 = scf.for %parallel_loop3A_163 = %parallel_loop3A_115 to %parallel_loop3A_116 step %parallel_loop3A_117 iter_args(%parallel_loop3A_164 = %parallel_loop3A_66#0, %parallel_loop3A_165 = %broadcast_in_dim3A_14, %parallel_loop3A_166 = %broadcast_in_dim3A_14) -> (vector<16xf32>, vector<16xi32>, vector<16xi32>)  : i32 {
        %parallel_loop3A_167 = arith.constant 112 : i32
        %parallel_loop3A_168 = arith.andi %parallel_loop3A_163, %parallel_loop3A_167 : i32
        %parallel_loop3A_169 = arith.constant 6 : i32
        %parallel_loop3A_170 = arith.shli %parallel_loop3A_168, %parallel_loop3A_169 : i32
        %parallel_loop3A_171 = vector.broadcast %parallel_loop3A_170 : i32 to vector<16xi32>
        %parallel_loop3A_172 = arith.addi %parallel_loop3A_171, %iota3A : vector<16xi32>
        %parallel_loop3A_173 = arith.index_cast %parallel_loop3A_163 : i32 to index
        %parallel_loop3A_174 = tpu.vector_load %arg11[%parallel_loop3A_173] {strides = array<i32>} : memref<13824xf32, #tpu.memory_space<vmem>>, vector<16xf32>,
        %parallel_loop3A_175 = arith.index_cast %parallel_loop3A_163 : i32 to index
        %parallel_loop3A_176 = tpu.vector_load %arg13[%parallel_loop3A_175] {strides = array<i32>} : memref<13824xf32, #tpu.memory_space<vmem>>, vector<16xf32>,
        %parallel_loop3A_177 = arith.subf %parallel_loop3A_174, %parallel_loop3A_176 : vector<16xf32>
        %parallel_loop3A_178 = math.absf %parallel_loop3A_177 : vector<16xf32>
        %parallel_loop3A_179 = arith.constant 1.000000e+00 : f32
        %parallel_loop3A_180 = vector.broadcast %parallel_loop3A_179 : f32 to vector<16xf32>
        %parallel_loop3A_181 = arith.cmpf olt, %parallel_loop3A_178, %parallel_loop3A_180 : vector<16xf32>
        %parallel_loop3A_182 = arith.constant 5.000000e-01 : f32
        %parallel_loop3A_183 = vector.broadcast %parallel_loop3A_182 : f32 to vector<16xf32>
        %parallel_loop3A_184 = arith.mulf %parallel_loop3A_183, %parallel_loop3A_177 : vector<16xf32>
        %parallel_loop3A_185 = arith.mulf %parallel_loop3A_184, %parallel_loop3A_177 : vector<16xf32>
        %parallel_loop3A_186 = arith.constant 5.000000e-01 : f32
        %parallel_loop3A_187 = vector.broadcast %parallel_loop3A_186 : f32 to vector<16xf32>
        %parallel_loop3A_188 = arith.subf %parallel_loop3A_178, %parallel_loop3A_187 : vector<16xf32>
        %parallel_loop3A_189 = arith.select %parallel_loop3A_181, %parallel_loop3A_185, %parallel_loop3A_188 : vector<16xi1>, vector<16xf32>
        %parallel_loop3A_190 = arith.addf %parallel_loop3A_164, %parallel_loop3A_189 : vector<16xf32>
        %parallel_loop3A_191 = arith.constant 1.024000e+03 : f32
        %parallel_loop3A_192 = vector.broadcast %parallel_loop3A_191 : f32 to vector<16xf32>
        %parallel_loop3A_193 = arith.mulf %parallel_loop3A_174, %parallel_loop3A_192 : vector<16xf32>
        %parallel_loop3A_194 = arith.fptosi %parallel_loop3A_193 : vector<16xf32> to vector<16xi32>
        %parallel_loop3A_195 = arith.constant 4 : i32
        %parallel_loop3A_196 = vector.broadcast %parallel_loop3A_195 : i32 to vector<16xi32>
        %parallel_loop3A_197 = arith.shli %parallel_loop3A_194, %parallel_loop3A_196 : vector<16xi32>
        %parallel_loop3A_198 = arith.addi %parallel_loop3A_197, %iota3A : vector<16xi32>
        %parallel_loop3A_199 = tpu.vector_load_idx %arg9[%parallel_loop3A_198] : memref<16384xi32, #tpu.memory_space<vmem>>[vector<16xi32>], vector<16xi32>,
        %parallel_loop3A_200 = arith.constant 4 : i32
        %parallel_loop3A_201 = vector.broadcast %parallel_loop3A_200 : i32 to vector<16xi32>
        %parallel_loop3A_202 = arith.shli %parallel_loop3A_199, %parallel_loop3A_201 : vector<16xi32>
        %parallel_loop3A_203 = arith.addi %parallel_loop3A_202, %parallel_loop3A_172 : vector<16xi32>
        tpu.vector_store_idx %arg16[%parallel_loop3A_203], %broadcast_in_dim3A_10 {add = true} : memref<8192xf32, #tpu.memory_space<vmem>>[vector<16xi32>], vector<16xf32>,
        %parallel_loop3A_204 = arith.constant 33 : i32
        %parallel_loop3A_205 = vector.broadcast %parallel_loop3A_204 : i32 to vector<16xi32>
        %parallel_loop3A_206 = arith.cmpi eq, %parallel_loop3A_199, %parallel_loop3A_205 : vector<16xi32>
        %parallel_loop3A_207 = arith.constant 1 : i32
        %parallel_loop3A_208 = arith.constant 0 : i32
        %parallel_loop3A_209 = vector.broadcast %parallel_loop3A_207 : i32 to vector<16xi32>
        %parallel_loop3A_210 = vector.broadcast %parallel_loop3A_208 : i32 to vector<16xi32>
        %parallel_loop3A_211 = arith.select %parallel_loop3A_206, %parallel_loop3A_209, %parallel_loop3A_210 : vector<16xi1>, vector<16xi32>
        %parallel_loop3A_212 = arith.constant true
        %parallel_loop3A_213 = vector.broadcast %parallel_loop3A_212 : i1 to vector<16xi1>
        %parallel_loop3A_214 = tpu.scan <sum>, %parallel_loop3A_211 masked %parallel_loop3A_213 : vector<16xi32>, vector<16xi1> -> vector<16xi32>
        %parallel_loop3A_215 = arith.addi %parallel_loop3A_165, %parallel_loop3A_214 : vector<16xi32>
        %parallel_loop3A_216 = arith.subi %parallel_loop3A_215, %parallel_loop3A_211 : vector<16xi32>
        tpu.vector_store_idx %arg14[%parallel_loop3A_216], %parallel_loop3A_174 masked %parallel_loop3A_206 : memref<13824xf32, #tpu.memory_space<vmem>>[vector<16xi32>], vector<16xf32>, vector<16xi1>
        %parallel_loop3A_217 = tpu.all_reduce %parallel_loop3A_206 {dim = 0 : i64, kind = #tpu.reduction_kind<sum>} : vector<16xi1> -> vector<16xi32>
        %parallel_loop3A_218 = arith.addi %parallel_loop3A_165, %parallel_loop3A_217 : vector<16xi32>
        %parallel_loop3A_219 = arith.constant 1.024000e+03 : f32
        %parallel_loop3A_220 = vector.broadcast %parallel_loop3A_219 : f32 to vector<16xf32>
        %parallel_loop3A_221 = arith.mulf %parallel_loop3A_176, %parallel_loop3A_220 : vector<16xf32>
        %parallel_loop3A_222 = arith.fptosi %parallel_loop3A_221 : vector<16xf32> to vector<16xi32>
        %parallel_loop3A_223 = arith.constant 4 : i32
        %parallel_loop3A_224 = vector.broadcast %parallel_loop3A_223 : i32 to vector<16xi32>
        %parallel_loop3A_225 = arith.shli %parallel_loop3A_222, %parallel_loop3A_224 : vector<16xi32>
        %parallel_loop3A_226 = arith.addi %parallel_loop3A_225, %iota3A : vector<16xi32>
        %parallel_loop3A_227 = tpu.vector_load_idx %arg9[%parallel_loop3A_226] : memref<16384xi32, #tpu.memory_space<vmem>>[vector<16xi32>], vector<16xi32>,
        %parallel_loop3A_228 = arith.constant 4 : i32
        %parallel_loop3A_229 = vector.broadcast %parallel_loop3A_228 : i32 to vector<16xi32>
        %parallel_loop3A_230 = arith.shli %parallel_loop3A_227, %parallel_loop3A_229 : vector<16xi32>
        %parallel_loop3A_231 = arith.addi %parallel_loop3A_230, %parallel_loop3A_172 : vector<16xi32>
        tpu.vector_store_idx %arg17[%parallel_loop3A_231], %broadcast_in_dim3A_10 {add = true} : memref<8192xf32, #tpu.memory_space<vmem>>[vector<16xi32>], vector<16xf32>,
        %parallel_loop3A_232 = arith.constant 33 : i32
        %parallel_loop3A_233 = vector.broadcast %parallel_loop3A_232 : i32 to vector<16xi32>
        %parallel_loop3A_234 = arith.cmpi eq, %parallel_loop3A_227, %parallel_loop3A_233 : vector<16xi32>
        %parallel_loop3A_235 = arith.constant 1 : i32
        %parallel_loop3A_236 = arith.constant 0 : i32
        %parallel_loop3A_237 = vector.broadcast %parallel_loop3A_235 : i32 to vector<16xi32>
        %parallel_loop3A_238 = vector.broadcast %parallel_loop3A_236 : i32 to vector<16xi32>
        %parallel_loop3A_239 = arith.select %parallel_loop3A_234, %parallel_loop3A_237, %parallel_loop3A_238 : vector<16xi1>, vector<16xi32>
        %parallel_loop3A_240 = arith.constant true
        %parallel_loop3A_241 = vector.broadcast %parallel_loop3A_240 : i1 to vector<16xi1>
        %parallel_loop3A_242 = tpu.scan <sum>, %parallel_loop3A_239 masked %parallel_loop3A_241 : vector<16xi32>, vector<16xi1> -> vector<16xi32>
        %parallel_loop3A_243 = arith.addi %parallel_loop3A_166, %parallel_loop3A_242 : vector<16xi32>
        %parallel_loop3A_244 = arith.subi %parallel_loop3A_243, %parallel_loop3A_239 : vector<16xi32>
        tpu.vector_store_idx %arg15[%parallel_loop3A_244], %parallel_loop3A_176 masked %parallel_loop3A_234 : memref<13824xf32, #tpu.memory_space<vmem>>[vector<16xi32>], vector<16xf32>, vector<16xi1>
        %parallel_loop3A_245 = tpu.all_reduce %parallel_loop3A_234 {dim = 0 : i64, kind = #tpu.reduction_kind<sum>} : vector<16xi1> -> vector<16xi32>
        %parallel_loop3A_246 = arith.addi %parallel_loop3A_166, %parallel_loop3A_245 : vector<16xi32>
        scf.yield %parallel_loop3A_190, %parallel_loop3A_218, %parallel_loop3A_246 : vector<16xf32>, vector<16xi32>, vector<16xi32>
      } {sc.loop_unroll_factor = 8 : i64, sc.parallel_access}
      %reduce_max3A_119 = arith.constant true
      %reduce_max3A_120 = vector.broadcast %reduce_max3A_119 : i1 to vector<16xi1>
      %reduce_max3A_121 = arith.constant -2147483648 : i32
      %reduce_max3A_122 = vector.broadcast %reduce_max3A_121 : i32 to vector<16xi32>
      %reduce_max3A_123 = arith.xori %parallel_loop3A_118#1, %reduce_max3A_122 : vector<16xi32>
      %reduce_max3A_124 = tpu.scan <max>, %reduce_max3A_123 masked %reduce_max3A_120 : vector<16xi32>, vector<16xi1> -> vector<16xi32>
      %reduce_max3A_125 = arith.xori %reduce_max3A_124, %reduce_max3A_122 : vector<16xi32>
      %reduce_max3A_126 = vector.extract %reduce_max3A_125[15] : i32 from vector<16xi32>
      %add3A_127 = arith.constant 15 : i32
      %add3A_128 = arith.addi %reduce_max3A_126, %add3A_127 : i32
      %div3A_129 = arith.constant 16 : i32
      %div3A_130 = arith.divsi %add3A_128, %div3A_129 : i32
      %while3A_131 = arith.constant 0 : i32
      %while3A_132 = arith.constant 0 : i32
      %while3A_133 = arith.subi %div3A_130, %while3A_132 : i32
      %while3A_134 = arith.addi %while3A_132, %while3A_133 : i32
      %while3A_135 = arith.constant 1 : i32
      %while3A_136 = arith.divsi %while3A_133, %while3A_135 : i32
      %while3A_137 = arith.muli %while3A_136, %while3A_135 : i32
      %while3A_138 = arith.addi %while3A_132, %while3A_137 : i32
      %while3A_139 = arith.constant 1 : i32
      scf.for %while3A_163 = %while3A_132 to %while3A_138 step %while3A_139  : i32 {
        %mul3A_164 = arith.constant 16 : i32
        %mul3A_165 = arith.muli %while3A_163, %mul3A_164 : i32
        %add3A_166 = vector.broadcast %mul3A_165 : i32 to vector<16xi32>
        %add3A_167 = arith.addi %add3A_166, %iota3A : vector<16xi32>
        %lt3A_168 = arith.cmpi slt, %add3A_167, %parallel_loop3A_118#1 : vector<16xi32>
        %mul3A_169 = arith.constant 16 : i32
        %mul3A_170 = arith.muli %while3A_163, %mul3A_169 : i32
        %get3A_171 = arith.index_cast %mul3A_170 : i32 to index
        %get3A_172 = tpu.vector_load %arg14[%get3A_171] {strides = array<i32>} : memref<13824xf32, #tpu.memory_space<vmem>>, vector<16xf32>,
        %le3A = arith.cmpf ole, %gather3A_31, %get3A_172 : vector<16xf32>
        %jit3A = arith.constant 8 : i32
        %jit3A_173 = arith.constant 0 : i32
        %broadcast_in_dim3A_174 = vector.broadcast %jit3A : i32 to vector<16xi32>
        %broadcast_in_dim3A_175 = vector.broadcast %jit3A_173 : i32 to vector<16xi32>
        %select_n3A = arith.select %le3A, %broadcast_in_dim3A_174, %broadcast_in_dim3A_175 : vector<16xi1>, vector<16xi32>
        %add3A_176 = arith.constant 3 : i32
        %add3A_177 = vector.broadcast %add3A_176 : i32 to vector<16xi32>
        %add3A_178 = arith.addi %select_n3A, %add3A_177 : vector<16xi32>
        %reshape3A_179 = vector.shape_cast %add3A_178 : vector<16xi32> to vector<16x1xi32>
        %gather3A_180 = vector.shape_cast %reshape3A_179 : vector<16x1xi32> to vector<16xi32>
        %gather3A_181 = tpu.dynamic_gather %get3A_26[%gather3A_180] in [0] : vector<16xf32>, vector<16xi32> -> vector<16xf32>
        %le3A_182 = arith.cmpf ole, %gather3A_181, %get3A_172 : vector<16xf32>
        %jit3A_183 = arith.constant 4 : i32
        %jit3A_184 = arith.constant 0 : i32
        %broadcast_in_dim3A_185 = vector.broadcast %jit3A_183 : i32 to vector<16xi32>
        %broadcast_in_dim3A_186 = vector.broadcast %jit3A_184 : i32 to vector<16xi32>
        %select_n3A_187 = arith.select %le3A_182, %broadcast_in_dim3A_185, %broadcast_in_dim3A_186 : vector<16xi1>, vector<16xi32>
        %add3A_188 = arith.addi %select_n3A, %select_n3A_187 : vector<16xi32>
        %add3A_189 = arith.constant 1 : i32
        %add3A_190 = vector.broadcast %add3A_189 : i32 to vector<16xi32>
        %add3A_191 = arith.addi %add3A_188, %add3A_190 : vector<16xi32>
        %reshape3A_192 = vector.shape_cast %add3A_191 : vector<16xi32> to vector<16x1xi32>
        %gather3A_193 = vector.shape_cast %reshape3A_192 : vector<16x1xi32> to vector<16xi32>
        %gather3A_194 = tpu.dynamic_gather %get3A_26[%gather3A_193] in [0] : vector<16xf32>, vector<16xi32> -> vector<16xf32>
        %le3A_195 = arith.cmpf ole, %gather3A_194, %get3A_172 : vector<16xf32>
        %jit3A_196 = arith.constant 2 : i32
        %jit3A_197 = arith.constant 0 : i32
        %broadcast_in_dim3A_198 = vector.broadcast %jit3A_196 : i32 to vector<16xi32>
        %broadcast_in_dim3A_199 = vector.broadcast %jit3A_197 : i32 to vector<16xi32>
        %select_n3A_200 = arith.select %le3A_195, %broadcast_in_dim3A_198, %broadcast_in_dim3A_199 : vector<16xi1>, vector<16xi32>
        %add3A_201 = arith.addi %add3A_188, %select_n3A_200 : vector<16xi32>
        %add3A_202 = arith.constant 0 : i32
        %add3A_203 = vector.broadcast %add3A_202 : i32 to vector<16xi32>
        %add3A_204 = arith.addi %add3A_201, %add3A_203 : vector<16xi32>
        %reshape3A_205 = vector.shape_cast %add3A_204 : vector<16xi32> to vector<16x1xi32>
        %gather3A_206 = vector.shape_cast %reshape3A_205 : vector<16x1xi32> to vector<16xi32>
        %gather3A_207 = tpu.dynamic_gather %get3A_26[%gather3A_206] in [0] : vector<16xf32>, vector<16xi32> -> vector<16xf32>
        %le3A_208 = arith.cmpf ole, %gather3A_207, %get3A_172 : vector<16xf32>
        %jit3A_209 = arith.constant 1 : i32
        %jit3A_210 = arith.constant 0 : i32
        %broadcast_in_dim3A_211 = vector.broadcast %jit3A_209 : i32 to vector<16xi32>
        %broadcast_in_dim3A_212 = vector.broadcast %jit3A_210 : i32 to vector<16xi32>
        %select_n3A_213 = arith.select %le3A_208, %broadcast_in_dim3A_211, %broadcast_in_dim3A_212 : vector<16xi1>, vector<16xi32>
        %add3A_214 = arith.addi %add3A_201, %select_n3A_213 : vector<16xi32>
        %reshape3A_215 = vector.shape_cast %add3A_214 : vector<16xi32> to vector<16x1xi32>
        %gather3A_216 = vector.shape_cast %reshape3A_215 : vector<16x1xi32> to vector<16xi32>
        %gather3A_217 = tpu.dynamic_gather %get3A_26[%gather3A_216] in [0] : vector<16xf32>, vector<16xi32> -> vector<16xf32>
        %le3A_218 = arith.cmpf ole, %gather3A_217, %get3A_172 : vector<16xf32>
        %jit3A_219 = arith.constant 1 : i32
        %jit3A_220 = arith.constant 0 : i32
        %broadcast_in_dim3A_221 = vector.broadcast %jit3A_219 : i32 to vector<16xi32>
        %broadcast_in_dim3A_222 = vector.broadcast %jit3A_220 : i32 to vector<16xi32>
        %select_n3A_223 = arith.select %le3A_218, %broadcast_in_dim3A_221, %broadcast_in_dim3A_222 : vector<16xi1>, vector<16xi32>
        %add3A_224 = arith.addi %add3A_214, %select_n3A_223 : vector<16xi32>
        %le3A_225 = arith.cmpf ole, %gather3A_34, %get3A_172 : vector<16xf32>
        %jit3A_226 = arith.constant 8 : i32
        %jit3A_227 = arith.constant 0 : i32
        %broadcast_in_dim3A_228 = vector.broadcast %jit3A_226 : i32 to vector<16xi32>
        %broadcast_in_dim3A_229 = vector.broadcast %jit3A_227 : i32 to vector<16xi32>
        %select_n3A_230 = arith.select %le3A_225, %broadcast_in_dim3A_228, %broadcast_in_dim3A_229 : vector<16xi1>, vector<16xi32>
        %add3A_231 = arith.constant 3 : i32
        %add3A_232 = vector.broadcast %add3A_231 : i32 to vector<16xi32>
        %add3A_233 = arith.addi %select_n3A_230, %add3A_232 : vector<16xi32>
        %reshape3A_234 = vector.shape_cast %add3A_233 : vector<16xi32> to vector<16x1xi32>
        %gather3A_235 = vector.shape_cast %reshape3A_234 : vector<16x1xi32> to vector<16xi32>
        %gather3A_236 = tpu.dynamic_gather %get3A_28[%gather3A_235] in [0] : vector<16xf32>, vector<16xi32> -> vector<16xf32>
        %le3A_237 = arith.cmpf ole, %gather3A_236, %get3A_172 : vector<16xf32>
        %jit3A_238 = arith.constant 4 : i32
        %jit3A_239 = arith.constant 0 : i32
        %broadcast_in_dim3A_240 = vector.broadcast %jit3A_238 : i32 to vector<16xi32>
        %broadcast_in_dim3A_241 = vector.broadcast %jit3A_239 : i32 to vector<16xi32>
        %select_n3A_242 = arith.select %le3A_237, %broadcast_in_dim3A_240, %broadcast_in_dim3A_241 : vector<16xi1>, vector<16xi32>
        %add3A_243 = arith.addi %select_n3A_230, %select_n3A_242 : vector<16xi32>
        %add3A_244 = arith.constant 1 : i32
        %add3A_245 = vector.broadcast %add3A_244 : i32 to vector<16xi32>
        %add3A_246 = arith.addi %add3A_243, %add3A_245 : vector<16xi32>
        %reshape3A_247 = vector.shape_cast %add3A_246 : vector<16xi32> to vector<16x1xi32>
        %gather3A_248 = vector.shape_cast %reshape3A_247 : vector<16x1xi32> to vector<16xi32>
        %gather3A_249 = tpu.dynamic_gather %get3A_28[%gather3A_248] in [0] : vector<16xf32>, vector<16xi32> -> vector<16xf32>
        %le3A_250 = arith.cmpf ole, %gather3A_249, %get3A_172 : vector<16xf32>
        %jit3A_251 = arith.constant 2 : i32
        %jit3A_252 = arith.constant 0 : i32
        %broadcast_in_dim3A_253 = vector.broadcast %jit3A_251 : i32 to vector<16xi32>
        %broadcast_in_dim3A_254 = vector.broadcast %jit3A_252 : i32 to vector<16xi32>
        %select_n3A_255 = arith.select %le3A_250, %broadcast_in_dim3A_253, %broadcast_in_dim3A_254 : vector<16xi1>, vector<16xi32>
        %add3A_256 = arith.addi %add3A_243, %select_n3A_255 : vector<16xi32>
        %add3A_257 = arith.constant 0 : i32
        %add3A_258 = vector.broadcast %add3A_257 : i32 to vector<16xi32>
        %add3A_259 = arith.addi %add3A_256, %add3A_258 : vector<16xi32>
        %reshape3A_260 = vector.shape_cast %add3A_259 : vector<16xi32> to vector<16x1xi32>
        %gather3A_261 = vector.shape_cast %reshape3A_260 : vector<16x1xi32> to vector<16xi32>
        %gather3A_262 = tpu.dynamic_gather %get3A_28[%gather3A_261] in [0] : vector<16xf32>, vector<16xi32> -> vector<16xf32>
        %le3A_263 = arith.cmpf ole, %gather3A_262, %get3A_172 : vector<16xf32>
        %jit3A_264 = arith.constant 1 : i32
        %jit3A_265 = arith.constant 0 : i32
        %broadcast_in_dim3A_266 = vector.broadcast %jit3A_264 : i32 to vector<16xi32>
        %broadcast_in_dim3A_267 = vector.broadcast %jit3A_265 : i32 to vector<16xi32>
        %select_n3A_268 = arith.select %le3A_263, %broadcast_in_dim3A_266, %broadcast_in_dim3A_267 : vector<16xi1>, vector<16xi32>
        %add3A_269 = arith.addi %add3A_256, %select_n3A_268 : vector<16xi32>
        %reshape3A_270 = vector.shape_cast %add3A_269 : vector<16xi32> to vector<16x1xi32>
        %gather3A_271 = vector.shape_cast %reshape3A_270 : vector<16x1xi32> to vector<16xi32>
        %gather3A_272 = tpu.dynamic_gather %get3A_28[%gather3A_271] in [0] : vector<16xf32>, vector<16xi32> -> vector<16xf32>
        %le3A_273 = arith.cmpf ole, %gather3A_272, %get3A_172 : vector<16xf32>
        %jit3A_274 = arith.constant 1 : i32
        %jit3A_275 = arith.constant 0 : i32
        %broadcast_in_dim3A_276 = vector.broadcast %jit3A_274 : i32 to vector<16xi32>
        %broadcast_in_dim3A_277 = vector.broadcast %jit3A_275 : i32 to vector<16xi32>
        %select_n3A_278 = arith.select %le3A_273, %broadcast_in_dim3A_276, %broadcast_in_dim3A_277 : vector<16xi1>, vector<16xi32>
        %add3A_279 = arith.addi %add3A_269, %select_n3A_278 : vector<16xi32>
        %add3A_280 = arith.addi %add3A_224, %add3A_279 : vector<16xi32>
        %shift_left3A = arith.constant 4 : i32
        %shift_left3A_281 = vector.broadcast %shift_left3A : i32 to vector<16xi32>
        %shift_left3A_282 = arith.shli %add3A_280, %shift_left3A_281 : vector<16xi32>
        %and3A = arith.constant 7 : i32
        %and3A_283 = arith.andi %while3A_163, %and3A : i32
        %shift_left3A_284 = arith.constant 10 : i32
        %shift_left3A_285 = arith.shli %and3A_283, %shift_left3A_284 : i32
        %add3A_286 = vector.broadcast %shift_left3A_285 : i32 to vector<16xi32>
        %add3A_287 = arith.addi %add3A_286, %iota3A : vector<16xi32>
        %add3A_288 = arith.addi %shift_left3A_282, %add3A_287 : vector<16xi32>
        tpu.vector_store_idx %arg16[%add3A_288], %broadcast_in_dim3A_10 masked %lt3A_168 {add = true} : memref<8192xf32, #tpu.memory_space<vmem>>[vector<16xi32>], vector<16xf32>, vector<16xi1>
      }
      %while3A_140 = arith.constant 1 : i32
      scf.for %while3A_163 = %while3A_138 to %while3A_134 step %while3A_140  : i32 {
        %mul3A_164 = arith.constant 16 : i32
        %mul3A_165 = arith.muli %while3A_163, %mul3A_164 : i32
        %add3A_166 = vector.broadcast %mul3A_165 : i32 to vector<16xi32>
        %add3A_167 = arith.addi %add3A_166, %iota3A : vector<16xi32>
        %lt3A_168 = arith.cmpi slt, %add3A_167, %parallel_loop3A_118#1 : vector<16xi32>
        %mul3A_169 = arith.constant 16 : i32
        %mul3A_170 = arith.muli %while3A_163, %mul3A_169 : i32
        %get3A_171 = arith.index_cast %mul3A_170 : i32 to index
        %get3A_172 = tpu.vector_load %arg14[%get3A_171] {strides = array<i32>} : memref<13824xf32, #tpu.memory_space<vmem>>, vector<16xf32>,
        %le3A = arith.cmpf ole, %gather3A_31, %get3A_172 : vector<16xf32>
        %jit3A = arith.constant 8 : i32
        %jit3A_173 = arith.constant 0 : i32
        %broadcast_in_dim3A_174 = vector.broadcast %jit3A : i32 to vector<16xi32>
        %broadcast_in_dim3A_175 = vector.broadcast %jit3A_173 : i32 to vector<16xi32>
        %select_n3A = arith.select %le3A, %broadcast_in_dim3A_174, %broadcast_in_dim3A_175 : vector<16xi1>, vector<16xi32>
        %add3A_176 = arith.constant 3 : i32
        %add3A_177 = vector.broadcast %add3A_176 : i32 to vector<16xi32>
        %add3A_178 = arith.addi %select_n3A, %add3A_177 : vector<16xi32>
        %reshape3A_179 = vector.shape_cast %add3A_178 : vector<16xi32> to vector<16x1xi32>
        %gather3A_180 = vector.shape_cast %reshape3A_179 : vector<16x1xi32> to vector<16xi32>
        %gather3A_181 = tpu.dynamic_gather %get3A_26[%gather3A_180] in [0] : vector<16xf32>, vector<16xi32> -> vector<16xf32>
        %le3A_182 = arith.cmpf ole, %gather3A_181, %get3A_172 : vector<16xf32>
        %jit3A_183 = arith.constant 4 : i32
        %jit3A_184 = arith.constant 0 : i32
        %broadcast_in_dim3A_185 = vector.broadcast %jit3A_183 : i32 to vector<16xi32>
        %broadcast_in_dim3A_186 = vector.broadcast %jit3A_184 : i32 to vector<16xi32>
        %select_n3A_187 = arith.select %le3A_182, %broadcast_in_dim3A_185, %broadcast_in_dim3A_186 : vector<16xi1>, vector<16xi32>
        %add3A_188 = arith.addi %select_n3A, %select_n3A_187 : vector<16xi32>
        %add3A_189 = arith.constant 1 : i32
        %add3A_190 = vector.broadcast %add3A_189 : i32 to vector<16xi32>
        %add3A_191 = arith.addi %add3A_188, %add3A_190 : vector<16xi32>
        %reshape3A_192 = vector.shape_cast %add3A_191 : vector<16xi32> to vector<16x1xi32>
        %gather3A_193 = vector.shape_cast %reshape3A_192 : vector<16x1xi32> to vector<16xi32>
        %gather3A_194 = tpu.dynamic_gather %get3A_26[%gather3A_193] in [0] : vector<16xf32>, vector<16xi32> -> vector<16xf32>
        %le3A_195 = arith.cmpf ole, %gather3A_194, %get3A_172 : vector<16xf32>
        %jit3A_196 = arith.constant 2 : i32
        %jit3A_197 = arith.constant 0 : i32
        %broadcast_in_dim3A_198 = vector.broadcast %jit3A_196 : i32 to vector<16xi32>
        %broadcast_in_dim3A_199 = vector.broadcast %jit3A_197 : i32 to vector<16xi32>
        %select_n3A_200 = arith.select %le3A_195, %broadcast_in_dim3A_198, %broadcast_in_dim3A_199 : vector<16xi1>, vector<16xi32>
        %add3A_201 = arith.addi %add3A_188, %select_n3A_200 : vector<16xi32>
        %add3A_202 = arith.constant 0 : i32
        %add3A_203 = vector.broadcast %add3A_202 : i32 to vector<16xi32>
        %add3A_204 = arith.addi %add3A_201, %add3A_203 : vector<16xi32>
        %reshape3A_205 = vector.shape_cast %add3A_204 : vector<16xi32> to vector<16x1xi32>
        %gather3A_206 = vector.shape_cast %reshape3A_205 : vector<16x1xi32> to vector<16xi32>
        %gather3A_207 = tpu.dynamic_gather %get3A_26[%gather3A_206] in [0] : vector<16xf32>, vector<16xi32> -> vector<16xf32>
        %le3A_208 = arith.cmpf ole, %gather3A_207, %get3A_172 : vector<16xf32>
        %jit3A_209 = arith.constant 1 : i32
        %jit3A_210 = arith.constant 0 : i32
        %broadcast_in_dim3A_211 = vector.broadcast %jit3A_209 : i32 to vector<16xi32>
        %broadcast_in_dim3A_212 = vector.broadcast %jit3A_210 : i32 to vector<16xi32>
        %select_n3A_213 = arith.select %le3A_208, %broadcast_in_dim3A_211, %broadcast_in_dim3A_212 : vector<16xi1>, vector<16xi32>
        %add3A_214 = arith.addi %add3A_201, %select_n3A_213 : vector<16xi32>
        %reshape3A_215 = vector.shape_cast %add3A_214 : vector<16xi32> to vector<16x1xi32>
        %gather3A_216 = vector.shape_cast %reshape3A_215 : vector<16x1xi32> to vector<16xi32>
        %gather3A_217 = tpu.dynamic_gather %get3A_26[%gather3A_216] in [0] : vector<16xf32>, vector<16xi32> -> vector<16xf32>
        %le3A_218 = arith.cmpf ole, %gather3A_217, %get3A_172 : vector<16xf32>
        %jit3A_219 = arith.constant 1 : i32
        %jit3A_220 = arith.constant 0 : i32
        %broadcast_in_dim3A_221 = vector.broadcast %jit3A_219 : i32 to vector<16xi32>
        %broadcast_in_dim3A_222 = vector.broadcast %jit3A_220 : i32 to vector<16xi32>
        %select_n3A_223 = arith.select %le3A_218, %broadcast_in_dim3A_221, %broadcast_in_dim3A_222 : vector<16xi1>, vector<16xi32>
        %add3A_224 = arith.addi %add3A_214, %select_n3A_223 : vector<16xi32>
        %le3A_225 = arith.cmpf ole, %gather3A_34, %get3A_172 : vector<16xf32>
        %jit3A_226 = arith.constant 8 : i32
        %jit3A_227 = arith.constant 0 : i32
        %broadcast_in_dim3A_228 = vector.broadcast %jit3A_226 : i32 to vector<16xi32>
        %broadcast_in_dim3A_229 = vector.broadcast %jit3A_227 : i32 to vector<16xi32>
        %select_n3A_230 = arith.select %le3A_225, %broadcast_in_dim3A_228, %broadcast_in_dim3A_229 : vector<16xi1>, vector<16xi32>
        %add3A_231 = arith.constant 3 : i32
        %add3A_232 = vector.broadcast %add3A_231 : i32 to vector<16xi32>
        %add3A_233 = arith.addi %select_n3A_230, %add3A_232 : vector<16xi32>
        %reshape3A_234 = vector.shape_cast %add3A_233 : vector<16xi32> to vector<16x1xi32>
        %gather3A_235 = vector.shape_cast %reshape3A_234 : vector<16x1xi32> to vector<16xi32>
        %gather3A_236 = tpu.dynamic_gather %get3A_28[%gather3A_235] in [0] : vector<16xf32>, vector<16xi32> -> vector<16xf32>
        %le3A_237 = arith.cmpf ole, %gather3A_236, %get3A_172 : vector<16xf32>
        %jit3A_238 = arith.constant 4 : i32
        %jit3A_239 = arith.constant 0 : i32
        %broadcast_in_dim3A_240 = vector.broadcast %jit3A_238 : i32 to vector<16xi32>
        %broadcast_in_dim3A_241 = vector.broadcast %jit3A_239 : i32 to vector<16xi32>
        %select_n3A_242 = arith.select %le3A_237, %broadcast_in_dim3A_240, %broadcast_in_dim3A_241 : vector<16xi1>, vector<16xi32>
        %add3A_243 = arith.addi %select_n3A_230, %select_n3A_242 : vector<16xi32>
        %add3A_244 = arith.constant 1 : i32
        %add3A_245 = vector.broadcast %add3A_244 : i32 to vector<16xi32>
        %add3A_246 = arith.addi %add3A_243, %add3A_245 : vector<16xi32>
        %reshape3A_247 = vector.shape_cast %add3A_246 : vector<16xi32> to vector<16x1xi32>
        %gather3A_248 = vector.shape_cast %reshape3A_247 : vector<16x1xi32> to vector<16xi32>
        %gather3A_249 = tpu.dynamic_gather %get3A_28[%gather3A_248] in [0] : vector<16xf32>, vector<16xi32> -> vector<16xf32>
        %le3A_250 = arith.cmpf ole, %gather3A_249, %get3A_172 : vector<16xf32>
        %jit3A_251 = arith.constant 2 : i32
        %jit3A_252 = arith.constant 0 : i32
        %broadcast_in_dim3A_253 = vector.broadcast %jit3A_251 : i32 to vector<16xi32>
        %broadcast_in_dim3A_254 = vector.broadcast %jit3A_252 : i32 to vector<16xi32>
        %select_n3A_255 = arith.select %le3A_250, %broadcast_in_dim3A_253, %broadcast_in_dim3A_254 : vector<16xi1>, vector<16xi32>
        %add3A_256 = arith.addi %add3A_243, %select_n3A_255 : vector<16xi32>
        %add3A_257 = arith.constant 0 : i32
        %add3A_258 = vector.broadcast %add3A_257 : i32 to vector<16xi32>
        %add3A_259 = arith.addi %add3A_256, %add3A_258 : vector<16xi32>
        %reshape3A_260 = vector.shape_cast %add3A_259 : vector<16xi32> to vector<16x1xi32>
        %gather3A_261 = vector.shape_cast %reshape3A_260 : vector<16x1xi32> to vector<16xi32>
        %gather3A_262 = tpu.dynamic_gather %get3A_28[%gather3A_261] in [0] : vector<16xf32>, vector<16xi32> -> vector<16xf32>
        %le3A_263 = arith.cmpf ole, %gather3A_262, %get3A_172 : vector<16xf32>
        %jit3A_264 = arith.constant 1 : i32
        %jit3A_265 = arith.constant 0 : i32
        %broadcast_in_dim3A_266 = vector.broadcast %jit3A_264 : i32 to vector<16xi32>
        %broadcast_in_dim3A_267 = vector.broadcast %jit3A_265 : i32 to vector<16xi32>
        %select_n3A_268 = arith.select %le3A_263, %broadcast_in_dim3A_266, %broadcast_in_dim3A_267 : vector<16xi1>, vector<16xi32>
        %add3A_269 = arith.addi %add3A_256, %select_n3A_268 : vector<16xi32>
        %reshape3A_270 = vector.shape_cast %add3A_269 : vector<16xi32> to vector<16x1xi32>
        %gather3A_271 = vector.shape_cast %reshape3A_270 : vector<16x1xi32> to vector<16xi32>
        %gather3A_272 = tpu.dynamic_gather %get3A_28[%gather3A_271] in [0] : vector<16xf32>, vector<16xi32> -> vector<16xf32>
        %le3A_273 = arith.cmpf ole, %gather3A_272, %get3A_172 : vector<16xf32>
        %jit3A_274 = arith.constant 1 : i32
        %jit3A_275 = arith.constant 0 : i32
        %broadcast_in_dim3A_276 = vector.broadcast %jit3A_274 : i32 to vector<16xi32>
        %broadcast_in_dim3A_277 = vector.broadcast %jit3A_275 : i32 to vector<16xi32>
        %select_n3A_278 = arith.select %le3A_273, %broadcast_in_dim3A_276, %broadcast_in_dim3A_277 : vector<16xi1>, vector<16xi32>
        %add3A_279 = arith.addi %add3A_269, %select_n3A_278 : vector<16xi32>
        %add3A_280 = arith.addi %add3A_224, %add3A_279 : vector<16xi32>
        %shift_left3A = arith.constant 4 : i32
        %shift_left3A_281 = vector.broadcast %shift_left3A : i32 to vector<16xi32>
        %shift_left3A_282 = arith.shli %add3A_280, %shift_left3A_281 : vector<16xi32>
        %and3A = arith.constant 7 : i32
        %and3A_283 = arith.andi %while3A_163, %and3A : i32
        %shift_left3A_284 = arith.constant 10 : i32
        %shift_left3A_285 = arith.shli %and3A_283, %shift_left3A_284 : i32
        %add3A_286 = vector.broadcast %shift_left3A_285 : i32 to vector<16xi32>
        %add3A_287 = arith.addi %add3A_286, %iota3A : vector<16xi32>
        %add3A_288 = arith.addi %shift_left3A_282, %add3A_287 : vector<16xi32>
        tpu.vector_store_idx %arg16[%add3A_288], %broadcast_in_dim3A_10 masked %lt3A_168 {add = true} : memref<8192xf32, #tpu.memory_space<vmem>>[vector<16xi32>], vector<16xf32>, vector<16xi1>
      }
      %reduce_max3A_141 = arith.constant true
      %reduce_max3A_142 = vector.broadcast %reduce_max3A_141 : i1 to vector<16xi1>
      %reduce_max3A_143 = arith.constant -2147483648 : i32
      %reduce_max3A_144 = vector.broadcast %reduce_max3A_143 : i32 to vector<16xi32>
      %reduce_max3A_145 = arith.xori %parallel_loop3A_118#2, %reduce_max3A_144 : vector<16xi32>
      %reduce_max3A_146 = tpu.scan <max>, %reduce_max3A_145 masked %reduce_max3A_142 : vector<16xi32>, vector<16xi1> -> vector<16xi32>
      %reduce_max3A_147 = arith.xori %reduce_max3A_146, %reduce_max3A_144 : vector<16xi32>
      %reduce_max3A_148 = vector.extract %reduce_max3A_147[15] : i32 from vector<16xi32>
      %add3A_149 = arith.constant 15 : i32
      %add3A_150 = arith.addi %reduce_max3A_148, %add3A_149 : i32
      %div3A_151 = arith.constant 16 : i32
      %div3A_152 = arith.divsi %add3A_150, %div3A_151 : i32
      %while3A_153 = arith.constant 0 : i32
      %while3A_154 = arith.constant 0 : i32
      %while3A_155 = arith.subi %div3A_152, %while3A_154 : i32
      %while3A_156 = arith.addi %while3A_154, %while3A_155 : i32
      %while3A_157 = arith.constant 1 : i32
      %while3A_158 = arith.divsi %while3A_155, %while3A_157 : i32
      %while3A_159 = arith.muli %while3A_158, %while3A_157 : i32
      %while3A_160 = arith.addi %while3A_154, %while3A_159 : i32
      %while3A_161 = arith.constant 1 : i32
      scf.for %while3A_163 = %while3A_154 to %while3A_160 step %while3A_161  : i32 {
        %mul3A_164 = arith.constant 16 : i32
        %mul3A_165 = arith.muli %while3A_163, %mul3A_164 : i32
        %add3A_166 = vector.broadcast %mul3A_165 : i32 to vector<16xi32>
        %add3A_167 = arith.addi %add3A_166, %iota3A : vector<16xi32>
        %lt3A_168 = arith.cmpi slt, %add3A_167, %parallel_loop3A_118#2 : vector<16xi32>
        %mul3A_169 = arith.constant 16 : i32
        %mul3A_170 = arith.muli %while3A_163, %mul3A_169 : i32
        %get3A_171 = arith.index_cast %mul3A_170 : i32 to index
        %get3A_172 = tpu.vector_load %arg15[%get3A_171] {strides = array<i32>} : memref<13824xf32, #tpu.memory_space<vmem>>, vector<16xf32>,
        %le3A = arith.cmpf ole, %gather3A_31, %get3A_172 : vector<16xf32>
        %jit3A = arith.constant 8 : i32
        %jit3A_173 = arith.constant 0 : i32
        %broadcast_in_dim3A_174 = vector.broadcast %jit3A : i32 to vector<16xi32>
        %broadcast_in_dim3A_175 = vector.broadcast %jit3A_173 : i32 to vector<16xi32>
        %select_n3A = arith.select %le3A, %broadcast_in_dim3A_174, %broadcast_in_dim3A_175 : vector<16xi1>, vector<16xi32>
        %add3A_176 = arith.constant 3 : i32
        %add3A_177 = vector.broadcast %add3A_176 : i32 to vector<16xi32>
        %add3A_178 = arith.addi %select_n3A, %add3A_177 : vector<16xi32>
        %reshape3A_179 = vector.shape_cast %add3A_178 : vector<16xi32> to vector<16x1xi32>
        %gather3A_180 = vector.shape_cast %reshape3A_179 : vector<16x1xi32> to vector<16xi32>
        %gather3A_181 = tpu.dynamic_gather %get3A_26[%gather3A_180] in [0] : vector<16xf32>, vector<16xi32> -> vector<16xf32>
        %le3A_182 = arith.cmpf ole, %gather3A_181, %get3A_172 : vector<16xf32>
        %jit3A_183 = arith.constant 4 : i32
        %jit3A_184 = arith.constant 0 : i32
        %broadcast_in_dim3A_185 = vector.broadcast %jit3A_183 : i32 to vector<16xi32>
        %broadcast_in_dim3A_186 = vector.broadcast %jit3A_184 : i32 to vector<16xi32>
        %select_n3A_187 = arith.select %le3A_182, %broadcast_in_dim3A_185, %broadcast_in_dim3A_186 : vector<16xi1>, vector<16xi32>
        %add3A_188 = arith.addi %select_n3A, %select_n3A_187 : vector<16xi32>
        %add3A_189 = arith.constant 1 : i32
        %add3A_190 = vector.broadcast %add3A_189 : i32 to vector<16xi32>
        %add3A_191 = arith.addi %add3A_188, %add3A_190 : vector<16xi32>
        %reshape3A_192 = vector.shape_cast %add3A_191 : vector<16xi32> to vector<16x1xi32>
        %gather3A_193 = vector.shape_cast %reshape3A_192 : vector<16x1xi32> to vector<16xi32>
        %gather3A_194 = tpu.dynamic_gather %get3A_26[%gather3A_193] in [0] : vector<16xf32>, vector<16xi32> -> vector<16xf32>
        %le3A_195 = arith.cmpf ole, %gather3A_194, %get3A_172 : vector<16xf32>
        %jit3A_196 = arith.constant 2 : i32
        %jit3A_197 = arith.constant 0 : i32
        %broadcast_in_dim3A_198 = vector.broadcast %jit3A_196 : i32 to vector<16xi32>
        %broadcast_in_dim3A_199 = vector.broadcast %jit3A_197 : i32 to vector<16xi32>
        %select_n3A_200 = arith.select %le3A_195, %broadcast_in_dim3A_198, %broadcast_in_dim3A_199 : vector<16xi1>, vector<16xi32>
        %add3A_201 = arith.addi %add3A_188, %select_n3A_200 : vector<16xi32>
        %add3A_202 = arith.constant 0 : i32
        %add3A_203 = vector.broadcast %add3A_202 : i32 to vector<16xi32>
        %add3A_204 = arith.addi %add3A_201, %add3A_203 : vector<16xi32>
        %reshape3A_205 = vector.shape_cast %add3A_204 : vector<16xi32> to vector<16x1xi32>
        %gather3A_206 = vector.shape_cast %reshape3A_205 : vector<16x1xi32> to vector<16xi32>
        %gather3A_207 = tpu.dynamic_gather %get3A_26[%gather3A_206] in [0] : vector<16xf32>, vector<16xi32> -> vector<16xf32>
        %le3A_208 = arith.cmpf ole, %gather3A_207, %get3A_172 : vector<16xf32>
        %jit3A_209 = arith.constant 1 : i32
        %jit3A_210 = arith.constant 0 : i32
        %broadcast_in_dim3A_211 = vector.broadcast %jit3A_209 : i32 to vector<16xi32>
        %broadcast_in_dim3A_212 = vector.broadcast %jit3A_210 : i32 to vector<16xi32>
        %select_n3A_213 = arith.select %le3A_208, %broadcast_in_dim3A_211, %broadcast_in_dim3A_212 : vector<16xi1>, vector<16xi32>
        %add3A_214 = arith.addi %add3A_201, %select_n3A_213 : vector<16xi32>
        %reshape3A_215 = vector.shape_cast %add3A_214 : vector<16xi32> to vector<16x1xi32>
        %gather3A_216 = vector.shape_cast %reshape3A_215 : vector<16x1xi32> to vector<16xi32>
        %gather3A_217 = tpu.dynamic_gather %get3A_26[%gather3A_216] in [0] : vector<16xf32>, vector<16xi32> -> vector<16xf32>
        %le3A_218 = arith.cmpf ole, %gather3A_217, %get3A_172 : vector<16xf32>
        %jit3A_219 = arith.constant 1 : i32
        %jit3A_220 = arith.constant 0 : i32
        %broadcast_in_dim3A_221 = vector.broadcast %jit3A_219 : i32 to vector<16xi32>
        %broadcast_in_dim3A_222 = vector.broadcast %jit3A_220 : i32 to vector<16xi32>
        %select_n3A_223 = arith.select %le3A_218, %broadcast_in_dim3A_221, %broadcast_in_dim3A_222 : vector<16xi1>, vector<16xi32>
        %add3A_224 = arith.addi %add3A_214, %select_n3A_223 : vector<16xi32>
        %le3A_225 = arith.cmpf ole, %gather3A_34, %get3A_172 : vector<16xf32>
        %jit3A_226 = arith.constant 8 : i32
        %jit3A_227 = arith.constant 0 : i32
        %broadcast_in_dim3A_228 = vector.broadcast %jit3A_226 : i32 to vector<16xi32>
        %broadcast_in_dim3A_229 = vector.broadcast %jit3A_227 : i32 to vector<16xi32>
        %select_n3A_230 = arith.select %le3A_225, %broadcast_in_dim3A_228, %broadcast_in_dim3A_229 : vector<16xi1>, vector<16xi32>
        %add3A_231 = arith.constant 3 : i32
        %add3A_232 = vector.broadcast %add3A_231 : i32 to vector<16xi32>
        %add3A_233 = arith.addi %select_n3A_230, %add3A_232 : vector<16xi32>
        %reshape3A_234 = vector.shape_cast %add3A_233 : vector<16xi32> to vector<16x1xi32>
        %gather3A_235 = vector.shape_cast %reshape3A_234 : vector<16x1xi32> to vector<16xi32>
        %gather3A_236 = tpu.dynamic_gather %get3A_28[%gather3A_235] in [0] : vector<16xf32>, vector<16xi32> -> vector<16xf32>
        %le3A_237 = arith.cmpf ole, %gather3A_236, %get3A_172 : vector<16xf32>
        %jit3A_238 = arith.constant 4 : i32
        %jit3A_239 = arith.constant 0 : i32
        %broadcast_in_dim3A_240 = vector.broadcast %jit3A_238 : i32 to vector<16xi32>
        %broadcast_in_dim3A_241 = vector.broadcast %jit3A_239 : i32 to vector<16xi32>
        %select_n3A_242 = arith.select %le3A_237, %broadcast_in_dim3A_240, %broadcast_in_dim3A_241 : vector<16xi1>, vector<16xi32>
        %add3A_243 = arith.addi %select_n3A_230, %select_n3A_242 : vector<16xi32>
        %add3A_244 = arith.constant 1 : i32
        %add3A_245 = vector.broadcast %add3A_244 : i32 to vector<16xi32>
        %add3A_246 = arith.addi %add3A_243, %add3A_245 : vector<16xi32>
        %reshape3A_247 = vector.shape_cast %add3A_246 : vector<16xi32> to vector<16x1xi32>
        %gather3A_248 = vector.shape_cast %reshape3A_247 : vector<16x1xi32> to vector<16xi32>
        %gather3A_249 = tpu.dynamic_gather %get3A_28[%gather3A_248] in [0] : vector<16xf32>, vector<16xi32> -> vector<16xf32>
        %le3A_250 = arith.cmpf ole, %gather3A_249, %get3A_172 : vector<16xf32>
        %jit3A_251 = arith.constant 2 : i32
        %jit3A_252 = arith.constant 0 : i32
        %broadcast_in_dim3A_253 = vector.broadcast %jit3A_251 : i32 to vector<16xi32>
        %broadcast_in_dim3A_254 = vector.broadcast %jit3A_252 : i32 to vector<16xi32>
        %select_n3A_255 = arith.select %le3A_250, %broadcast_in_dim3A_253, %broadcast_in_dim3A_254 : vector<16xi1>, vector<16xi32>
        %add3A_256 = arith.addi %add3A_243, %select_n3A_255 : vector<16xi32>
        %add3A_257 = arith.constant 0 : i32
        %add3A_258 = vector.broadcast %add3A_257 : i32 to vector<16xi32>
        %add3A_259 = arith.addi %add3A_256, %add3A_258 : vector<16xi32>
        %reshape3A_260 = vector.shape_cast %add3A_259 : vector<16xi32> to vector<16x1xi32>
        %gather3A_261 = vector.shape_cast %reshape3A_260 : vector<16x1xi32> to vector<16xi32>
        %gather3A_262 = tpu.dynamic_gather %get3A_28[%gather3A_261] in [0] : vector<16xf32>, vector<16xi32> -> vector<16xf32>
        %le3A_263 = arith.cmpf ole, %gather3A_262, %get3A_172 : vector<16xf32>
        %jit3A_264 = arith.constant 1 : i32
        %jit3A_265 = arith.constant 0 : i32
        %broadcast_in_dim3A_266 = vector.broadcast %jit3A_264 : i32 to vector<16xi32>
        %broadcast_in_dim3A_267 = vector.broadcast %jit3A_265 : i32 to vector<16xi32>
        %select_n3A_268 = arith.select %le3A_263, %broadcast_in_dim3A_266, %broadcast_in_dim3A_267 : vector<16xi1>, vector<16xi32>
        %add3A_269 = arith.addi %add3A_256, %select_n3A_268 : vector<16xi32>
        %reshape3A_270 = vector.shape_cast %add3A_269 : vector<16xi32> to vector<16x1xi32>
        %gather3A_271 = vector.shape_cast %reshape3A_270 : vector<16x1xi32> to vector<16xi32>
        %gather3A_272 = tpu.dynamic_gather %get3A_28[%gather3A_271] in [0] : vector<16xf32>, vector<16xi32> -> vector<16xf32>
        %le3A_273 = arith.cmpf ole, %gather3A_272, %get3A_172 : vector<16xf32>
        %jit3A_274 = arith.constant 1 : i32
        %jit3A_275 = arith.constant 0 : i32
        %broadcast_in_dim3A_276 = vector.broadcast %jit3A_274 : i32 to vector<16xi32>
        %broadcast_in_dim3A_277 = vector.broadcast %jit3A_275 : i32 to vector<16xi32>
        %select_n3A_278 = arith.select %le3A_273, %broadcast_in_dim3A_276, %broadcast_in_dim3A_277 : vector<16xi1>, vector<16xi32>
        %add3A_279 = arith.addi %add3A_269, %select_n3A_278 : vector<16xi32>
        %add3A_280 = arith.addi %add3A_224, %add3A_279 : vector<16xi32>
        %shift_left3A = arith.constant 4 : i32
        %shift_left3A_281 = vector.broadcast %shift_left3A : i32 to vector<16xi32>
        %shift_left3A_282 = arith.shli %add3A_280, %shift_left3A_281 : vector<16xi32>
        %and3A = arith.constant 7 : i32
        %and3A_283 = arith.andi %while3A_163, %and3A : i32
        %shift_left3A_284 = arith.constant 10 : i32
        %shift_left3A_285 = arith.shli %and3A_283, %shift_left3A_284 : i32
        %add3A_286 = vector.broadcast %shift_left3A_285 : i32 to vector<16xi32>
        %add3A_287 = arith.addi %add3A_286, %iota3A : vector<16xi32>
        %add3A_288 = arith.addi %shift_left3A_282, %add3A_287 : vector<16xi32>
        tpu.vector_store_idx %arg17[%add3A_288], %broadcast_in_dim3A_10 masked %lt3A_168 {add = true} : memref<8192xf32, #tpu.memory_space<vmem>>[vector<16xi32>], vector<16xf32>, vector<16xi1>
      }
      %while3A_162 = arith.constant 1 : i32
      scf.for %while3A_163 = %while3A_160 to %while3A_156 step %while3A_162  : i32 {
        %mul3A_164 = arith.constant 16 : i32
        %mul3A_165 = arith.muli %while3A_163, %mul3A_164 : i32
        %add3A_166 = vector.broadcast %mul3A_165 : i32 to vector<16xi32>
        %add3A_167 = arith.addi %add3A_166, %iota3A : vector<16xi32>
        %lt3A_168 = arith.cmpi slt, %add3A_167, %parallel_loop3A_118#2 : vector<16xi32>
        %mul3A_169 = arith.constant 16 : i32
        %mul3A_170 = arith.muli %while3A_163, %mul3A_169 : i32
        %get3A_171 = arith.index_cast %mul3A_170 : i32 to index
        %get3A_172 = tpu.vector_load %arg15[%get3A_171] {strides = array<i32>} : memref<13824xf32, #tpu.memory_space<vmem>>, vector<16xf32>,
        %le3A = arith.cmpf ole, %gather3A_31, %get3A_172 : vector<16xf32>
        %jit3A = arith.constant 8 : i32
        %jit3A_173 = arith.constant 0 : i32
        %broadcast_in_dim3A_174 = vector.broadcast %jit3A : i32 to vector<16xi32>
        %broadcast_in_dim3A_175 = vector.broadcast %jit3A_173 : i32 to vector<16xi32>
        %select_n3A = arith.select %le3A, %broadcast_in_dim3A_174, %broadcast_in_dim3A_175 : vector<16xi1>, vector<16xi32>
        %add3A_176 = arith.constant 3 : i32
        %add3A_177 = vector.broadcast %add3A_176 : i32 to vector<16xi32>
        %add3A_178 = arith.addi %select_n3A, %add3A_177 : vector<16xi32>
        %reshape3A_179 = vector.shape_cast %add3A_178 : vector<16xi32> to vector<16x1xi32>
        %gather3A_180 = vector.shape_cast %reshape3A_179 : vector<16x1xi32> to vector<16xi32>
        %gather3A_181 = tpu.dynamic_gather %get3A_26[%gather3A_180] in [0] : vector<16xf32>, vector<16xi32> -> vector<16xf32>
        %le3A_182 = arith.cmpf ole, %gather3A_181, %get3A_172 : vector<16xf32>
        %jit3A_183 = arith.constant 4 : i32
        %jit3A_184 = arith.constant 0 : i32
        %broadcast_in_dim3A_185 = vector.broadcast %jit3A_183 : i32 to vector<16xi32>
        %broadcast_in_dim3A_186 = vector.broadcast %jit3A_184 : i32 to vector<16xi32>
        %select_n3A_187 = arith.select %le3A_182, %broadcast_in_dim3A_185, %broadcast_in_dim3A_186 : vector<16xi1>, vector<16xi32>
        %add3A_188 = arith.addi %select_n3A, %select_n3A_187 : vector<16xi32>
        %add3A_189 = arith.constant 1 : i32
        %add3A_190 = vector.broadcast %add3A_189 : i32 to vector<16xi32>
        %add3A_191 = arith.addi %add3A_188, %add3A_190 : vector<16xi32>
        %reshape3A_192 = vector.shape_cast %add3A_191 : vector<16xi32> to vector<16x1xi32>
        %gather3A_193 = vector.shape_cast %reshape3A_192 : vector<16x1xi32> to vector<16xi32>
        %gather3A_194 = tpu.dynamic_gather %get3A_26[%gather3A_193] in [0] : vector<16xf32>, vector<16xi32> -> vector<16xf32>
        %le3A_195 = arith.cmpf ole, %gather3A_194, %get3A_172 : vector<16xf32>
        %jit3A_196 = arith.constant 2 : i32
        %jit3A_197 = arith.constant 0 : i32
        %broadcast_in_dim3A_198 = vector.broadcast %jit3A_196 : i32 to vector<16xi32>
        %broadcast_in_dim3A_199 = vector.broadcast %jit3A_197 : i32 to vector<16xi32>
        %select_n3A_200 = arith.select %le3A_195, %broadcast_in_dim3A_198, %broadcast_in_dim3A_199 : vector<16xi1>, vector<16xi32>
        %add3A_201 = arith.addi %add3A_188, %select_n3A_200 : vector<16xi32>
        %add3A_202 = arith.constant 0 : i32
        %add3A_203 = vector.broadcast %add3A_202 : i32 to vector<16xi32>
        %add3A_204 = arith.addi %add3A_201, %add3A_203 : vector<16xi32>
        %reshape3A_205 = vector.shape_cast %add3A_204 : vector<16xi32> to vector<16x1xi32>
        %gather3A_206 = vector.shape_cast %reshape3A_205 : vector<16x1xi32> to vector<16xi32>
        %gather3A_207 = tpu.dynamic_gather %get3A_26[%gather3A_206] in [0] : vector<16xf32>, vector<16xi32> -> vector<16xf32>
        %le3A_208 = arith.cmpf ole, %gather3A_207, %get3A_172 : vector<16xf32>
        %jit3A_209 = arith.constant 1 : i32
        %jit3A_210 = arith.constant 0 : i32
        %broadcast_in_dim3A_211 = vector.broadcast %jit3A_209 : i32 to vector<16xi32>
        %broadcast_in_dim3A_212 = vector.broadcast %jit3A_210 : i32 to vector<16xi32>
        %select_n3A_213 = arith.select %le3A_208, %broadcast_in_dim3A_211, %broadcast_in_dim3A_212 : vector<16xi1>, vector<16xi32>
        %add3A_214 = arith.addi %add3A_201, %select_n3A_213 : vector<16xi32>
        %reshape3A_215 = vector.shape_cast %add3A_214 : vector<16xi32> to vector<16x1xi32>
        %gather3A_216 = vector.shape_cast %reshape3A_215 : vector<16x1xi32> to vector<16xi32>
        %gather3A_217 = tpu.dynamic_gather %get3A_26[%gather3A_216] in [0] : vector<16xf32>, vector<16xi32> -> vector<16xf32>
        %le3A_218 = arith.cmpf ole, %gather3A_217, %get3A_172 : vector<16xf32>
        %jit3A_219 = arith.constant 1 : i32
        %jit3A_220 = arith.constant 0 : i32
        %broadcast_in_dim3A_221 = vector.broadcast %jit3A_219 : i32 to vector<16xi32>
        %broadcast_in_dim3A_222 = vector.broadcast %jit3A_220 : i32 to vector<16xi32>
        %select_n3A_223 = arith.select %le3A_218, %broadcast_in_dim3A_221, %broadcast_in_dim3A_222 : vector<16xi1>, vector<16xi32>
        %add3A_224 = arith.addi %add3A_214, %select_n3A_223 : vector<16xi32>
        %le3A_225 = arith.cmpf ole, %gather3A_34, %get3A_172 : vector<16xf32>
        %jit3A_226 = arith.constant 8 : i32
        %jit3A_227 = arith.constant 0 : i32
        %broadcast_in_dim3A_228 = vector.broadcast %jit3A_226 : i32 to vector<16xi32>
        %broadcast_in_dim3A_229 = vector.broadcast %jit3A_227 : i32 to vector<16xi32>
        %select_n3A_230 = arith.select %le3A_225, %broadcast_in_dim3A_228, %broadcast_in_dim3A_229 : vector<16xi1>, vector<16xi32>
        %add3A_231 = arith.constant 3 : i32
        %add3A_232 = vector.broadcast %add3A_231 : i32 to vector<16xi32>
        %add3A_233 = arith.addi %select_n3A_230, %add3A_232 : vector<16xi32>
        %reshape3A_234 = vector.shape_cast %add3A_233 : vector<16xi32> to vector<16x1xi32>
        %gather3A_235 = vector.shape_cast %reshape3A_234 : vector<16x1xi32> to vector<16xi32>
        %gather3A_236 = tpu.dynamic_gather %get3A_28[%gather3A_235] in [0] : vector<16xf32>, vector<16xi32> -> vector<16xf32>
        %le3A_237 = arith.cmpf ole, %gather3A_236, %get3A_172 : vector<16xf32>
        %jit3A_238 = arith.constant 4 : i32
        %jit3A_239 = arith.constant 0 : i32
        %broadcast_in_dim3A_240 = vector.broadcast %jit3A_238 : i32 to vector<16xi32>
        %broadcast_in_dim3A_241 = vector.broadcast %jit3A_239 : i32 to vector<16xi32>
        %select_n3A_242 = arith.select %le3A_237, %broadcast_in_dim3A_240, %broadcast_in_dim3A_241 : vector<16xi1>, vector<16xi32>
        %add3A_243 = arith.addi %select_n3A_230, %select_n3A_242 : vector<16xi32>
        %add3A_244 = arith.constant 1 : i32
        %add3A_245 = vector.broadcast %add3A_244 : i32 to vector<16xi32>
        %add3A_246 = arith.addi %add3A_243, %add3A_245 : vector<16xi32>
        %reshape3A_247 = vector.shape_cast %add3A_246 : vector<16xi32> to vector<16x1xi32>
        %gather3A_248 = vector.shape_cast %reshape3A_247 : vector<16x1xi32> to vector<16xi32>
        %gather3A_249 = tpu.dynamic_gather %get3A_28[%gather3A_248] in [0] : vector<16xf32>, vector<16xi32> -> vector<16xf32>
        %le3A_250 = arith.cmpf ole, %gather3A_249, %get3A_172 : vector<16xf32>
        %jit3A_251 = arith.constant 2 : i32
        %jit3A_252 = arith.constant 0 : i32
        %broadcast_in_dim3A_253 = vector.broadcast %jit3A_251 : i32 to vector<16xi32>
        %broadcast_in_dim3A_254 = vector.broadcast %jit3A_252 : i32 to vector<16xi32>
        %select_n3A_255 = arith.select %le3A_250, %broadcast_in_dim3A_253, %broadcast_in_dim3A_254 : vector<16xi1>, vector<16xi32>
        %add3A_256 = arith.addi %add3A_243, %select_n3A_255 : vector<16xi32>
        %add3A_257 = arith.constant 0 : i32
        %add3A_258 = vector.broadcast %add3A_257 : i32 to vector<16xi32>
        %add3A_259 = arith.addi %add3A_256, %add3A_258 : vector<16xi32>
        %reshape3A_260 = vector.shape_cast %add3A_259 : vector<16xi32> to vector<16x1xi32>
        %gather3A_261 = vector.shape_cast %reshape3A_260 : vector<16x1xi32> to vector<16xi32>
        %gather3A_262 = tpu.dynamic_gather %get3A_28[%gather3A_261] in [0] : vector<16xf32>, vector<16xi32> -> vector<16xf32>
        %le3A_263 = arith.cmpf ole, %gather3A_262, %get3A_172 : vector<16xf32>
        %jit3A_264 = arith.constant 1 : i32
        %jit3A_265 = arith.constant 0 : i32
        %broadcast_in_dim3A_266 = vector.broadcast %jit3A_264 : i32 to vector<16xi32>
        %broadcast_in_dim3A_267 = vector.broadcast %jit3A_265 : i32 to vector<16xi32>
        %select_n3A_268 = arith.select %le3A_263, %broadcast_in_dim3A_266, %broadcast_in_dim3A_267 : vector<16xi1>, vector<16xi32>
        %add3A_269 = arith.addi %add3A_256, %select_n3A_268 : vector<16xi32>
        %reshape3A_270 = vector.shape_cast %add3A_269 : vector<16xi32> to vector<16x1xi32>
        %gather3A_271 = vector.shape_cast %reshape3A_270 : vector<16x1xi32> to vector<16xi32>
        %gather3A_272 = tpu.dynamic_gather %get3A_28[%gather3A_271] in [0] : vector<16xf32>, vector<16xi32> -> vector<16xf32>
        %le3A_273 = arith.cmpf ole, %gather3A_272, %get3A_172 : vector<16xf32>
        %jit3A_274 = arith.constant 1 : i32
        %jit3A_275 = arith.constant 0 : i32
        %broadcast_in_dim3A_276 = vector.broadcast %jit3A_274 : i32 to vector<16xi32>
        %broadcast_in_dim3A_277 = vector.broadcast %jit3A_275 : i32 to vector<16xi32>
        %select_n3A_278 = arith.select %le3A_273, %broadcast_in_dim3A_276, %broadcast_in_dim3A_277 : vector<16xi1>, vector<16xi32>
        %add3A_279 = arith.addi %add3A_269, %select_n3A_278 : vector<16xi32>
        %add3A_280 = arith.addi %add3A_224, %add3A_279 : vector<16xi32>
        %shift_left3A = arith.constant 4 : i32
        %shift_left3A_281 = vector.broadcast %shift_left3A : i32 to vector<16xi32>
        %shift_left3A_282 = arith.shli %add3A_280, %shift_left3A_281 : vector<16xi32>
        %and3A = arith.constant 7 : i32
        %and3A_283 = arith.andi %while3A_163, %and3A : i32
        %shift_left3A_284 = arith.constant 10 : i32
        %shift_left3A_285 = arith.shli %and3A_283, %shift_left3A_284 : i32
        %add3A_286 = vector.broadcast %shift_left3A_285 : i32 to vector<16xi32>
        %add3A_287 = arith.addi %add3A_286, %iota3A : vector<16xi32>
        %add3A_288 = arith.addi %shift_left3A_282, %add3A_287 : vector<16xi32>
        tpu.vector_store_idx %arg17[%add3A_288], %broadcast_in_dim3A_10 masked %lt3A_168 {add = true} : memref<8192xf32, #tpu.memory_space<vmem>>[vector<16xi32>], vector<16xf32>, vector<16xi1>
      }
      scf.yield %parallel_loop3A_118#0 : vector<16xf32>
    }
    %scan3A_47 = arith.constant 6 : i32
    %swap3A = arith.constant 0 : index
    %swap3A_48 = tpu.vector_load %arg18[%swap3A] {strides = array<i32>} : memref<16xf32, #tpu.memory_space<vmem>>, vector<16xf32>,
    tpu.vector_store %arg18[%swap3A], %scan3A_46 {strides = array<i32>} : memref<16xf32, #tpu.memory_space<vmem>>, vector<16xf32>,
    "tpu.region"() ({
      %run_scoped3A_50 = tpu.sem_alloc : memref<!tpu.dma_semaphore, #tpu.memory_space<semaphore_mem>>
      %dma_start3A_51 = arith.constant 0 : i32
      %dma_start3A_52 = tpu.memref_slice %arg7[%add3A, %dma_start3A_51] : memref<32x16xf32, #tpu.memory_space<hbm>> -> memref<1x16xf32, #tpu.memory_space<hbm>>
      %dma_start3A_53 = tpu.memref_squeeze %dma_start3A_52 : memref<1x16xf32, #tpu.memory_space<hbm>> -> memref<16xf32, #tpu.memory_space<hbm>>
      %dma_start3A_54 = arith.constant 0 : i32
      %dma_start3A_55 = tpu.memref_slice %arg7[%add3A, %dma_start3A_54] : memref<32x16xf32, #tpu.memory_space<hbm>> -> memref<1x16xf32, #tpu.memory_space<hbm>>
      %dma_start3A_56 = tpu.memref_squeeze %dma_start3A_55 : memref<1x16xf32, #tpu.memory_space<hbm>> -> memref<16xf32, #tpu.memory_space<hbm>>
      tpu.enqueue_dma source(%arg18 : memref<16xf32, #tpu.memory_space<vmem>>) target(%dma_start3A_56 : memref<16xf32, #tpu.memory_space<hbm>>) target_semaphore(%run_scoped3A_50 : memref<!tpu.dma_semaphore, #tpu.memory_space<semaphore_mem>>)
      %dma_wait3A = arith.constant 0 : i32
      %dma_wait3A_57 = tpu.memref_slice %arg7[%add3A, %dma_wait3A] : memref<32x16xf32, #tpu.memory_space<hbm>> -> memref<1x16xf32, #tpu.memory_space<hbm>>
      %dma_wait3A_58 = tpu.memref_squeeze %dma_wait3A_57 : memref<1x16xf32, #tpu.memory_space<hbm>> -> memref<16xf32, #tpu.memory_space<hbm>>
      %dma_wait3A_59 = arith.constant 0 : i32
      %dma_wait3A_60 = tpu.memref_slice %arg7[%add3A, %dma_wait3A_59] : memref<32x16xf32, #tpu.memory_space<hbm>> -> memref<1x16xf32, #tpu.memory_space<hbm>>
      %dma_wait3A_61 = tpu.memref_squeeze %dma_wait3A_60 : memref<1x16xf32, #tpu.memory_space<hbm>> -> memref<16xf32, #tpu.memory_space<hbm>>
      tpu.wait_dma2 semaphore(%run_scoped3A_50 : memref<!tpu.dma_semaphore, #tpu.memory_space<semaphore_mem>>) src(%arg18 : memref<16xf32, #tpu.memory_space<vmem>>) dst(%dma_wait3A_61 : memref<16xf32, #tpu.memory_space<hbm>>)
      tpu.yield
    }) : () -> ()
    %run_scoped3A = arith.constant 0 : i32
    "tpu.region"() ({
      %run_scoped3A_50 = tpu.sem_alloc : memref<!tpu.dma_semaphore, #tpu.memory_space<semaphore_mem>>
      %dma_start3A_51 = arith.constant 0 : i32
      %dma_start3A_52 = tpu.memref_slice %arg6[%add3A, %run_scoped3A, %dma_start3A_51] : memref<32x2x8192xf32, #tpu.memory_space<hbm>> -> memref<1x1x8192xf32, #tpu.memory_space<hbm>>
      %dma_start3A_53 = tpu.memref_squeeze %dma_start3A_52 : memref<1x1x8192xf32, #tpu.memory_space<hbm>> -> memref<8192xf32, #tpu.memory_space<hbm>>
      %dma_start3A_54 = arith.constant 0 : i32
      %dma_start3A_55 = tpu.memref_slice %arg6[%add3A, %run_scoped3A, %dma_start3A_54] : memref<32x2x8192xf32, #tpu.memory_space<hbm>> -> memref<1x1x8192xf32, #tpu.memory_space<hbm>>
      %dma_start3A_56 = tpu.memref_squeeze %dma_start3A_55 : memref<1x1x8192xf32, #tpu.memory_space<hbm>> -> memref<8192xf32, #tpu.memory_space<hbm>>
      tpu.enqueue_dma source(%arg16 : memref<8192xf32, #tpu.memory_space<vmem>>) target(%dma_start3A_56 : memref<8192xf32, #tpu.memory_space<hbm>>) target_semaphore(%run_scoped3A_50 : memref<!tpu.dma_semaphore, #tpu.memory_space<semaphore_mem>>)
      %dma_wait3A = arith.constant 0 : i32
      %dma_wait3A_57 = tpu.memref_slice %arg6[%add3A, %run_scoped3A, %dma_wait3A] : memref<32x2x8192xf32, #tpu.memory_space<hbm>> -> memref<1x1x8192xf32, #tpu.memory_space<hbm>>
      %dma_wait3A_58 = tpu.memref_squeeze %dma_wait3A_57 : memref<1x1x8192xf32, #tpu.memory_space<hbm>> -> memref<8192xf32, #tpu.memory_space<hbm>>
      %dma_wait3A_59 = arith.constant 0 : i32
      %dma_wait3A_60 = tpu.memref_slice %arg6[%add3A, %run_scoped3A, %dma_wait3A_59] : memref<32x2x8192xf32, #tpu.memory_space<hbm>> -> memref<1x1x8192xf32, #tpu.memory_space<hbm>>
      %dma_wait3A_61 = tpu.memref_squeeze %dma_wait3A_60 : memref<1x1x8192xf32, #tpu.memory_space<hbm>> -> memref<8192xf32, #tpu.memory_space<hbm>>
      tpu.wait_dma2 semaphore(%run_scoped3A_50 : memref<!tpu.dma_semaphore, #tpu.memory_space<semaphore_mem>>) src(%arg16 : memref<8192xf32, #tpu.memory_space<vmem>>) dst(%dma_wait3A_61 : memref<8192xf32, #tpu.memory_space<hbm>>)
      tpu.yield
    }) : () -> ()
    %run_scoped3A_49 = arith.constant 1 : i32
    "tpu.region"() ({
      %run_scoped3A_50 = tpu.sem_alloc : memref<!tpu.dma_semaphore, #tpu.memory_space<semaphore_mem>>
      %dma_start3A_51 = arith.constant 0 : i32
      %dma_start3A_52 = tpu.memref_slice %arg6[%add3A, %run_scoped3A_49, %dma_start3A_51] : memref<32x2x8192xf32, #tpu.memory_space<hbm>> -> memref<1x1x8192xf32, #tpu.memory_space<hbm>>
      %dma_start3A_53 = tpu.memref_squeeze %dma_start3A_52 : memref<1x1x8192xf32, #tpu.memory_space<hbm>> -> memref<8192xf32, #tpu.memory_space<hbm>>
      %dma_start3A_54 = arith.constant 0 : i32
      %dma_start3A_55 = tpu.memref_slice %arg6[%add3A, %run_scoped3A_49, %dma_start3A_54] : memref<32x2x8192xf32, #tpu.memory_space<hbm>> -> memref<1x1x8192xf32, #tpu.memory_space<hbm>>
      %dma_start3A_56 = tpu.memref_squeeze %dma_start3A_55 : memref<1x1x8192xf32, #tpu.memory_space<hbm>> -> memref<8192xf32, #tpu.memory_space<hbm>>
      tpu.enqueue_dma source(%arg17 : memref<8192xf32, #tpu.memory_space<vmem>>) target(%dma_start3A_56 : memref<8192xf32, #tpu.memory_space<hbm>>) target_semaphore(%run_scoped3A_50 : memref<!tpu.dma_semaphore, #tpu.memory_space<semaphore_mem>>)
      %dma_wait3A = arith.constant 0 : i32
      %dma_wait3A_57 = tpu.memref_slice %arg6[%add3A, %run_scoped3A_49, %dma_wait3A] : memref<32x2x8192xf32, #tpu.memory_space<hbm>> -> memref<1x1x8192xf32, #tpu.memory_space<hbm>>
      %dma_wait3A_58 = tpu.memref_squeeze %dma_wait3A_57 : memref<1x1x8192xf32, #tpu.memory_space<hbm>> -> memref<8192xf32, #tpu.memory_space<hbm>>
      %dma_wait3A_59 = arith.constant 0 : i32
      %dma_wait3A_60 = tpu.memref_slice %arg6[%add3A, %run_scoped3A_49, %dma_wait3A_59] : memref<32x2x8192xf32, #tpu.memory_space<hbm>> -> memref<1x1x8192xf32, #tpu.memory_space<hbm>>
      %dma_wait3A_61 = tpu.memref_squeeze %dma_wait3A_60 : memref<1x1x8192xf32, #tpu.memory_space<hbm>> -> memref<8192xf32, #tpu.memory_space<hbm>>
      tpu.wait_dma2 semaphore(%run_scoped3A_50 : memref<!tpu.dma_semaphore, #tpu.memory_space<semaphore_mem>>) src(%arg17 : memref<8192xf32, #tpu.memory_space<vmem>>) dst(%dma_wait3A_61 : memref<8192xf32, #tpu.memory_space<hbm>>)
      tpu.yield
    }) : () -> ()
    return
  }
}

module attributes {stable_mosaic.version = 14 : i64} {
  func.func @_tc_body(%arg0: i32, %arg1: i32, %arg2: memref<16x2xf32, #tpu.memory_space<smem>>, %arg3: memref<1x720x128xf32, #tpu.memory_space<vmem>>, %arg4: memref<1x720x128xf32, #tpu.memory_space<vmem>>, %arg5: memref<1x40x128xf32, #tpu.memory_space<vmem>>) attributes {dimension_semantics = [#tpu.dimension_semantics<arbitrary>, #tpu.dimension_semantics<arbitrary>], iteration_bounds = array<i64: 16, 6>, scalar_prefetch = 0 : i64, scratch_operands = 0 : i64, tpu.core_type = #tpu.core_type<tc>, window_params = [{transform_indices = @transform_0, window_bounds = array<i64: 16, 2>}, {transform_indices = @transform_1, window_bounds = array<i64: 1, 720, 128>}, {transform_indices = @transform_2, window_bounds = array<i64: 1, 720, 128>}, {transform_indices = @transform_3, window_bounds = array<i64: 1, 40, 128>}]} {
    %eq3A = arith.constant 0 : i32
    %eq3A_0 = arith.cmpi eq, %arg1, %eq3A : i32
    %convert_element_type3A = arith.extui %eq3A_0 : i1 to i32
    %cond3A = arith.constant 0 : i32
    %cond3A_1 = arith.cmpi ne, %convert_element_type3A, %cond3A : i32
    scf.if %cond3A_1 {
      %broadcast_in_dim3A_890 = arith.constant 0.000000e+00 : f32
      %broadcast_in_dim3A_891 = vector.broadcast %broadcast_in_dim3A_890 : f32 to vector<1x40x128xf32>
      %swap3A_892 = arith.constant 0 : index
      %swap3A_893 = arith.constant 0 : index
      %swap3A_894 = arith.constant 0 : index
      %swap3A_895 = vector.load %arg5[%swap3A_892, %swap3A_893, %swap3A_894] : memref<1x40x128xf32, #tpu.memory_space<vmem>>, vector<1x40x128xf32>
      tpu.vector_store %arg5[%swap3A_892, %swap3A_893, %swap3A_894], %broadcast_in_dim3A_891 {strides = array<i32>} : memref<1x40x128xf32, #tpu.memory_space<vmem>>, vector<1x40x128xf32>,
    } else {
    }
    %get3A = arith.constant 0 : index
    %get3A_2 = arith.constant 0 : index
    %get3A_3 = arith.constant 0 : index
    %get3A_4 = vector.load %arg3[%get3A, %get3A_2, %get3A_3] : memref<1x720x128xf32, #tpu.memory_space<vmem>>, vector<1x720x128xf32>
    %get3A_5 = vector.shape_cast %get3A_4 : vector<1x720x128xf32> to vector<720x128xf32>
    %get3A_6 = arith.constant 0 : index
    %get3A_7 = arith.constant 0 : index
    %get3A_8 = arith.constant 0 : index
    %get3A_9 = vector.load %arg4[%get3A_6, %get3A_7, %get3A_8] : memref<1x720x128xf32, #tpu.memory_space<vmem>>, vector<1x720x128xf32>
    %get3A_10 = vector.shape_cast %get3A_9 : vector<1x720x128xf32> to vector<720x128xf32>
    %sub3A = arith.subf %get3A_5, %get3A_10 : vector<720x128xf32>
    %abs3A = math.absf %sub3A : vector<720x128xf32>
    %get3A_11 = arith.constant 0 : index
    %get3A_12 = arith.constant 32 : index
    %get3A_13 = arith.constant 0 : index
    %get3A_14 = vector.load %arg5[%get3A_11, %get3A_12, %get3A_13] : memref<1x40x128xf32, #tpu.memory_space<vmem>>, vector<1x1x128xf32>
    %get3A_15 = vector.shape_cast %get3A_14 : vector<1x1x128xf32> to vector<128xf32>
    %lt3A = arith.constant 1.000000e+00 : f32
    %lt3A_16 = vector.broadcast %lt3A : f32 to vector<720x128xf32>
    %lt3A_17 = arith.cmpf olt, %abs3A, %lt3A_16 : vector<720x128xf32>
    %mul3A = arith.constant 5.000000e-01 : f32
    %mul3A_18 = vector.broadcast %mul3A : f32 to vector<720x128xf32>
    %mul3A_19 = arith.mulf %mul3A_18, %sub3A : vector<720x128xf32>
    %mul3A_20 = arith.mulf %mul3A_19, %sub3A : vector<720x128xf32>
    %sub3A_21 = arith.constant 5.000000e-01 : f32
    %sub3A_22 = vector.broadcast %sub3A_21 : f32 to vector<720x128xf32>
    %sub3A_23 = arith.subf %abs3A, %sub3A_22 : vector<720x128xf32>
    %select_n3A = arith.select %lt3A_17, %mul3A_20, %sub3A_23 : vector<720x128xi1>, vector<720x128xf32>
    %reduce_sum3A = arith.constant dense<0.000000e+00> : vector<128xf32>
    %reduce_sum3A_24 = vector.multi_reduction <add>, %select_n3A, %reduce_sum3A [0] : vector<720x128xf32> to vector<128xf32>
    %add3A = arith.addf %get3A_15, %reduce_sum3A_24 : vector<128xf32>
    %swap3A = arith.constant 0 : index
    %swap3A_25 = arith.constant 32 : index
    %swap3A_26 = arith.constant 0 : index
    %swap3A_27 = vector.load %arg5[%swap3A, %swap3A_25, %swap3A_26] : memref<1x40x128xf32, #tpu.memory_space<vmem>>, vector<1x1x128xf32>
    %swap3A_28 = vector.shape_cast %swap3A_27 : vector<1x1x128xf32> to vector<128xf32>
    %swap3A_29 = vector.shape_cast %add3A : vector<128xf32> to vector<1x1x128xf32>
    tpu.vector_store %arg5[%swap3A, %swap3A_25, %swap3A_26], %swap3A_29 {strides = array<i32>} : memref<1x40x128xf32, #tpu.memory_space<vmem>>, vector<1x1x128xf32>,
    %get3A_30 = arith.constant 0 : index
    %get3A_31 = arith.constant 0 : index
    %get3A_32 = memref.load %arg2[%get3A_30, %get3A_31] : memref<16x2xf32, #tpu.memory_space<smem>>
    %get3A_33 = arith.constant 0 : index
    %get3A_34 = arith.constant 1 : index
    %get3A_35 = memref.load %arg2[%get3A_33, %get3A_34] : memref<16x2xf32, #tpu.memory_space<smem>>
    %get3A_36 = arith.constant 0 : index
    %get3A_37 = arith.constant 0 : index
    %get3A_38 = arith.constant 0 : index
    %get3A_39 = vector.load %arg5[%get3A_36, %get3A_37, %get3A_38] : memref<1x40x128xf32, #tpu.memory_space<vmem>>, vector<1x1x128xf32>
    %get3A_40 = vector.shape_cast %get3A_39 : vector<1x1x128xf32> to vector<128xf32>
    %ge3A = vector.broadcast %get3A_32 : f32 to vector<720x128xf32>
    %ge3A_41 = arith.cmpf oge, %get3A_5, %ge3A : vector<720x128xf32>
    %lt3A_42 = vector.broadcast %get3A_35 : f32 to vector<720x128xf32>
    %lt3A_43 = arith.cmpf olt, %get3A_5, %lt3A_42 : vector<720x128xf32>
    %and3A = arith.andi %ge3A_41, %lt3A_43 : vector<720x128xi1>
    %jit3A = arith.constant 1.000000e+00 : f32
    %jit3A_44 = arith.constant 0.000000e+00 : f32
    %broadcast_in_dim3A = vector.broadcast %jit3A : f32 to vector<720x128xf32>
    %broadcast_in_dim3A_45 = vector.broadcast %jit3A_44 : f32 to vector<720x128xf32>
    %select_n3A_46 = arith.select %and3A, %broadcast_in_dim3A, %broadcast_in_dim3A_45 : vector<720x128xi1>, vector<720x128xf32>
    %reduce_sum3A_47 = arith.constant dense<0.000000e+00> : vector<128xf32>
    %reduce_sum3A_48 = vector.multi_reduction <add>, %select_n3A_46, %reduce_sum3A_47 [0] : vector<720x128xf32> to vector<128xf32>
    %add3A_49 = arith.addf %get3A_40, %reduce_sum3A_48 : vector<128xf32>
    %swap3A_50 = arith.constant 0 : index
    %swap3A_51 = arith.constant 0 : index
    %swap3A_52 = arith.constant 0 : index
    %swap3A_53 = vector.load %arg5[%swap3A_50, %swap3A_51, %swap3A_52] : memref<1x40x128xf32, #tpu.memory_space<vmem>>, vector<1x1x128xf32>
    %swap3A_54 = vector.shape_cast %swap3A_53 : vector<1x1x128xf32> to vector<128xf32>
    %swap3A_55 = vector.shape_cast %add3A_49 : vector<128xf32> to vector<1x1x128xf32>
    tpu.vector_store %arg5[%swap3A_50, %swap3A_51, %swap3A_52], %swap3A_55 {strides = array<i32>} : memref<1x40x128xf32, #tpu.memory_space<vmem>>, vector<1x1x128xf32>,
    %get3A_56 = arith.constant 0 : index
    %get3A_57 = arith.constant 16 : index
    %get3A_58 = arith.constant 0 : index
    %get3A_59 = vector.load %arg5[%get3A_56, %get3A_57, %get3A_58] : memref<1x40x128xf32, #tpu.memory_space<vmem>>, vector<1x1x128xf32>
    %get3A_60 = vector.shape_cast %get3A_59 : vector<1x1x128xf32> to vector<128xf32>
    %ge3A_61 = vector.broadcast %get3A_32 : f32 to vector<720x128xf32>
    %ge3A_62 = arith.cmpf oge, %get3A_10, %ge3A_61 : vector<720x128xf32>
    %lt3A_63 = vector.broadcast %get3A_35 : f32 to vector<720x128xf32>
    %lt3A_64 = arith.cmpf olt, %get3A_10, %lt3A_63 : vector<720x128xf32>
    %and3A_65 = arith.andi %ge3A_62, %lt3A_64 : vector<720x128xi1>
    %jit3A_66 = arith.constant 1.000000e+00 : f32
    %jit3A_67 = arith.constant 0.000000e+00 : f32
    %broadcast_in_dim3A_68 = vector.broadcast %jit3A_66 : f32 to vector<720x128xf32>
    %broadcast_in_dim3A_69 = vector.broadcast %jit3A_67 : f32 to vector<720x128xf32>
    %select_n3A_70 = arith.select %and3A_65, %broadcast_in_dim3A_68, %broadcast_in_dim3A_69 : vector<720x128xi1>, vector<720x128xf32>
    %reduce_sum3A_71 = arith.constant dense<0.000000e+00> : vector<128xf32>
    %reduce_sum3A_72 = vector.multi_reduction <add>, %select_n3A_70, %reduce_sum3A_71 [0] : vector<720x128xf32> to vector<128xf32>
    %add3A_73 = arith.addf %get3A_60, %reduce_sum3A_72 : vector<128xf32>
    %swap3A_74 = arith.constant 0 : index
    %swap3A_75 = arith.constant 16 : index
    %swap3A_76 = arith.constant 0 : index
    %swap3A_77 = vector.load %arg5[%swap3A_74, %swap3A_75, %swap3A_76] : memref<1x40x128xf32, #tpu.memory_space<vmem>>, vector<1x1x128xf32>
    %swap3A_78 = vector.shape_cast %swap3A_77 : vector<1x1x128xf32> to vector<128xf32>
    %swap3A_79 = vector.shape_cast %add3A_73 : vector<128xf32> to vector<1x1x128xf32>
    tpu.vector_store %arg5[%swap3A_74, %swap3A_75, %swap3A_76], %swap3A_79 {strides = array<i32>} : memref<1x40x128xf32, #tpu.memory_space<vmem>>, vector<1x1x128xf32>,
    %get3A_80 = arith.constant 1 : index
    %get3A_81 = arith.constant 0 : index
    %get3A_82 = memref.load %arg2[%get3A_80, %get3A_81] : memref<16x2xf32, #tpu.memory_space<smem>>
    %get3A_83 = arith.constant 1 : index
    %get3A_84 = arith.constant 1 : index
    %get3A_85 = memref.load %arg2[%get3A_83, %get3A_84] : memref<16x2xf32, #tpu.memory_space<smem>>
    %get3A_86 = arith.constant 0 : index
    %get3A_87 = arith.constant 1 : index
    %get3A_88 = arith.constant 0 : index
    %get3A_89 = vector.load %arg5[%get3A_86, %get3A_87, %get3A_88] : memref<1x40x128xf32, #tpu.memory_space<vmem>>, vector<1x1x128xf32>
    %get3A_90 = vector.shape_cast %get3A_89 : vector<1x1x128xf32> to vector<128xf32>
    %ge3A_91 = vector.broadcast %get3A_82 : f32 to vector<720x128xf32>
    %ge3A_92 = arith.cmpf oge, %get3A_5, %ge3A_91 : vector<720x128xf32>
    %lt3A_93 = vector.broadcast %get3A_85 : f32 to vector<720x128xf32>
    %lt3A_94 = arith.cmpf olt, %get3A_5, %lt3A_93 : vector<720x128xf32>
    %and3A_95 = arith.andi %ge3A_92, %lt3A_94 : vector<720x128xi1>
    %jit3A_96 = arith.constant 1.000000e+00 : f32
    %jit3A_97 = arith.constant 0.000000e+00 : f32
    %broadcast_in_dim3A_98 = vector.broadcast %jit3A_96 : f32 to vector<720x128xf32>
    %broadcast_in_dim3A_99 = vector.broadcast %jit3A_97 : f32 to vector<720x128xf32>
    %select_n3A_100 = arith.select %and3A_95, %broadcast_in_dim3A_98, %broadcast_in_dim3A_99 : vector<720x128xi1>, vector<720x128xf32>
    %reduce_sum3A_101 = arith.constant dense<0.000000e+00> : vector<128xf32>
    %reduce_sum3A_102 = vector.multi_reduction <add>, %select_n3A_100, %reduce_sum3A_101 [0] : vector<720x128xf32> to vector<128xf32>
    %add3A_103 = arith.addf %get3A_90, %reduce_sum3A_102 : vector<128xf32>
    %swap3A_104 = arith.constant 0 : index
    %swap3A_105 = arith.constant 1 : index
    %swap3A_106 = arith.constant 0 : index
    %swap3A_107 = vector.load %arg5[%swap3A_104, %swap3A_105, %swap3A_106] : memref<1x40x128xf32, #tpu.memory_space<vmem>>, vector<1x1x128xf32>
    %swap3A_108 = vector.shape_cast %swap3A_107 : vector<1x1x128xf32> to vector<128xf32>
    %swap3A_109 = vector.shape_cast %add3A_103 : vector<128xf32> to vector<1x1x128xf32>
    tpu.vector_store %arg5[%swap3A_104, %swap3A_105, %swap3A_106], %swap3A_109 {strides = array<i32>} : memref<1x40x128xf32, #tpu.memory_space<vmem>>, vector<1x1x128xf32>,
    %get3A_110 = arith.constant 0 : index
    %get3A_111 = arith.constant 17 : index
    %get3A_112 = arith.constant 0 : index
    %get3A_113 = vector.load %arg5[%get3A_110, %get3A_111, %get3A_112] : memref<1x40x128xf32, #tpu.memory_space<vmem>>, vector<1x1x128xf32>
    %get3A_114 = vector.shape_cast %get3A_113 : vector<1x1x128xf32> to vector<128xf32>
    %ge3A_115 = vector.broadcast %get3A_82 : f32 to vector<720x128xf32>
    %ge3A_116 = arith.cmpf oge, %get3A_10, %ge3A_115 : vector<720x128xf32>
    %lt3A_117 = vector.broadcast %get3A_85 : f32 to vector<720x128xf32>
    %lt3A_118 = arith.cmpf olt, %get3A_10, %lt3A_117 : vector<720x128xf32>
    %and3A_119 = arith.andi %ge3A_116, %lt3A_118 : vector<720x128xi1>
    %jit3A_120 = arith.constant 1.000000e+00 : f32
    %jit3A_121 = arith.constant 0.000000e+00 : f32
    %broadcast_in_dim3A_122 = vector.broadcast %jit3A_120 : f32 to vector<720x128xf32>
    %broadcast_in_dim3A_123 = vector.broadcast %jit3A_121 : f32 to vector<720x128xf32>
    %select_n3A_124 = arith.select %and3A_119, %broadcast_in_dim3A_122, %broadcast_in_dim3A_123 : vector<720x128xi1>, vector<720x128xf32>
    %reduce_sum3A_125 = arith.constant dense<0.000000e+00> : vector<128xf32>
    %reduce_sum3A_126 = vector.multi_reduction <add>, %select_n3A_124, %reduce_sum3A_125 [0] : vector<720x128xf32> to vector<128xf32>
    %add3A_127 = arith.addf %get3A_114, %reduce_sum3A_126 : vector<128xf32>
    %swap3A_128 = arith.constant 0 : index
    %swap3A_129 = arith.constant 17 : index
    %swap3A_130 = arith.constant 0 : index
    %swap3A_131 = vector.load %arg5[%swap3A_128, %swap3A_129, %swap3A_130] : memref<1x40x128xf32, #tpu.memory_space<vmem>>, vector<1x1x128xf32>
    %swap3A_132 = vector.shape_cast %swap3A_131 : vector<1x1x128xf32> to vector<128xf32>
    %swap3A_133 = vector.shape_cast %add3A_127 : vector<128xf32> to vector<1x1x128xf32>
    tpu.vector_store %arg5[%swap3A_128, %swap3A_129, %swap3A_130], %swap3A_133 {strides = array<i32>} : memref<1x40x128xf32, #tpu.memory_space<vmem>>, vector<1x1x128xf32>,
    %get3A_134 = arith.constant 2 : index
    %get3A_135 = arith.constant 0 : index
    %get3A_136 = memref.load %arg2[%get3A_134, %get3A_135] : memref<16x2xf32, #tpu.memory_space<smem>>
    %get3A_137 = arith.constant 2 : index
    %get3A_138 = arith.constant 1 : index
    %get3A_139 = memref.load %arg2[%get3A_137, %get3A_138] : memref<16x2xf32, #tpu.memory_space<smem>>
    %get3A_140 = arith.constant 0 : index
    %get3A_141 = arith.constant 2 : index
    %get3A_142 = arith.constant 0 : index
    %get3A_143 = vector.load %arg5[%get3A_140, %get3A_141, %get3A_142] : memref<1x40x128xf32, #tpu.memory_space<vmem>>, vector<1x1x128xf32>
    %get3A_144 = vector.shape_cast %get3A_143 : vector<1x1x128xf32> to vector<128xf32>
    %ge3A_145 = vector.broadcast %get3A_136 : f32 to vector<720x128xf32>
    %ge3A_146 = arith.cmpf oge, %get3A_5, %ge3A_145 : vector<720x128xf32>
    %lt3A_147 = vector.broadcast %get3A_139 : f32 to vector<720x128xf32>
    %lt3A_148 = arith.cmpf olt, %get3A_5, %lt3A_147 : vector<720x128xf32>
    %and3A_149 = arith.andi %ge3A_146, %lt3A_148 : vector<720x128xi1>
    %jit3A_150 = arith.constant 1.000000e+00 : f32
    %jit3A_151 = arith.constant 0.000000e+00 : f32
    %broadcast_in_dim3A_152 = vector.broadcast %jit3A_150 : f32 to vector<720x128xf32>
    %broadcast_in_dim3A_153 = vector.broadcast %jit3A_151 : f32 to vector<720x128xf32>
    %select_n3A_154 = arith.select %and3A_149, %broadcast_in_dim3A_152, %broadcast_in_dim3A_153 : vector<720x128xi1>, vector<720x128xf32>
    %reduce_sum3A_155 = arith.constant dense<0.000000e+00> : vector<128xf32>
    %reduce_sum3A_156 = vector.multi_reduction <add>, %select_n3A_154, %reduce_sum3A_155 [0] : vector<720x128xf32> to vector<128xf32>
    %add3A_157 = arith.addf %get3A_144, %reduce_sum3A_156 : vector<128xf32>
    %swap3A_158 = arith.constant 0 : index
    %swap3A_159 = arith.constant 2 : index
    %swap3A_160 = arith.constant 0 : index
    %swap3A_161 = vector.load %arg5[%swap3A_158, %swap3A_159, %swap3A_160] : memref<1x40x128xf32, #tpu.memory_space<vmem>>, vector<1x1x128xf32>
    %swap3A_162 = vector.shape_cast %swap3A_161 : vector<1x1x128xf32> to vector<128xf32>
    %swap3A_163 = vector.shape_cast %add3A_157 : vector<128xf32> to vector<1x1x128xf32>
    tpu.vector_store %arg5[%swap3A_158, %swap3A_159, %swap3A_160], %swap3A_163 {strides = array<i32>} : memref<1x40x128xf32, #tpu.memory_space<vmem>>, vector<1x1x128xf32>,
    %get3A_164 = arith.constant 0 : index
    %get3A_165 = arith.constant 18 : index
    %get3A_166 = arith.constant 0 : index
    %get3A_167 = vector.load %arg5[%get3A_164, %get3A_165, %get3A_166] : memref<1x40x128xf32, #tpu.memory_space<vmem>>, vector<1x1x128xf32>
    %get3A_168 = vector.shape_cast %get3A_167 : vector<1x1x128xf32> to vector<128xf32>
    %ge3A_169 = vector.broadcast %get3A_136 : f32 to vector<720x128xf32>
    %ge3A_170 = arith.cmpf oge, %get3A_10, %ge3A_169 : vector<720x128xf32>
    %lt3A_171 = vector.broadcast %get3A_139 : f32 to vector<720x128xf32>
    %lt3A_172 = arith.cmpf olt, %get3A_10, %lt3A_171 : vector<720x128xf32>
    %and3A_173 = arith.andi %ge3A_170, %lt3A_172 : vector<720x128xi1>
    %jit3A_174 = arith.constant 1.000000e+00 : f32
    %jit3A_175 = arith.constant 0.000000e+00 : f32
    %broadcast_in_dim3A_176 = vector.broadcast %jit3A_174 : f32 to vector<720x128xf32>
    %broadcast_in_dim3A_177 = vector.broadcast %jit3A_175 : f32 to vector<720x128xf32>
    %select_n3A_178 = arith.select %and3A_173, %broadcast_in_dim3A_176, %broadcast_in_dim3A_177 : vector<720x128xi1>, vector<720x128xf32>
    %reduce_sum3A_179 = arith.constant dense<0.000000e+00> : vector<128xf32>
    %reduce_sum3A_180 = vector.multi_reduction <add>, %select_n3A_178, %reduce_sum3A_179 [0] : vector<720x128xf32> to vector<128xf32>
    %add3A_181 = arith.addf %get3A_168, %reduce_sum3A_180 : vector<128xf32>
    %swap3A_182 = arith.constant 0 : index
    %swap3A_183 = arith.constant 18 : index
    %swap3A_184 = arith.constant 0 : index
    %swap3A_185 = vector.load %arg5[%swap3A_182, %swap3A_183, %swap3A_184] : memref<1x40x128xf32, #tpu.memory_space<vmem>>, vector<1x1x128xf32>
    %swap3A_186 = vector.shape_cast %swap3A_185 : vector<1x1x128xf32> to vector<128xf32>
    %swap3A_187 = vector.shape_cast %add3A_181 : vector<128xf32> to vector<1x1x128xf32>
    tpu.vector_store %arg5[%swap3A_182, %swap3A_183, %swap3A_184], %swap3A_187 {strides = array<i32>} : memref<1x40x128xf32, #tpu.memory_space<vmem>>, vector<1x1x128xf32>,
    %get3A_188 = arith.constant 3 : index
    %get3A_189 = arith.constant 0 : index
    %get3A_190 = memref.load %arg2[%get3A_188, %get3A_189] : memref<16x2xf32, #tpu.memory_space<smem>>
    %get3A_191 = arith.constant 3 : index
    %get3A_192 = arith.constant 1 : index
    %get3A_193 = memref.load %arg2[%get3A_191, %get3A_192] : memref<16x2xf32, #tpu.memory_space<smem>>
    %get3A_194 = arith.constant 0 : index
    %get3A_195 = arith.constant 3 : index
    %get3A_196 = arith.constant 0 : index
    %get3A_197 = vector.load %arg5[%get3A_194, %get3A_195, %get3A_196] : memref<1x40x128xf32, #tpu.memory_space<vmem>>, vector<1x1x128xf32>
    %get3A_198 = vector.shape_cast %get3A_197 : vector<1x1x128xf32> to vector<128xf32>
    %ge3A_199 = vector.broadcast %get3A_190 : f32 to vector<720x128xf32>
    %ge3A_200 = arith.cmpf oge, %get3A_5, %ge3A_199 : vector<720x128xf32>
    %lt3A_201 = vector.broadcast %get3A_193 : f32 to vector<720x128xf32>
    %lt3A_202 = arith.cmpf olt, %get3A_5, %lt3A_201 : vector<720x128xf32>
    %and3A_203 = arith.andi %ge3A_200, %lt3A_202 : vector<720x128xi1>
    %jit3A_204 = arith.constant 1.000000e+00 : f32
    %jit3A_205 = arith.constant 0.000000e+00 : f32
    %broadcast_in_dim3A_206 = vector.broadcast %jit3A_204 : f32 to vector<720x128xf32>
    %broadcast_in_dim3A_207 = vector.broadcast %jit3A_205 : f32 to vector<720x128xf32>
    %select_n3A_208 = arith.select %and3A_203, %broadcast_in_dim3A_206, %broadcast_in_dim3A_207 : vector<720x128xi1>, vector<720x128xf32>
    %reduce_sum3A_209 = arith.constant dense<0.000000e+00> : vector<128xf32>
    %reduce_sum3A_210 = vector.multi_reduction <add>, %select_n3A_208, %reduce_sum3A_209 [0] : vector<720x128xf32> to vector<128xf32>
    %add3A_211 = arith.addf %get3A_198, %reduce_sum3A_210 : vector<128xf32>
    %swap3A_212 = arith.constant 0 : index
    %swap3A_213 = arith.constant 3 : index
    %swap3A_214 = arith.constant 0 : index
    %swap3A_215 = vector.load %arg5[%swap3A_212, %swap3A_213, %swap3A_214] : memref<1x40x128xf32, #tpu.memory_space<vmem>>, vector<1x1x128xf32>
    %swap3A_216 = vector.shape_cast %swap3A_215 : vector<1x1x128xf32> to vector<128xf32>
    %swap3A_217 = vector.shape_cast %add3A_211 : vector<128xf32> to vector<1x1x128xf32>
    tpu.vector_store %arg5[%swap3A_212, %swap3A_213, %swap3A_214], %swap3A_217 {strides = array<i32>} : memref<1x40x128xf32, #tpu.memory_space<vmem>>, vector<1x1x128xf32>,
    %get3A_218 = arith.constant 0 : index
    %get3A_219 = arith.constant 19 : index
    %get3A_220 = arith.constant 0 : index
    %get3A_221 = vector.load %arg5[%get3A_218, %get3A_219, %get3A_220] : memref<1x40x128xf32, #tpu.memory_space<vmem>>, vector<1x1x128xf32>
    %get3A_222 = vector.shape_cast %get3A_221 : vector<1x1x128xf32> to vector<128xf32>
    %ge3A_223 = vector.broadcast %get3A_190 : f32 to vector<720x128xf32>
    %ge3A_224 = arith.cmpf oge, %get3A_10, %ge3A_223 : vector<720x128xf32>
    %lt3A_225 = vector.broadcast %get3A_193 : f32 to vector<720x128xf32>
    %lt3A_226 = arith.cmpf olt, %get3A_10, %lt3A_225 : vector<720x128xf32>
    %and3A_227 = arith.andi %ge3A_224, %lt3A_226 : vector<720x128xi1>
    %jit3A_228 = arith.constant 1.000000e+00 : f32
    %jit3A_229 = arith.constant 0.000000e+00 : f32
    %broadcast_in_dim3A_230 = vector.broadcast %jit3A_228 : f32 to vector<720x128xf32>
    %broadcast_in_dim3A_231 = vector.broadcast %jit3A_229 : f32 to vector<720x128xf32>
    %select_n3A_232 = arith.select %and3A_227, %broadcast_in_dim3A_230, %broadcast_in_dim3A_231 : vector<720x128xi1>, vector<720x128xf32>
    %reduce_sum3A_233 = arith.constant dense<0.000000e+00> : vector<128xf32>
    %reduce_sum3A_234 = vector.multi_reduction <add>, %select_n3A_232, %reduce_sum3A_233 [0] : vector<720x128xf32> to vector<128xf32>
    %add3A_235 = arith.addf %get3A_222, %reduce_sum3A_234 : vector<128xf32>
    %swap3A_236 = arith.constant 0 : index
    %swap3A_237 = arith.constant 19 : index
    %swap3A_238 = arith.constant 0 : index
    %swap3A_239 = vector.load %arg5[%swap3A_236, %swap3A_237, %swap3A_238] : memref<1x40x128xf32, #tpu.memory_space<vmem>>, vector<1x1x128xf32>
    %swap3A_240 = vector.shape_cast %swap3A_239 : vector<1x1x128xf32> to vector<128xf32>
    %swap3A_241 = vector.shape_cast %add3A_235 : vector<128xf32> to vector<1x1x128xf32>
    tpu.vector_store %arg5[%swap3A_236, %swap3A_237, %swap3A_238], %swap3A_241 {strides = array<i32>} : memref<1x40x128xf32, #tpu.memory_space<vmem>>, vector<1x1x128xf32>,
    %get3A_242 = arith.constant 4 : index
    %get3A_243 = arith.constant 0 : index
    %get3A_244 = memref.load %arg2[%get3A_242, %get3A_243] : memref<16x2xf32, #tpu.memory_space<smem>>
    %get3A_245 = arith.constant 4 : index
    %get3A_246 = arith.constant 1 : index
    %get3A_247 = memref.load %arg2[%get3A_245, %get3A_246] : memref<16x2xf32, #tpu.memory_space<smem>>
    %get3A_248 = arith.constant 0 : index
    %get3A_249 = arith.constant 4 : index
    %get3A_250 = arith.constant 0 : index
    %get3A_251 = vector.load %arg5[%get3A_248, %get3A_249, %get3A_250] : memref<1x40x128xf32, #tpu.memory_space<vmem>>, vector<1x1x128xf32>
    %get3A_252 = vector.shape_cast %get3A_251 : vector<1x1x128xf32> to vector<128xf32>
    %ge3A_253 = vector.broadcast %get3A_244 : f32 to vector<720x128xf32>
    %ge3A_254 = arith.cmpf oge, %get3A_5, %ge3A_253 : vector<720x128xf32>
    %lt3A_255 = vector.broadcast %get3A_247 : f32 to vector<720x128xf32>
    %lt3A_256 = arith.cmpf olt, %get3A_5, %lt3A_255 : vector<720x128xf32>
    %and3A_257 = arith.andi %ge3A_254, %lt3A_256 : vector<720x128xi1>
    %jit3A_258 = arith.constant 1.000000e+00 : f32
    %jit3A_259 = arith.constant 0.000000e+00 : f32
    %broadcast_in_dim3A_260 = vector.broadcast %jit3A_258 : f32 to vector<720x128xf32>
    %broadcast_in_dim3A_261 = vector.broadcast %jit3A_259 : f32 to vector<720x128xf32>
    %select_n3A_262 = arith.select %and3A_257, %broadcast_in_dim3A_260, %broadcast_in_dim3A_261 : vector<720x128xi1>, vector<720x128xf32>
    %reduce_sum3A_263 = arith.constant dense<0.000000e+00> : vector<128xf32>
    %reduce_sum3A_264 = vector.multi_reduction <add>, %select_n3A_262, %reduce_sum3A_263 [0] : vector<720x128xf32> to vector<128xf32>
    %add3A_265 = arith.addf %get3A_252, %reduce_sum3A_264 : vector<128xf32>
    %swap3A_266 = arith.constant 0 : index
    %swap3A_267 = arith.constant 4 : index
    %swap3A_268 = arith.constant 0 : index
    %swap3A_269 = vector.load %arg5[%swap3A_266, %swap3A_267, %swap3A_268] : memref<1x40x128xf32, #tpu.memory_space<vmem>>, vector<1x1x128xf32>
    %swap3A_270 = vector.shape_cast %swap3A_269 : vector<1x1x128xf32> to vector<128xf32>
    %swap3A_271 = vector.shape_cast %add3A_265 : vector<128xf32> to vector<1x1x128xf32>
    tpu.vector_store %arg5[%swap3A_266, %swap3A_267, %swap3A_268], %swap3A_271 {strides = array<i32>} : memref<1x40x128xf32, #tpu.memory_space<vmem>>, vector<1x1x128xf32>,
    %get3A_272 = arith.constant 0 : index
    %get3A_273 = arith.constant 20 : index
    %get3A_274 = arith.constant 0 : index
    %get3A_275 = vector.load %arg5[%get3A_272, %get3A_273, %get3A_274] : memref<1x40x128xf32, #tpu.memory_space<vmem>>, vector<1x1x128xf32>
    %get3A_276 = vector.shape_cast %get3A_275 : vector<1x1x128xf32> to vector<128xf32>
    %ge3A_277 = vector.broadcast %get3A_244 : f32 to vector<720x128xf32>
    %ge3A_278 = arith.cmpf oge, %get3A_10, %ge3A_277 : vector<720x128xf32>
    %lt3A_279 = vector.broadcast %get3A_247 : f32 to vector<720x128xf32>
    %lt3A_280 = arith.cmpf olt, %get3A_10, %lt3A_279 : vector<720x128xf32>
    %and3A_281 = arith.andi %ge3A_278, %lt3A_280 : vector<720x128xi1>
    %jit3A_282 = arith.constant 1.000000e+00 : f32
    %jit3A_283 = arith.constant 0.000000e+00 : f32
    %broadcast_in_dim3A_284 = vector.broadcast %jit3A_282 : f32 to vector<720x128xf32>
    %broadcast_in_dim3A_285 = vector.broadcast %jit3A_283 : f32 to vector<720x128xf32>
    %select_n3A_286 = arith.select %and3A_281, %broadcast_in_dim3A_284, %broadcast_in_dim3A_285 : vector<720x128xi1>, vector<720x128xf32>
    %reduce_sum3A_287 = arith.constant dense<0.000000e+00> : vector<128xf32>
    %reduce_sum3A_288 = vector.multi_reduction <add>, %select_n3A_286, %reduce_sum3A_287 [0] : vector<720x128xf32> to vector<128xf32>
    %add3A_289 = arith.addf %get3A_276, %reduce_sum3A_288 : vector<128xf32>
    %swap3A_290 = arith.constant 0 : index
    %swap3A_291 = arith.constant 20 : index
    %swap3A_292 = arith.constant 0 : index
    %swap3A_293 = vector.load %arg5[%swap3A_290, %swap3A_291, %swap3A_292] : memref<1x40x128xf32, #tpu.memory_space<vmem>>, vector<1x1x128xf32>
    %swap3A_294 = vector.shape_cast %swap3A_293 : vector<1x1x128xf32> to vector<128xf32>
    %swap3A_295 = vector.shape_cast %add3A_289 : vector<128xf32> to vector<1x1x128xf32>
    tpu.vector_store %arg5[%swap3A_290, %swap3A_291, %swap3A_292], %swap3A_295 {strides = array<i32>} : memref<1x40x128xf32, #tpu.memory_space<vmem>>, vector<1x1x128xf32>,
    %get3A_296 = arith.constant 5 : index
    %get3A_297 = arith.constant 0 : index
    %get3A_298 = memref.load %arg2[%get3A_296, %get3A_297] : memref<16x2xf32, #tpu.memory_space<smem>>
    %get3A_299 = arith.constant 5 : index
    %get3A_300 = arith.constant 1 : index
    %get3A_301 = memref.load %arg2[%get3A_299, %get3A_300] : memref<16x2xf32, #tpu.memory_space<smem>>
    %get3A_302 = arith.constant 0 : index
    %get3A_303 = arith.constant 5 : index
    %get3A_304 = arith.constant 0 : index
    %get3A_305 = vector.load %arg5[%get3A_302, %get3A_303, %get3A_304] : memref<1x40x128xf32, #tpu.memory_space<vmem>>, vector<1x1x128xf32>
    %get3A_306 = vector.shape_cast %get3A_305 : vector<1x1x128xf32> to vector<128xf32>
    %ge3A_307 = vector.broadcast %get3A_298 : f32 to vector<720x128xf32>
    %ge3A_308 = arith.cmpf oge, %get3A_5, %ge3A_307 : vector<720x128xf32>
    %lt3A_309 = vector.broadcast %get3A_301 : f32 to vector<720x128xf32>
    %lt3A_310 = arith.cmpf olt, %get3A_5, %lt3A_309 : vector<720x128xf32>
    %and3A_311 = arith.andi %ge3A_308, %lt3A_310 : vector<720x128xi1>
    %jit3A_312 = arith.constant 1.000000e+00 : f32
    %jit3A_313 = arith.constant 0.000000e+00 : f32
    %broadcast_in_dim3A_314 = vector.broadcast %jit3A_312 : f32 to vector<720x128xf32>
    %broadcast_in_dim3A_315 = vector.broadcast %jit3A_313 : f32 to vector<720x128xf32>
    %select_n3A_316 = arith.select %and3A_311, %broadcast_in_dim3A_314, %broadcast_in_dim3A_315 : vector<720x128xi1>, vector<720x128xf32>
    %reduce_sum3A_317 = arith.constant dense<0.000000e+00> : vector<128xf32>
    %reduce_sum3A_318 = vector.multi_reduction <add>, %select_n3A_316, %reduce_sum3A_317 [0] : vector<720x128xf32> to vector<128xf32>
    %add3A_319 = arith.addf %get3A_306, %reduce_sum3A_318 : vector<128xf32>
    %swap3A_320 = arith.constant 0 : index
    %swap3A_321 = arith.constant 5 : index
    %swap3A_322 = arith.constant 0 : index
    %swap3A_323 = vector.load %arg5[%swap3A_320, %swap3A_321, %swap3A_322] : memref<1x40x128xf32, #tpu.memory_space<vmem>>, vector<1x1x128xf32>
    %swap3A_324 = vector.shape_cast %swap3A_323 : vector<1x1x128xf32> to vector<128xf32>
    %swap3A_325 = vector.shape_cast %add3A_319 : vector<128xf32> to vector<1x1x128xf32>
    tpu.vector_store %arg5[%swap3A_320, %swap3A_321, %swap3A_322], %swap3A_325 {strides = array<i32>} : memref<1x40x128xf32, #tpu.memory_space<vmem>>, vector<1x1x128xf32>,
    %get3A_326 = arith.constant 0 : index
    %get3A_327 = arith.constant 21 : index
    %get3A_328 = arith.constant 0 : index
    %get3A_329 = vector.load %arg5[%get3A_326, %get3A_327, %get3A_328] : memref<1x40x128xf32, #tpu.memory_space<vmem>>, vector<1x1x128xf32>
    %get3A_330 = vector.shape_cast %get3A_329 : vector<1x1x128xf32> to vector<128xf32>
    %ge3A_331 = vector.broadcast %get3A_298 : f32 to vector<720x128xf32>
    %ge3A_332 = arith.cmpf oge, %get3A_10, %ge3A_331 : vector<720x128xf32>
    %lt3A_333 = vector.broadcast %get3A_301 : f32 to vector<720x128xf32>
    %lt3A_334 = arith.cmpf olt, %get3A_10, %lt3A_333 : vector<720x128xf32>
    %and3A_335 = arith.andi %ge3A_332, %lt3A_334 : vector<720x128xi1>
    %jit3A_336 = arith.constant 1.000000e+00 : f32
    %jit3A_337 = arith.constant 0.000000e+00 : f32
    %broadcast_in_dim3A_338 = vector.broadcast %jit3A_336 : f32 to vector<720x128xf32>
    %broadcast_in_dim3A_339 = vector.broadcast %jit3A_337 : f32 to vector<720x128xf32>
    %select_n3A_340 = arith.select %and3A_335, %broadcast_in_dim3A_338, %broadcast_in_dim3A_339 : vector<720x128xi1>, vector<720x128xf32>
    %reduce_sum3A_341 = arith.constant dense<0.000000e+00> : vector<128xf32>
    %reduce_sum3A_342 = vector.multi_reduction <add>, %select_n3A_340, %reduce_sum3A_341 [0] : vector<720x128xf32> to vector<128xf32>
    %add3A_343 = arith.addf %get3A_330, %reduce_sum3A_342 : vector<128xf32>
    %swap3A_344 = arith.constant 0 : index
    %swap3A_345 = arith.constant 21 : index
    %swap3A_346 = arith.constant 0 : index
    %swap3A_347 = vector.load %arg5[%swap3A_344, %swap3A_345, %swap3A_346] : memref<1x40x128xf32, #tpu.memory_space<vmem>>, vector<1x1x128xf32>
    %swap3A_348 = vector.shape_cast %swap3A_347 : vector<1x1x128xf32> to vector<128xf32>
    %swap3A_349 = vector.shape_cast %add3A_343 : vector<128xf32> to vector<1x1x128xf32>
    tpu.vector_store %arg5[%swap3A_344, %swap3A_345, %swap3A_346], %swap3A_349 {strides = array<i32>} : memref<1x40x128xf32, #tpu.memory_space<vmem>>, vector<1x1x128xf32>,
    %get3A_350 = arith.constant 6 : index
    %get3A_351 = arith.constant 0 : index
    %get3A_352 = memref.load %arg2[%get3A_350, %get3A_351] : memref<16x2xf32, #tpu.memory_space<smem>>
    %get3A_353 = arith.constant 6 : index
    %get3A_354 = arith.constant 1 : index
    %get3A_355 = memref.load %arg2[%get3A_353, %get3A_354] : memref<16x2xf32, #tpu.memory_space<smem>>
    %get3A_356 = arith.constant 0 : index
    %get3A_357 = arith.constant 6 : index
    %get3A_358 = arith.constant 0 : index
    %get3A_359 = vector.load %arg5[%get3A_356, %get3A_357, %get3A_358] : memref<1x40x128xf32, #tpu.memory_space<vmem>>, vector<1x1x128xf32>
    %get3A_360 = vector.shape_cast %get3A_359 : vector<1x1x128xf32> to vector<128xf32>
    %ge3A_361 = vector.broadcast %get3A_352 : f32 to vector<720x128xf32>
    %ge3A_362 = arith.cmpf oge, %get3A_5, %ge3A_361 : vector<720x128xf32>
    %lt3A_363 = vector.broadcast %get3A_355 : f32 to vector<720x128xf32>
    %lt3A_364 = arith.cmpf olt, %get3A_5, %lt3A_363 : vector<720x128xf32>
    %and3A_365 = arith.andi %ge3A_362, %lt3A_364 : vector<720x128xi1>
    %jit3A_366 = arith.constant 1.000000e+00 : f32
    %jit3A_367 = arith.constant 0.000000e+00 : f32
    %broadcast_in_dim3A_368 = vector.broadcast %jit3A_366 : f32 to vector<720x128xf32>
    %broadcast_in_dim3A_369 = vector.broadcast %jit3A_367 : f32 to vector<720x128xf32>
    %select_n3A_370 = arith.select %and3A_365, %broadcast_in_dim3A_368, %broadcast_in_dim3A_369 : vector<720x128xi1>, vector<720x128xf32>
    %reduce_sum3A_371 = arith.constant dense<0.000000e+00> : vector<128xf32>
    %reduce_sum3A_372 = vector.multi_reduction <add>, %select_n3A_370, %reduce_sum3A_371 [0] : vector<720x128xf32> to vector<128xf32>
    %add3A_373 = arith.addf %get3A_360, %reduce_sum3A_372 : vector<128xf32>
    %swap3A_374 = arith.constant 0 : index
    %swap3A_375 = arith.constant 6 : index
    %swap3A_376 = arith.constant 0 : index
    %swap3A_377 = vector.load %arg5[%swap3A_374, %swap3A_375, %swap3A_376] : memref<1x40x128xf32, #tpu.memory_space<vmem>>, vector<1x1x128xf32>
    %swap3A_378 = vector.shape_cast %swap3A_377 : vector<1x1x128xf32> to vector<128xf32>
    %swap3A_379 = vector.shape_cast %add3A_373 : vector<128xf32> to vector<1x1x128xf32>
    tpu.vector_store %arg5[%swap3A_374, %swap3A_375, %swap3A_376], %swap3A_379 {strides = array<i32>} : memref<1x40x128xf32, #tpu.memory_space<vmem>>, vector<1x1x128xf32>,
    %get3A_380 = arith.constant 0 : index
    %get3A_381 = arith.constant 22 : index
    %get3A_382 = arith.constant 0 : index
    %get3A_383 = vector.load %arg5[%get3A_380, %get3A_381, %get3A_382] : memref<1x40x128xf32, #tpu.memory_space<vmem>>, vector<1x1x128xf32>
    %get3A_384 = vector.shape_cast %get3A_383 : vector<1x1x128xf32> to vector<128xf32>
    %ge3A_385 = vector.broadcast %get3A_352 : f32 to vector<720x128xf32>
    %ge3A_386 = arith.cmpf oge, %get3A_10, %ge3A_385 : vector<720x128xf32>
    %lt3A_387 = vector.broadcast %get3A_355 : f32 to vector<720x128xf32>
    %lt3A_388 = arith.cmpf olt, %get3A_10, %lt3A_387 : vector<720x128xf32>
    %and3A_389 = arith.andi %ge3A_386, %lt3A_388 : vector<720x128xi1>
    %jit3A_390 = arith.constant 1.000000e+00 : f32
    %jit3A_391 = arith.constant 0.000000e+00 : f32
    %broadcast_in_dim3A_392 = vector.broadcast %jit3A_390 : f32 to vector<720x128xf32>
    %broadcast_in_dim3A_393 = vector.broadcast %jit3A_391 : f32 to vector<720x128xf32>
    %select_n3A_394 = arith.select %and3A_389, %broadcast_in_dim3A_392, %broadcast_in_dim3A_393 : vector<720x128xi1>, vector<720x128xf32>
    %reduce_sum3A_395 = arith.constant dense<0.000000e+00> : vector<128xf32>
    %reduce_sum3A_396 = vector.multi_reduction <add>, %select_n3A_394, %reduce_sum3A_395 [0] : vector<720x128xf32> to vector<128xf32>
    %add3A_397 = arith.addf %get3A_384, %reduce_sum3A_396 : vector<128xf32>
    %swap3A_398 = arith.constant 0 : index
    %swap3A_399 = arith.constant 22 : index
    %swap3A_400 = arith.constant 0 : index
    %swap3A_401 = vector.load %arg5[%swap3A_398, %swap3A_399, %swap3A_400] : memref<1x40x128xf32, #tpu.memory_space<vmem>>, vector<1x1x128xf32>
    %swap3A_402 = vector.shape_cast %swap3A_401 : vector<1x1x128xf32> to vector<128xf32>
    %swap3A_403 = vector.shape_cast %add3A_397 : vector<128xf32> to vector<1x1x128xf32>
    tpu.vector_store %arg5[%swap3A_398, %swap3A_399, %swap3A_400], %swap3A_403 {strides = array<i32>} : memref<1x40x128xf32, #tpu.memory_space<vmem>>, vector<1x1x128xf32>,
    %get3A_404 = arith.constant 7 : index
    %get3A_405 = arith.constant 0 : index
    %get3A_406 = memref.load %arg2[%get3A_404, %get3A_405] : memref<16x2xf32, #tpu.memory_space<smem>>
    %get3A_407 = arith.constant 7 : index
    %get3A_408 = arith.constant 1 : index
    %get3A_409 = memref.load %arg2[%get3A_407, %get3A_408] : memref<16x2xf32, #tpu.memory_space<smem>>
    %get3A_410 = arith.constant 0 : index
    %get3A_411 = arith.constant 7 : index
    %get3A_412 = arith.constant 0 : index
    %get3A_413 = vector.load %arg5[%get3A_410, %get3A_411, %get3A_412] : memref<1x40x128xf32, #tpu.memory_space<vmem>>, vector<1x1x128xf32>
    %get3A_414 = vector.shape_cast %get3A_413 : vector<1x1x128xf32> to vector<128xf32>
    %ge3A_415 = vector.broadcast %get3A_406 : f32 to vector<720x128xf32>
    %ge3A_416 = arith.cmpf oge, %get3A_5, %ge3A_415 : vector<720x128xf32>
    %lt3A_417 = vector.broadcast %get3A_409 : f32 to vector<720x128xf32>
    %lt3A_418 = arith.cmpf olt, %get3A_5, %lt3A_417 : vector<720x128xf32>
    %and3A_419 = arith.andi %ge3A_416, %lt3A_418 : vector<720x128xi1>
    %jit3A_420 = arith.constant 1.000000e+00 : f32
    %jit3A_421 = arith.constant 0.000000e+00 : f32
    %broadcast_in_dim3A_422 = vector.broadcast %jit3A_420 : f32 to vector<720x128xf32>
    %broadcast_in_dim3A_423 = vector.broadcast %jit3A_421 : f32 to vector<720x128xf32>
    %select_n3A_424 = arith.select %and3A_419, %broadcast_in_dim3A_422, %broadcast_in_dim3A_423 : vector<720x128xi1>, vector<720x128xf32>
    %reduce_sum3A_425 = arith.constant dense<0.000000e+00> : vector<128xf32>
    %reduce_sum3A_426 = vector.multi_reduction <add>, %select_n3A_424, %reduce_sum3A_425 [0] : vector<720x128xf32> to vector<128xf32>
    %add3A_427 = arith.addf %get3A_414, %reduce_sum3A_426 : vector<128xf32>
    %swap3A_428 = arith.constant 0 : index
    %swap3A_429 = arith.constant 7 : index
    %swap3A_430 = arith.constant 0 : index
    %swap3A_431 = vector.load %arg5[%swap3A_428, %swap3A_429, %swap3A_430] : memref<1x40x128xf32, #tpu.memory_space<vmem>>, vector<1x1x128xf32>
    %swap3A_432 = vector.shape_cast %swap3A_431 : vector<1x1x128xf32> to vector<128xf32>
    %swap3A_433 = vector.shape_cast %add3A_427 : vector<128xf32> to vector<1x1x128xf32>
    tpu.vector_store %arg5[%swap3A_428, %swap3A_429, %swap3A_430], %swap3A_433 {strides = array<i32>} : memref<1x40x128xf32, #tpu.memory_space<vmem>>, vector<1x1x128xf32>,
    %get3A_434 = arith.constant 0 : index
    %get3A_435 = arith.constant 23 : index
    %get3A_436 = arith.constant 0 : index
    %get3A_437 = vector.load %arg5[%get3A_434, %get3A_435, %get3A_436] : memref<1x40x128xf32, #tpu.memory_space<vmem>>, vector<1x1x128xf32>
    %get3A_438 = vector.shape_cast %get3A_437 : vector<1x1x128xf32> to vector<128xf32>
    %ge3A_439 = vector.broadcast %get3A_406 : f32 to vector<720x128xf32>
    %ge3A_440 = arith.cmpf oge, %get3A_10, %ge3A_439 : vector<720x128xf32>
    %lt3A_441 = vector.broadcast %get3A_409 : f32 to vector<720x128xf32>
    %lt3A_442 = arith.cmpf olt, %get3A_10, %lt3A_441 : vector<720x128xf32>
    %and3A_443 = arith.andi %ge3A_440, %lt3A_442 : vector<720x128xi1>
    %jit3A_444 = arith.constant 1.000000e+00 : f32
    %jit3A_445 = arith.constant 0.000000e+00 : f32
    %broadcast_in_dim3A_446 = vector.broadcast %jit3A_444 : f32 to vector<720x128xf32>
    %broadcast_in_dim3A_447 = vector.broadcast %jit3A_445 : f32 to vector<720x128xf32>
    %select_n3A_448 = arith.select %and3A_443, %broadcast_in_dim3A_446, %broadcast_in_dim3A_447 : vector<720x128xi1>, vector<720x128xf32>
    %reduce_sum3A_449 = arith.constant dense<0.000000e+00> : vector<128xf32>
    %reduce_sum3A_450 = vector.multi_reduction <add>, %select_n3A_448, %reduce_sum3A_449 [0] : vector<720x128xf32> to vector<128xf32>
    %add3A_451 = arith.addf %get3A_438, %reduce_sum3A_450 : vector<128xf32>
    %swap3A_452 = arith.constant 0 : index
    %swap3A_453 = arith.constant 23 : index
    %swap3A_454 = arith.constant 0 : index
    %swap3A_455 = vector.load %arg5[%swap3A_452, %swap3A_453, %swap3A_454] : memref<1x40x128xf32, #tpu.memory_space<vmem>>, vector<1x1x128xf32>
    %swap3A_456 = vector.shape_cast %swap3A_455 : vector<1x1x128xf32> to vector<128xf32>
    %swap3A_457 = vector.shape_cast %add3A_451 : vector<128xf32> to vector<1x1x128xf32>
    tpu.vector_store %arg5[%swap3A_452, %swap3A_453, %swap3A_454], %swap3A_457 {strides = array<i32>} : memref<1x40x128xf32, #tpu.memory_space<vmem>>, vector<1x1x128xf32>,
    %get3A_458 = arith.constant 8 : index
    %get3A_459 = arith.constant 0 : index
    %get3A_460 = memref.load %arg2[%get3A_458, %get3A_459] : memref<16x2xf32, #tpu.memory_space<smem>>
    %get3A_461 = arith.constant 8 : index
    %get3A_462 = arith.constant 1 : index
    %get3A_463 = memref.load %arg2[%get3A_461, %get3A_462] : memref<16x2xf32, #tpu.memory_space<smem>>
    %get3A_464 = arith.constant 0 : index
    %get3A_465 = arith.constant 8 : index
    %get3A_466 = arith.constant 0 : index
    %get3A_467 = vector.load %arg5[%get3A_464, %get3A_465, %get3A_466] : memref<1x40x128xf32, #tpu.memory_space<vmem>>, vector<1x1x128xf32>
    %get3A_468 = vector.shape_cast %get3A_467 : vector<1x1x128xf32> to vector<128xf32>
    %ge3A_469 = vector.broadcast %get3A_460 : f32 to vector<720x128xf32>
    %ge3A_470 = arith.cmpf oge, %get3A_5, %ge3A_469 : vector<720x128xf32>
    %lt3A_471 = vector.broadcast %get3A_463 : f32 to vector<720x128xf32>
    %lt3A_472 = arith.cmpf olt, %get3A_5, %lt3A_471 : vector<720x128xf32>
    %and3A_473 = arith.andi %ge3A_470, %lt3A_472 : vector<720x128xi1>
    %jit3A_474 = arith.constant 1.000000e+00 : f32
    %jit3A_475 = arith.constant 0.000000e+00 : f32
    %broadcast_in_dim3A_476 = vector.broadcast %jit3A_474 : f32 to vector<720x128xf32>
    %broadcast_in_dim3A_477 = vector.broadcast %jit3A_475 : f32 to vector<720x128xf32>
    %select_n3A_478 = arith.select %and3A_473, %broadcast_in_dim3A_476, %broadcast_in_dim3A_477 : vector<720x128xi1>, vector<720x128xf32>
    %reduce_sum3A_479 = arith.constant dense<0.000000e+00> : vector<128xf32>
    %reduce_sum3A_480 = vector.multi_reduction <add>, %select_n3A_478, %reduce_sum3A_479 [0] : vector<720x128xf32> to vector<128xf32>
    %add3A_481 = arith.addf %get3A_468, %reduce_sum3A_480 : vector<128xf32>
    %swap3A_482 = arith.constant 0 : index
    %swap3A_483 = arith.constant 8 : index
    %swap3A_484 = arith.constant 0 : index
    %swap3A_485 = vector.load %arg5[%swap3A_482, %swap3A_483, %swap3A_484] : memref<1x40x128xf32, #tpu.memory_space<vmem>>, vector<1x1x128xf32>
    %swap3A_486 = vector.shape_cast %swap3A_485 : vector<1x1x128xf32> to vector<128xf32>
    %swap3A_487 = vector.shape_cast %add3A_481 : vector<128xf32> to vector<1x1x128xf32>
    tpu.vector_store %arg5[%swap3A_482, %swap3A_483, %swap3A_484], %swap3A_487 {strides = array<i32>} : memref<1x40x128xf32, #tpu.memory_space<vmem>>, vector<1x1x128xf32>,
    %get3A_488 = arith.constant 0 : index
    %get3A_489 = arith.constant 24 : index
    %get3A_490 = arith.constant 0 : index
    %get3A_491 = vector.load %arg5[%get3A_488, %get3A_489, %get3A_490] : memref<1x40x128xf32, #tpu.memory_space<vmem>>, vector<1x1x128xf32>
    %get3A_492 = vector.shape_cast %get3A_491 : vector<1x1x128xf32> to vector<128xf32>
    %ge3A_493 = vector.broadcast %get3A_460 : f32 to vector<720x128xf32>
    %ge3A_494 = arith.cmpf oge, %get3A_10, %ge3A_493 : vector<720x128xf32>
    %lt3A_495 = vector.broadcast %get3A_463 : f32 to vector<720x128xf32>
    %lt3A_496 = arith.cmpf olt, %get3A_10, %lt3A_495 : vector<720x128xf32>
    %and3A_497 = arith.andi %ge3A_494, %lt3A_496 : vector<720x128xi1>
    %jit3A_498 = arith.constant 1.000000e+00 : f32
    %jit3A_499 = arith.constant 0.000000e+00 : f32
    %broadcast_in_dim3A_500 = vector.broadcast %jit3A_498 : f32 to vector<720x128xf32>
    %broadcast_in_dim3A_501 = vector.broadcast %jit3A_499 : f32 to vector<720x128xf32>
    %select_n3A_502 = arith.select %and3A_497, %broadcast_in_dim3A_500, %broadcast_in_dim3A_501 : vector<720x128xi1>, vector<720x128xf32>
    %reduce_sum3A_503 = arith.constant dense<0.000000e+00> : vector<128xf32>
    %reduce_sum3A_504 = vector.multi_reduction <add>, %select_n3A_502, %reduce_sum3A_503 [0] : vector<720x128xf32> to vector<128xf32>
    %add3A_505 = arith.addf %get3A_492, %reduce_sum3A_504 : vector<128xf32>
    %swap3A_506 = arith.constant 0 : index
    %swap3A_507 = arith.constant 24 : index
    %swap3A_508 = arith.constant 0 : index
    %swap3A_509 = vector.load %arg5[%swap3A_506, %swap3A_507, %swap3A_508] : memref<1x40x128xf32, #tpu.memory_space<vmem>>, vector<1x1x128xf32>
    %swap3A_510 = vector.shape_cast %swap3A_509 : vector<1x1x128xf32> to vector<128xf32>
    %swap3A_511 = vector.shape_cast %add3A_505 : vector<128xf32> to vector<1x1x128xf32>
    tpu.vector_store %arg5[%swap3A_506, %swap3A_507, %swap3A_508], %swap3A_511 {strides = array<i32>} : memref<1x40x128xf32, #tpu.memory_space<vmem>>, vector<1x1x128xf32>,
    %get3A_512 = arith.constant 9 : index
    %get3A_513 = arith.constant 0 : index
    %get3A_514 = memref.load %arg2[%get3A_512, %get3A_513] : memref<16x2xf32, #tpu.memory_space<smem>>
    %get3A_515 = arith.constant 9 : index
    %get3A_516 = arith.constant 1 : index
    %get3A_517 = memref.load %arg2[%get3A_515, %get3A_516] : memref<16x2xf32, #tpu.memory_space<smem>>
    %get3A_518 = arith.constant 0 : index
    %get3A_519 = arith.constant 9 : index
    %get3A_520 = arith.constant 0 : index
    %get3A_521 = vector.load %arg5[%get3A_518, %get3A_519, %get3A_520] : memref<1x40x128xf32, #tpu.memory_space<vmem>>, vector<1x1x128xf32>
    %get3A_522 = vector.shape_cast %get3A_521 : vector<1x1x128xf32> to vector<128xf32>
    %ge3A_523 = vector.broadcast %get3A_514 : f32 to vector<720x128xf32>
    %ge3A_524 = arith.cmpf oge, %get3A_5, %ge3A_523 : vector<720x128xf32>
    %lt3A_525 = vector.broadcast %get3A_517 : f32 to vector<720x128xf32>
    %lt3A_526 = arith.cmpf olt, %get3A_5, %lt3A_525 : vector<720x128xf32>
    %and3A_527 = arith.andi %ge3A_524, %lt3A_526 : vector<720x128xi1>
    %jit3A_528 = arith.constant 1.000000e+00 : f32
    %jit3A_529 = arith.constant 0.000000e+00 : f32
    %broadcast_in_dim3A_530 = vector.broadcast %jit3A_528 : f32 to vector<720x128xf32>
    %broadcast_in_dim3A_531 = vector.broadcast %jit3A_529 : f32 to vector<720x128xf32>
    %select_n3A_532 = arith.select %and3A_527, %broadcast_in_dim3A_530, %broadcast_in_dim3A_531 : vector<720x128xi1>, vector<720x128xf32>
    %reduce_sum3A_533 = arith.constant dense<0.000000e+00> : vector<128xf32>
    %reduce_sum3A_534 = vector.multi_reduction <add>, %select_n3A_532, %reduce_sum3A_533 [0] : vector<720x128xf32> to vector<128xf32>
    %add3A_535 = arith.addf %get3A_522, %reduce_sum3A_534 : vector<128xf32>
    %swap3A_536 = arith.constant 0 : index
    %swap3A_537 = arith.constant 9 : index
    %swap3A_538 = arith.constant 0 : index
    %swap3A_539 = vector.load %arg5[%swap3A_536, %swap3A_537, %swap3A_538] : memref<1x40x128xf32, #tpu.memory_space<vmem>>, vector<1x1x128xf32>
    %swap3A_540 = vector.shape_cast %swap3A_539 : vector<1x1x128xf32> to vector<128xf32>
    %swap3A_541 = vector.shape_cast %add3A_535 : vector<128xf32> to vector<1x1x128xf32>
    tpu.vector_store %arg5[%swap3A_536, %swap3A_537, %swap3A_538], %swap3A_541 {strides = array<i32>} : memref<1x40x128xf32, #tpu.memory_space<vmem>>, vector<1x1x128xf32>,
    %get3A_542 = arith.constant 0 : index
    %get3A_543 = arith.constant 25 : index
    %get3A_544 = arith.constant 0 : index
    %get3A_545 = vector.load %arg5[%get3A_542, %get3A_543, %get3A_544] : memref<1x40x128xf32, #tpu.memory_space<vmem>>, vector<1x1x128xf32>
    %get3A_546 = vector.shape_cast %get3A_545 : vector<1x1x128xf32> to vector<128xf32>
    %ge3A_547 = vector.broadcast %get3A_514 : f32 to vector<720x128xf32>
    %ge3A_548 = arith.cmpf oge, %get3A_10, %ge3A_547 : vector<720x128xf32>
    %lt3A_549 = vector.broadcast %get3A_517 : f32 to vector<720x128xf32>
    %lt3A_550 = arith.cmpf olt, %get3A_10, %lt3A_549 : vector<720x128xf32>
    %and3A_551 = arith.andi %ge3A_548, %lt3A_550 : vector<720x128xi1>
    %jit3A_552 = arith.constant 1.000000e+00 : f32
    %jit3A_553 = arith.constant 0.000000e+00 : f32
    %broadcast_in_dim3A_554 = vector.broadcast %jit3A_552 : f32 to vector<720x128xf32>
    %broadcast_in_dim3A_555 = vector.broadcast %jit3A_553 : f32 to vector<720x128xf32>
    %select_n3A_556 = arith.select %and3A_551, %broadcast_in_dim3A_554, %broadcast_in_dim3A_555 : vector<720x128xi1>, vector<720x128xf32>
    %reduce_sum3A_557 = arith.constant dense<0.000000e+00> : vector<128xf32>
    %reduce_sum3A_558 = vector.multi_reduction <add>, %select_n3A_556, %reduce_sum3A_557 [0] : vector<720x128xf32> to vector<128xf32>
    %add3A_559 = arith.addf %get3A_546, %reduce_sum3A_558 : vector<128xf32>
    %swap3A_560 = arith.constant 0 : index
    %swap3A_561 = arith.constant 25 : index
    %swap3A_562 = arith.constant 0 : index
    %swap3A_563 = vector.load %arg5[%swap3A_560, %swap3A_561, %swap3A_562] : memref<1x40x128xf32, #tpu.memory_space<vmem>>, vector<1x1x128xf32>
    %swap3A_564 = vector.shape_cast %swap3A_563 : vector<1x1x128xf32> to vector<128xf32>
    %swap3A_565 = vector.shape_cast %add3A_559 : vector<128xf32> to vector<1x1x128xf32>
    tpu.vector_store %arg5[%swap3A_560, %swap3A_561, %swap3A_562], %swap3A_565 {strides = array<i32>} : memref<1x40x128xf32, #tpu.memory_space<vmem>>, vector<1x1x128xf32>,
    %get3A_566 = arith.constant 10 : index
    %get3A_567 = arith.constant 0 : index
    %get3A_568 = memref.load %arg2[%get3A_566, %get3A_567] : memref<16x2xf32, #tpu.memory_space<smem>>
    %get3A_569 = arith.constant 10 : index
    %get3A_570 = arith.constant 1 : index
    %get3A_571 = memref.load %arg2[%get3A_569, %get3A_570] : memref<16x2xf32, #tpu.memory_space<smem>>
    %get3A_572 = arith.constant 0 : index
    %get3A_573 = arith.constant 10 : index
    %get3A_574 = arith.constant 0 : index
    %get3A_575 = vector.load %arg5[%get3A_572, %get3A_573, %get3A_574] : memref<1x40x128xf32, #tpu.memory_space<vmem>>, vector<1x1x128xf32>
    %get3A_576 = vector.shape_cast %get3A_575 : vector<1x1x128xf32> to vector<128xf32>
    %ge3A_577 = vector.broadcast %get3A_568 : f32 to vector<720x128xf32>
    %ge3A_578 = arith.cmpf oge, %get3A_5, %ge3A_577 : vector<720x128xf32>
    %lt3A_579 = vector.broadcast %get3A_571 : f32 to vector<720x128xf32>
    %lt3A_580 = arith.cmpf olt, %get3A_5, %lt3A_579 : vector<720x128xf32>
    %and3A_581 = arith.andi %ge3A_578, %lt3A_580 : vector<720x128xi1>
    %jit3A_582 = arith.constant 1.000000e+00 : f32
    %jit3A_583 = arith.constant 0.000000e+00 : f32
    %broadcast_in_dim3A_584 = vector.broadcast %jit3A_582 : f32 to vector<720x128xf32>
    %broadcast_in_dim3A_585 = vector.broadcast %jit3A_583 : f32 to vector<720x128xf32>
    %select_n3A_586 = arith.select %and3A_581, %broadcast_in_dim3A_584, %broadcast_in_dim3A_585 : vector<720x128xi1>, vector<720x128xf32>
    %reduce_sum3A_587 = arith.constant dense<0.000000e+00> : vector<128xf32>
    %reduce_sum3A_588 = vector.multi_reduction <add>, %select_n3A_586, %reduce_sum3A_587 [0] : vector<720x128xf32> to vector<128xf32>
    %add3A_589 = arith.addf %get3A_576, %reduce_sum3A_588 : vector<128xf32>
    %swap3A_590 = arith.constant 0 : index
    %swap3A_591 = arith.constant 10 : index
    %swap3A_592 = arith.constant 0 : index
    %swap3A_593 = vector.load %arg5[%swap3A_590, %swap3A_591, %swap3A_592] : memref<1x40x128xf32, #tpu.memory_space<vmem>>, vector<1x1x128xf32>
    %swap3A_594 = vector.shape_cast %swap3A_593 : vector<1x1x128xf32> to vector<128xf32>
    %swap3A_595 = vector.shape_cast %add3A_589 : vector<128xf32> to vector<1x1x128xf32>
    tpu.vector_store %arg5[%swap3A_590, %swap3A_591, %swap3A_592], %swap3A_595 {strides = array<i32>} : memref<1x40x128xf32, #tpu.memory_space<vmem>>, vector<1x1x128xf32>,
    %get3A_596 = arith.constant 0 : index
    %get3A_597 = arith.constant 26 : index
    %get3A_598 = arith.constant 0 : index
    %get3A_599 = vector.load %arg5[%get3A_596, %get3A_597, %get3A_598] : memref<1x40x128xf32, #tpu.memory_space<vmem>>, vector<1x1x128xf32>
    %get3A_600 = vector.shape_cast %get3A_599 : vector<1x1x128xf32> to vector<128xf32>
    %ge3A_601 = vector.broadcast %get3A_568 : f32 to vector<720x128xf32>
    %ge3A_602 = arith.cmpf oge, %get3A_10, %ge3A_601 : vector<720x128xf32>
    %lt3A_603 = vector.broadcast %get3A_571 : f32 to vector<720x128xf32>
    %lt3A_604 = arith.cmpf olt, %get3A_10, %lt3A_603 : vector<720x128xf32>
    %and3A_605 = arith.andi %ge3A_602, %lt3A_604 : vector<720x128xi1>
    %jit3A_606 = arith.constant 1.000000e+00 : f32
    %jit3A_607 = arith.constant 0.000000e+00 : f32
    %broadcast_in_dim3A_608 = vector.broadcast %jit3A_606 : f32 to vector<720x128xf32>
    %broadcast_in_dim3A_609 = vector.broadcast %jit3A_607 : f32 to vector<720x128xf32>
    %select_n3A_610 = arith.select %and3A_605, %broadcast_in_dim3A_608, %broadcast_in_dim3A_609 : vector<720x128xi1>, vector<720x128xf32>
    %reduce_sum3A_611 = arith.constant dense<0.000000e+00> : vector<128xf32>
    %reduce_sum3A_612 = vector.multi_reduction <add>, %select_n3A_610, %reduce_sum3A_611 [0] : vector<720x128xf32> to vector<128xf32>
    %add3A_613 = arith.addf %get3A_600, %reduce_sum3A_612 : vector<128xf32>
    %swap3A_614 = arith.constant 0 : index
    %swap3A_615 = arith.constant 26 : index
    %swap3A_616 = arith.constant 0 : index
    %swap3A_617 = vector.load %arg5[%swap3A_614, %swap3A_615, %swap3A_616] : memref<1x40x128xf32, #tpu.memory_space<vmem>>, vector<1x1x128xf32>
    %swap3A_618 = vector.shape_cast %swap3A_617 : vector<1x1x128xf32> to vector<128xf32>
    %swap3A_619 = vector.shape_cast %add3A_613 : vector<128xf32> to vector<1x1x128xf32>
    tpu.vector_store %arg5[%swap3A_614, %swap3A_615, %swap3A_616], %swap3A_619 {strides = array<i32>} : memref<1x40x128xf32, #tpu.memory_space<vmem>>, vector<1x1x128xf32>,
    %get3A_620 = arith.constant 11 : index
    %get3A_621 = arith.constant 0 : index
    %get3A_622 = memref.load %arg2[%get3A_620, %get3A_621] : memref<16x2xf32, #tpu.memory_space<smem>>
    %get3A_623 = arith.constant 11 : index
    %get3A_624 = arith.constant 1 : index
    %get3A_625 = memref.load %arg2[%get3A_623, %get3A_624] : memref<16x2xf32, #tpu.memory_space<smem>>
    %get3A_626 = arith.constant 0 : index
    %get3A_627 = arith.constant 11 : index
    %get3A_628 = arith.constant 0 : index
    %get3A_629 = vector.load %arg5[%get3A_626, %get3A_627, %get3A_628] : memref<1x40x128xf32, #tpu.memory_space<vmem>>, vector<1x1x128xf32>
    %get3A_630 = vector.shape_cast %get3A_629 : vector<1x1x128xf32> to vector<128xf32>
    %ge3A_631 = vector.broadcast %get3A_622 : f32 to vector<720x128xf32>
    %ge3A_632 = arith.cmpf oge, %get3A_5, %ge3A_631 : vector<720x128xf32>
    %lt3A_633 = vector.broadcast %get3A_625 : f32 to vector<720x128xf32>
    %lt3A_634 = arith.cmpf olt, %get3A_5, %lt3A_633 : vector<720x128xf32>
    %and3A_635 = arith.andi %ge3A_632, %lt3A_634 : vector<720x128xi1>
    %jit3A_636 = arith.constant 1.000000e+00 : f32
    %jit3A_637 = arith.constant 0.000000e+00 : f32
    %broadcast_in_dim3A_638 = vector.broadcast %jit3A_636 : f32 to vector<720x128xf32>
    %broadcast_in_dim3A_639 = vector.broadcast %jit3A_637 : f32 to vector<720x128xf32>
    %select_n3A_640 = arith.select %and3A_635, %broadcast_in_dim3A_638, %broadcast_in_dim3A_639 : vector<720x128xi1>, vector<720x128xf32>
    %reduce_sum3A_641 = arith.constant dense<0.000000e+00> : vector<128xf32>
    %reduce_sum3A_642 = vector.multi_reduction <add>, %select_n3A_640, %reduce_sum3A_641 [0] : vector<720x128xf32> to vector<128xf32>
    %add3A_643 = arith.addf %get3A_630, %reduce_sum3A_642 : vector<128xf32>
    %swap3A_644 = arith.constant 0 : index
    %swap3A_645 = arith.constant 11 : index
    %swap3A_646 = arith.constant 0 : index
    %swap3A_647 = vector.load %arg5[%swap3A_644, %swap3A_645, %swap3A_646] : memref<1x40x128xf32, #tpu.memory_space<vmem>>, vector<1x1x128xf32>
    %swap3A_648 = vector.shape_cast %swap3A_647 : vector<1x1x128xf32> to vector<128xf32>
    %swap3A_649 = vector.shape_cast %add3A_643 : vector<128xf32> to vector<1x1x128xf32>
    tpu.vector_store %arg5[%swap3A_644, %swap3A_645, %swap3A_646], %swap3A_649 {strides = array<i32>} : memref<1x40x128xf32, #tpu.memory_space<vmem>>, vector<1x1x128xf32>,
    %get3A_650 = arith.constant 0 : index
    %get3A_651 = arith.constant 27 : index
    %get3A_652 = arith.constant 0 : index
    %get3A_653 = vector.load %arg5[%get3A_650, %get3A_651, %get3A_652] : memref<1x40x128xf32, #tpu.memory_space<vmem>>, vector<1x1x128xf32>
    %get3A_654 = vector.shape_cast %get3A_653 : vector<1x1x128xf32> to vector<128xf32>
    %ge3A_655 = vector.broadcast %get3A_622 : f32 to vector<720x128xf32>
    %ge3A_656 = arith.cmpf oge, %get3A_10, %ge3A_655 : vector<720x128xf32>
    %lt3A_657 = vector.broadcast %get3A_625 : f32 to vector<720x128xf32>
    %lt3A_658 = arith.cmpf olt, %get3A_10, %lt3A_657 : vector<720x128xf32>
    %and3A_659 = arith.andi %ge3A_656, %lt3A_658 : vector<720x128xi1>
    %jit3A_660 = arith.constant 1.000000e+00 : f32
    %jit3A_661 = arith.constant 0.000000e+00 : f32
    %broadcast_in_dim3A_662 = vector.broadcast %jit3A_660 : f32 to vector<720x128xf32>
    %broadcast_in_dim3A_663 = vector.broadcast %jit3A_661 : f32 to vector<720x128xf32>
    %select_n3A_664 = arith.select %and3A_659, %broadcast_in_dim3A_662, %broadcast_in_dim3A_663 : vector<720x128xi1>, vector<720x128xf32>
    %reduce_sum3A_665 = arith.constant dense<0.000000e+00> : vector<128xf32>
    %reduce_sum3A_666 = vector.multi_reduction <add>, %select_n3A_664, %reduce_sum3A_665 [0] : vector<720x128xf32> to vector<128xf32>
    %add3A_667 = arith.addf %get3A_654, %reduce_sum3A_666 : vector<128xf32>
    %swap3A_668 = arith.constant 0 : index
    %swap3A_669 = arith.constant 27 : index
    %swap3A_670 = arith.constant 0 : index
    %swap3A_671 = vector.load %arg5[%swap3A_668, %swap3A_669, %swap3A_670] : memref<1x40x128xf32, #tpu.memory_space<vmem>>, vector<1x1x128xf32>
    %swap3A_672 = vector.shape_cast %swap3A_671 : vector<1x1x128xf32> to vector<128xf32>
    %swap3A_673 = vector.shape_cast %add3A_667 : vector<128xf32> to vector<1x1x128xf32>
    tpu.vector_store %arg5[%swap3A_668, %swap3A_669, %swap3A_670], %swap3A_673 {strides = array<i32>} : memref<1x40x128xf32, #tpu.memory_space<vmem>>, vector<1x1x128xf32>,
    %get3A_674 = arith.constant 12 : index
    %get3A_675 = arith.constant 0 : index
    %get3A_676 = memref.load %arg2[%get3A_674, %get3A_675] : memref<16x2xf32, #tpu.memory_space<smem>>
    %get3A_677 = arith.constant 12 : index
    %get3A_678 = arith.constant 1 : index
    %get3A_679 = memref.load %arg2[%get3A_677, %get3A_678] : memref<16x2xf32, #tpu.memory_space<smem>>
    %get3A_680 = arith.constant 0 : index
    %get3A_681 = arith.constant 12 : index
    %get3A_682 = arith.constant 0 : index
    %get3A_683 = vector.load %arg5[%get3A_680, %get3A_681, %get3A_682] : memref<1x40x128xf32, #tpu.memory_space<vmem>>, vector<1x1x128xf32>
    %get3A_684 = vector.shape_cast %get3A_683 : vector<1x1x128xf32> to vector<128xf32>
    %ge3A_685 = vector.broadcast %get3A_676 : f32 to vector<720x128xf32>
    %ge3A_686 = arith.cmpf oge, %get3A_5, %ge3A_685 : vector<720x128xf32>
    %lt3A_687 = vector.broadcast %get3A_679 : f32 to vector<720x128xf32>
    %lt3A_688 = arith.cmpf olt, %get3A_5, %lt3A_687 : vector<720x128xf32>
    %and3A_689 = arith.andi %ge3A_686, %lt3A_688 : vector<720x128xi1>
    %jit3A_690 = arith.constant 1.000000e+00 : f32
    %jit3A_691 = arith.constant 0.000000e+00 : f32
    %broadcast_in_dim3A_692 = vector.broadcast %jit3A_690 : f32 to vector<720x128xf32>
    %broadcast_in_dim3A_693 = vector.broadcast %jit3A_691 : f32 to vector<720x128xf32>
    %select_n3A_694 = arith.select %and3A_689, %broadcast_in_dim3A_692, %broadcast_in_dim3A_693 : vector<720x128xi1>, vector<720x128xf32>
    %reduce_sum3A_695 = arith.constant dense<0.000000e+00> : vector<128xf32>
    %reduce_sum3A_696 = vector.multi_reduction <add>, %select_n3A_694, %reduce_sum3A_695 [0] : vector<720x128xf32> to vector<128xf32>
    %add3A_697 = arith.addf %get3A_684, %reduce_sum3A_696 : vector<128xf32>
    %swap3A_698 = arith.constant 0 : index
    %swap3A_699 = arith.constant 12 : index
    %swap3A_700 = arith.constant 0 : index
    %swap3A_701 = vector.load %arg5[%swap3A_698, %swap3A_699, %swap3A_700] : memref<1x40x128xf32, #tpu.memory_space<vmem>>, vector<1x1x128xf32>
    %swap3A_702 = vector.shape_cast %swap3A_701 : vector<1x1x128xf32> to vector<128xf32>
    %swap3A_703 = vector.shape_cast %add3A_697 : vector<128xf32> to vector<1x1x128xf32>
    tpu.vector_store %arg5[%swap3A_698, %swap3A_699, %swap3A_700], %swap3A_703 {strides = array<i32>} : memref<1x40x128xf32, #tpu.memory_space<vmem>>, vector<1x1x128xf32>,
    %get3A_704 = arith.constant 0 : index
    %get3A_705 = arith.constant 28 : index
    %get3A_706 = arith.constant 0 : index
    %get3A_707 = vector.load %arg5[%get3A_704, %get3A_705, %get3A_706] : memref<1x40x128xf32, #tpu.memory_space<vmem>>, vector<1x1x128xf32>
    %get3A_708 = vector.shape_cast %get3A_707 : vector<1x1x128xf32> to vector<128xf32>
    %ge3A_709 = vector.broadcast %get3A_676 : f32 to vector<720x128xf32>
    %ge3A_710 = arith.cmpf oge, %get3A_10, %ge3A_709 : vector<720x128xf32>
    %lt3A_711 = vector.broadcast %get3A_679 : f32 to vector<720x128xf32>
    %lt3A_712 = arith.cmpf olt, %get3A_10, %lt3A_711 : vector<720x128xf32>
    %and3A_713 = arith.andi %ge3A_710, %lt3A_712 : vector<720x128xi1>
    %jit3A_714 = arith.constant 1.000000e+00 : f32
    %jit3A_715 = arith.constant 0.000000e+00 : f32
    %broadcast_in_dim3A_716 = vector.broadcast %jit3A_714 : f32 to vector<720x128xf32>
    %broadcast_in_dim3A_717 = vector.broadcast %jit3A_715 : f32 to vector<720x128xf32>
    %select_n3A_718 = arith.select %and3A_713, %broadcast_in_dim3A_716, %broadcast_in_dim3A_717 : vector<720x128xi1>, vector<720x128xf32>
    %reduce_sum3A_719 = arith.constant dense<0.000000e+00> : vector<128xf32>
    %reduce_sum3A_720 = vector.multi_reduction <add>, %select_n3A_718, %reduce_sum3A_719 [0] : vector<720x128xf32> to vector<128xf32>
    %add3A_721 = arith.addf %get3A_708, %reduce_sum3A_720 : vector<128xf32>
    %swap3A_722 = arith.constant 0 : index
    %swap3A_723 = arith.constant 28 : index
    %swap3A_724 = arith.constant 0 : index
    %swap3A_725 = vector.load %arg5[%swap3A_722, %swap3A_723, %swap3A_724] : memref<1x40x128xf32, #tpu.memory_space<vmem>>, vector<1x1x128xf32>
    %swap3A_726 = vector.shape_cast %swap3A_725 : vector<1x1x128xf32> to vector<128xf32>
    %swap3A_727 = vector.shape_cast %add3A_721 : vector<128xf32> to vector<1x1x128xf32>
    tpu.vector_store %arg5[%swap3A_722, %swap3A_723, %swap3A_724], %swap3A_727 {strides = array<i32>} : memref<1x40x128xf32, #tpu.memory_space<vmem>>, vector<1x1x128xf32>,
    %get3A_728 = arith.constant 13 : index
    %get3A_729 = arith.constant 0 : index
    %get3A_730 = memref.load %arg2[%get3A_728, %get3A_729] : memref<16x2xf32, #tpu.memory_space<smem>>
    %get3A_731 = arith.constant 13 : index
    %get3A_732 = arith.constant 1 : index
    %get3A_733 = memref.load %arg2[%get3A_731, %get3A_732] : memref<16x2xf32, #tpu.memory_space<smem>>
    %get3A_734 = arith.constant 0 : index
    %get3A_735 = arith.constant 13 : index
    %get3A_736 = arith.constant 0 : index
    %get3A_737 = vector.load %arg5[%get3A_734, %get3A_735, %get3A_736] : memref<1x40x128xf32, #tpu.memory_space<vmem>>, vector<1x1x128xf32>
    %get3A_738 = vector.shape_cast %get3A_737 : vector<1x1x128xf32> to vector<128xf32>
    %ge3A_739 = vector.broadcast %get3A_730 : f32 to vector<720x128xf32>
    %ge3A_740 = arith.cmpf oge, %get3A_5, %ge3A_739 : vector<720x128xf32>
    %lt3A_741 = vector.broadcast %get3A_733 : f32 to vector<720x128xf32>
    %lt3A_742 = arith.cmpf olt, %get3A_5, %lt3A_741 : vector<720x128xf32>
    %and3A_743 = arith.andi %ge3A_740, %lt3A_742 : vector<720x128xi1>
    %jit3A_744 = arith.constant 1.000000e+00 : f32
    %jit3A_745 = arith.constant 0.000000e+00 : f32
    %broadcast_in_dim3A_746 = vector.broadcast %jit3A_744 : f32 to vector<720x128xf32>
    %broadcast_in_dim3A_747 = vector.broadcast %jit3A_745 : f32 to vector<720x128xf32>
    %select_n3A_748 = arith.select %and3A_743, %broadcast_in_dim3A_746, %broadcast_in_dim3A_747 : vector<720x128xi1>, vector<720x128xf32>
    %reduce_sum3A_749 = arith.constant dense<0.000000e+00> : vector<128xf32>
    %reduce_sum3A_750 = vector.multi_reduction <add>, %select_n3A_748, %reduce_sum3A_749 [0] : vector<720x128xf32> to vector<128xf32>
    %add3A_751 = arith.addf %get3A_738, %reduce_sum3A_750 : vector<128xf32>
    %swap3A_752 = arith.constant 0 : index
    %swap3A_753 = arith.constant 13 : index
    %swap3A_754 = arith.constant 0 : index
    %swap3A_755 = vector.load %arg5[%swap3A_752, %swap3A_753, %swap3A_754] : memref<1x40x128xf32, #tpu.memory_space<vmem>>, vector<1x1x128xf32>
    %swap3A_756 = vector.shape_cast %swap3A_755 : vector<1x1x128xf32> to vector<128xf32>
    %swap3A_757 = vector.shape_cast %add3A_751 : vector<128xf32> to vector<1x1x128xf32>
    tpu.vector_store %arg5[%swap3A_752, %swap3A_753, %swap3A_754], %swap3A_757 {strides = array<i32>} : memref<1x40x128xf32, #tpu.memory_space<vmem>>, vector<1x1x128xf32>,
    %get3A_758 = arith.constant 0 : index
    %get3A_759 = arith.constant 29 : index
    %get3A_760 = arith.constant 0 : index
    %get3A_761 = vector.load %arg5[%get3A_758, %get3A_759, %get3A_760] : memref<1x40x128xf32, #tpu.memory_space<vmem>>, vector<1x1x128xf32>
    %get3A_762 = vector.shape_cast %get3A_761 : vector<1x1x128xf32> to vector<128xf32>
    %ge3A_763 = vector.broadcast %get3A_730 : f32 to vector<720x128xf32>
    %ge3A_764 = arith.cmpf oge, %get3A_10, %ge3A_763 : vector<720x128xf32>
    %lt3A_765 = vector.broadcast %get3A_733 : f32 to vector<720x128xf32>
    %lt3A_766 = arith.cmpf olt, %get3A_10, %lt3A_765 : vector<720x128xf32>
    %and3A_767 = arith.andi %ge3A_764, %lt3A_766 : vector<720x128xi1>
    %jit3A_768 = arith.constant 1.000000e+00 : f32
    %jit3A_769 = arith.constant 0.000000e+00 : f32
    %broadcast_in_dim3A_770 = vector.broadcast %jit3A_768 : f32 to vector<720x128xf32>
    %broadcast_in_dim3A_771 = vector.broadcast %jit3A_769 : f32 to vector<720x128xf32>
    %select_n3A_772 = arith.select %and3A_767, %broadcast_in_dim3A_770, %broadcast_in_dim3A_771 : vector<720x128xi1>, vector<720x128xf32>
    %reduce_sum3A_773 = arith.constant dense<0.000000e+00> : vector<128xf32>
    %reduce_sum3A_774 = vector.multi_reduction <add>, %select_n3A_772, %reduce_sum3A_773 [0] : vector<720x128xf32> to vector<128xf32>
    %add3A_775 = arith.addf %get3A_762, %reduce_sum3A_774 : vector<128xf32>
    %swap3A_776 = arith.constant 0 : index
    %swap3A_777 = arith.constant 29 : index
    %swap3A_778 = arith.constant 0 : index
    %swap3A_779 = vector.load %arg5[%swap3A_776, %swap3A_777, %swap3A_778] : memref<1x40x128xf32, #tpu.memory_space<vmem>>, vector<1x1x128xf32>
    %swap3A_780 = vector.shape_cast %swap3A_779 : vector<1x1x128xf32> to vector<128xf32>
    %swap3A_781 = vector.shape_cast %add3A_775 : vector<128xf32> to vector<1x1x128xf32>
    tpu.vector_store %arg5[%swap3A_776, %swap3A_777, %swap3A_778], %swap3A_781 {strides = array<i32>} : memref<1x40x128xf32, #tpu.memory_space<vmem>>, vector<1x1x128xf32>,
    %get3A_782 = arith.constant 14 : index
    %get3A_783 = arith.constant 0 : index
    %get3A_784 = memref.load %arg2[%get3A_782, %get3A_783] : memref<16x2xf32, #tpu.memory_space<smem>>
    %get3A_785 = arith.constant 14 : index
    %get3A_786 = arith.constant 1 : index
    %get3A_787 = memref.load %arg2[%get3A_785, %get3A_786] : memref<16x2xf32, #tpu.memory_space<smem>>
    %get3A_788 = arith.constant 0 : index
    %get3A_789 = arith.constant 14 : index
    %get3A_790 = arith.constant 0 : index
    %get3A_791 = vector.load %arg5[%get3A_788, %get3A_789, %get3A_790] : memref<1x40x128xf32, #tpu.memory_space<vmem>>, vector<1x1x128xf32>
    %get3A_792 = vector.shape_cast %get3A_791 : vector<1x1x128xf32> to vector<128xf32>
    %ge3A_793 = vector.broadcast %get3A_784 : f32 to vector<720x128xf32>
    %ge3A_794 = arith.cmpf oge, %get3A_5, %ge3A_793 : vector<720x128xf32>
    %lt3A_795 = vector.broadcast %get3A_787 : f32 to vector<720x128xf32>
    %lt3A_796 = arith.cmpf olt, %get3A_5, %lt3A_795 : vector<720x128xf32>
    %and3A_797 = arith.andi %ge3A_794, %lt3A_796 : vector<720x128xi1>
    %jit3A_798 = arith.constant 1.000000e+00 : f32
    %jit3A_799 = arith.constant 0.000000e+00 : f32
    %broadcast_in_dim3A_800 = vector.broadcast %jit3A_798 : f32 to vector<720x128xf32>
    %broadcast_in_dim3A_801 = vector.broadcast %jit3A_799 : f32 to vector<720x128xf32>
    %select_n3A_802 = arith.select %and3A_797, %broadcast_in_dim3A_800, %broadcast_in_dim3A_801 : vector<720x128xi1>, vector<720x128xf32>
    %reduce_sum3A_803 = arith.constant dense<0.000000e+00> : vector<128xf32>
    %reduce_sum3A_804 = vector.multi_reduction <add>, %select_n3A_802, %reduce_sum3A_803 [0] : vector<720x128xf32> to vector<128xf32>
    %add3A_805 = arith.addf %get3A_792, %reduce_sum3A_804 : vector<128xf32>
    %swap3A_806 = arith.constant 0 : index
    %swap3A_807 = arith.constant 14 : index
    %swap3A_808 = arith.constant 0 : index
    %swap3A_809 = vector.load %arg5[%swap3A_806, %swap3A_807, %swap3A_808] : memref<1x40x128xf32, #tpu.memory_space<vmem>>, vector<1x1x128xf32>
    %swap3A_810 = vector.shape_cast %swap3A_809 : vector<1x1x128xf32> to vector<128xf32>
    %swap3A_811 = vector.shape_cast %add3A_805 : vector<128xf32> to vector<1x1x128xf32>
    tpu.vector_store %arg5[%swap3A_806, %swap3A_807, %swap3A_808], %swap3A_811 {strides = array<i32>} : memref<1x40x128xf32, #tpu.memory_space<vmem>>, vector<1x1x128xf32>,
    %get3A_812 = arith.constant 0 : index
    %get3A_813 = arith.constant 30 : index
    %get3A_814 = arith.constant 0 : index
    %get3A_815 = vector.load %arg5[%get3A_812, %get3A_813, %get3A_814] : memref<1x40x128xf32, #tpu.memory_space<vmem>>, vector<1x1x128xf32>
    %get3A_816 = vector.shape_cast %get3A_815 : vector<1x1x128xf32> to vector<128xf32>
    %ge3A_817 = vector.broadcast %get3A_784 : f32 to vector<720x128xf32>
    %ge3A_818 = arith.cmpf oge, %get3A_10, %ge3A_817 : vector<720x128xf32>
    %lt3A_819 = vector.broadcast %get3A_787 : f32 to vector<720x128xf32>
    %lt3A_820 = arith.cmpf olt, %get3A_10, %lt3A_819 : vector<720x128xf32>
    %and3A_821 = arith.andi %ge3A_818, %lt3A_820 : vector<720x128xi1>
    %jit3A_822 = arith.constant 1.000000e+00 : f32
    %jit3A_823 = arith.constant 0.000000e+00 : f32
    %broadcast_in_dim3A_824 = vector.broadcast %jit3A_822 : f32 to vector<720x128xf32>
    %broadcast_in_dim3A_825 = vector.broadcast %jit3A_823 : f32 to vector<720x128xf32>
    %select_n3A_826 = arith.select %and3A_821, %broadcast_in_dim3A_824, %broadcast_in_dim3A_825 : vector<720x128xi1>, vector<720x128xf32>
    %reduce_sum3A_827 = arith.constant dense<0.000000e+00> : vector<128xf32>
    %reduce_sum3A_828 = vector.multi_reduction <add>, %select_n3A_826, %reduce_sum3A_827 [0] : vector<720x128xf32> to vector<128xf32>
    %add3A_829 = arith.addf %get3A_816, %reduce_sum3A_828 : vector<128xf32>
    %swap3A_830 = arith.constant 0 : index
    %swap3A_831 = arith.constant 30 : index
    %swap3A_832 = arith.constant 0 : index
    %swap3A_833 = vector.load %arg5[%swap3A_830, %swap3A_831, %swap3A_832] : memref<1x40x128xf32, #tpu.memory_space<vmem>>, vector<1x1x128xf32>
    %swap3A_834 = vector.shape_cast %swap3A_833 : vector<1x1x128xf32> to vector<128xf32>
    %swap3A_835 = vector.shape_cast %add3A_829 : vector<128xf32> to vector<1x1x128xf32>
    tpu.vector_store %arg5[%swap3A_830, %swap3A_831, %swap3A_832], %swap3A_835 {strides = array<i32>} : memref<1x40x128xf32, #tpu.memory_space<vmem>>, vector<1x1x128xf32>,
    %get3A_836 = arith.constant 15 : index
    %get3A_837 = arith.constant 0 : index
    %get3A_838 = memref.load %arg2[%get3A_836, %get3A_837] : memref<16x2xf32, #tpu.memory_space<smem>>
    %get3A_839 = arith.constant 15 : index
    %get3A_840 = arith.constant 1 : index
    %get3A_841 = memref.load %arg2[%get3A_839, %get3A_840] : memref<16x2xf32, #tpu.memory_space<smem>>
    %get3A_842 = arith.constant 0 : index
    %get3A_843 = arith.constant 15 : index
    %get3A_844 = arith.constant 0 : index
    %get3A_845 = vector.load %arg5[%get3A_842, %get3A_843, %get3A_844] : memref<1x40x128xf32, #tpu.memory_space<vmem>>, vector<1x1x128xf32>
    %get3A_846 = vector.shape_cast %get3A_845 : vector<1x1x128xf32> to vector<128xf32>
    %ge3A_847 = vector.broadcast %get3A_838 : f32 to vector<720x128xf32>
    %ge3A_848 = arith.cmpf oge, %get3A_5, %ge3A_847 : vector<720x128xf32>
    %lt3A_849 = vector.broadcast %get3A_841 : f32 to vector<720x128xf32>
    %lt3A_850 = arith.cmpf olt, %get3A_5, %lt3A_849 : vector<720x128xf32>
    %and3A_851 = arith.andi %ge3A_848, %lt3A_850 : vector<720x128xi1>
    %jit3A_852 = arith.constant 1.000000e+00 : f32
    %jit3A_853 = arith.constant 0.000000e+00 : f32
    %broadcast_in_dim3A_854 = vector.broadcast %jit3A_852 : f32 to vector<720x128xf32>
    %broadcast_in_dim3A_855 = vector.broadcast %jit3A_853 : f32 to vector<720x128xf32>
    %select_n3A_856 = arith.select %and3A_851, %broadcast_in_dim3A_854, %broadcast_in_dim3A_855 : vector<720x128xi1>, vector<720x128xf32>
    %reduce_sum3A_857 = arith.constant dense<0.000000e+00> : vector<128xf32>
    %reduce_sum3A_858 = vector.multi_reduction <add>, %select_n3A_856, %reduce_sum3A_857 [0] : vector<720x128xf32> to vector<128xf32>
    %add3A_859 = arith.addf %get3A_846, %reduce_sum3A_858 : vector<128xf32>
    %swap3A_860 = arith.constant 0 : index
    %swap3A_861 = arith.constant 15 : index
    %swap3A_862 = arith.constant 0 : index
    %swap3A_863 = vector.load %arg5[%swap3A_860, %swap3A_861, %swap3A_862] : memref<1x40x128xf32, #tpu.memory_space<vmem>>, vector<1x1x128xf32>
    %swap3A_864 = vector.shape_cast %swap3A_863 : vector<1x1x128xf32> to vector<128xf32>
    %swap3A_865 = vector.shape_cast %add3A_859 : vector<128xf32> to vector<1x1x128xf32>
    tpu.vector_store %arg5[%swap3A_860, %swap3A_861, %swap3A_862], %swap3A_865 {strides = array<i32>} : memref<1x40x128xf32, #tpu.memory_space<vmem>>, vector<1x1x128xf32>,
    %get3A_866 = arith.constant 0 : index
    %get3A_867 = arith.constant 31 : index
    %get3A_868 = arith.constant 0 : index
    %get3A_869 = vector.load %arg5[%get3A_866, %get3A_867, %get3A_868] : memref<1x40x128xf32, #tpu.memory_space<vmem>>, vector<1x1x128xf32>
    %get3A_870 = vector.shape_cast %get3A_869 : vector<1x1x128xf32> to vector<128xf32>
    %ge3A_871 = vector.broadcast %get3A_838 : f32 to vector<720x128xf32>
    %ge3A_872 = arith.cmpf oge, %get3A_10, %ge3A_871 : vector<720x128xf32>
    %lt3A_873 = vector.broadcast %get3A_841 : f32 to vector<720x128xf32>
    %lt3A_874 = arith.cmpf olt, %get3A_10, %lt3A_873 : vector<720x128xf32>
    %and3A_875 = arith.andi %ge3A_872, %lt3A_874 : vector<720x128xi1>
    %jit3A_876 = arith.constant 1.000000e+00 : f32
    %jit3A_877 = arith.constant 0.000000e+00 : f32
    %broadcast_in_dim3A_878 = vector.broadcast %jit3A_876 : f32 to vector<720x128xf32>
    %broadcast_in_dim3A_879 = vector.broadcast %jit3A_877 : f32 to vector<720x128xf32>
    %select_n3A_880 = arith.select %and3A_875, %broadcast_in_dim3A_878, %broadcast_in_dim3A_879 : vector<720x128xi1>, vector<720x128xf32>
    %reduce_sum3A_881 = arith.constant dense<0.000000e+00> : vector<128xf32>
    %reduce_sum3A_882 = vector.multi_reduction <add>, %select_n3A_880, %reduce_sum3A_881 [0] : vector<720x128xf32> to vector<128xf32>
    %add3A_883 = arith.addf %get3A_870, %reduce_sum3A_882 : vector<128xf32>
    %swap3A_884 = arith.constant 0 : index
    %swap3A_885 = arith.constant 31 : index
    %swap3A_886 = arith.constant 0 : index
    %swap3A_887 = vector.load %arg5[%swap3A_884, %swap3A_885, %swap3A_886] : memref<1x40x128xf32, #tpu.memory_space<vmem>>, vector<1x1x128xf32>
    %swap3A_888 = vector.shape_cast %swap3A_887 : vector<1x1x128xf32> to vector<128xf32>
    %swap3A_889 = vector.shape_cast %add3A_883 : vector<128xf32> to vector<1x1x128xf32>
    tpu.vector_store %arg5[%swap3A_884, %swap3A_885, %swap3A_886], %swap3A_889 {strides = array<i32>} : memref<1x40x128xf32, #tpu.memory_space<vmem>>, vector<1x1x128xf32>,
    return
  }
  func.func @transform_0(%arg0: i32, %arg1: i32) -> (i32, i32) {
    %c0_i32 = arith.constant 0 : i32
    %c0_i32_0 = arith.constant 0 : i32
    %c0_i32_1 = arith.constant 0 : i32
    return %c0_i32, %c0_i32_0 : i32, i32
  }
  func.func @transform_1(%arg0: i32, %arg1: i32) -> (i32, i32, i32) {
    %c0_i32 = arith.constant 0 : i32
    %c0_i32_0 = arith.constant 0 : i32
    return %arg0, %arg1, %c0_i32 : i32, i32, i32
  }
  func.func @transform_2(%arg0: i32, %arg1: i32) -> (i32, i32, i32) {
    %c0_i32 = arith.constant 0 : i32
    %c0_i32_0 = arith.constant 0 : i32
    return %arg0, %arg1, %c0_i32 : i32, i32, i32
  }
  func.func @transform_3(%arg0: i32, %arg1: i32) -> (i32, i32, i32) {
    %c0_i32 = arith.constant 0 : i32
    %c0_i32_0 = arith.constant 0 : i32
    %c0_i32_1 = arith.constant 0 : i32
    return %arg0, %c0_i32, %c0_i32_0 : i32, i32, i32
  }
}

</mosaic_0001>

<sc_bundles>
// kernel: kernel.4.cloned.1.call-start
scs
__scs_entry_jumppad:
0x0: {  	(pc) =	sbr.rel $0x88, $3  }
0x1: {  	(tag) =	ssettag $0x0;
	lr =	simm.s32 $0x1  }
0x2: {  	[smem:$0x3F9E] =	sst lr;
	_ =	strace $0xD0000000  }
0x3: {  	_ = 	snop  }
0x4: {  	_ = 	snop  }
0x5: {  	_ = 	snop  }
0x6: {  	_ = 	snop  }
0x7: {  	_ = 	snop  }
__scs_overlays_trampoline_lowered:
0x8: {  	[smem:$0x3FAD] =	sst s0  }
0x9: {  	[smem:$0x3FAE] =	sst s1  }
0xa: {  	[smem:$0x3FAF] =	sst s2  }
0xb: {  	[smem:$0x3FB0] =	sst s3  }
0xc: {  	[smem:$0x3FB1] =	sst s4  }
0xd: {  	[smem:$0x3FB2] =	sst s5  }
0xe: {  	[smem:$0x3FB3] =	sst s6  }
0xf: {  	[smem:$0x3FB4] =	sst s7  }
0x10: {  	[smem:$0x3FB5] =	sst s8  }
0x11: {  	[smem:$0x3FB6] =	sst s9;
	s0 =	simm.s32 @!p0 $0x0  }
0x12: {  	s1 =	sld [smem:$0x3F9C];
	s0 =	simm.s32 @p0 $0x1  }
0x13: {  	[smem:$0x3FB7] =	sst s0;
	s0 =	simm.s32 @!p1 $0x0  }
0x14: {  	s2 =	sld [smem:$0x3F9B];
	s0 =	simm.s32 @p1 $0x1  }
0x15: {  	[smem:$0x3FB8] =	sst s0;
	s0 =	simm.s32 @!p2 $0x0  }
0x16: {  	s3 =	sld [smem:$0x3FDB];
	s0 =	simm.s32 @p2 $0x1  }
0x17: {  	s4 =	simm.s32 $0x1BF5;
	[smem:$0x3FBA] =	sst s0  }
0x18: {  	s0 =	sld [smem:$0x3F9D];
	_ =	swait.ge [sflag:s4], $0x0  }
0x19: {  	s7 =	sld [smem:$0x3F9E]  }
0x1a: {  	s8 =	sadd.s32 $0xFFFFE003, lr  }
0x1b: {  	s9 =	sadd.s32 $0xFFFFFEF7, lr;
	s5 =	simm.s32 $0xFFFFFFFF;
	p2 =	slt.u32 s8, $0xFFFFF086  }
0x1c: {  	p1 =	slt.u32 s9, $0xF7A;
	s5 =	simm.s32 @!p2 $0x0  }
0x1d: {  	s5 =	simm.s32 @p1 $0x1;
	p0 =	seq.s32 s7, s2  }
0x1e: {  	s7 =	smul.u32 @!p0 $0xF7A, s2;
	p2 =	seq.s32 @!p0 s5, $0x0  }
0x1f: {  	s9 =	smul.u32 $0xF7A, s1;
	s8 =	simm.s32 @!p0 $0x1BF5;
	p2 =	por !p2, p0  }
0x20: {  	[sflag:s8] =	ssyncset.s32 @!p0 $0xFFFFF086;
	s6 =	sadd.s32 @!p0 s3, s7;
	s7 =	simm.s32 @!p0 $0x108  }
0x21: {  	s3 =	sadd.s32 s3, s9;
	s6 =	sadd.s32 @!p0 $0x88, s6;
	s7 =	simm.s32 @p2 $0x1082  }
0x22: {  	[simem:s7], [sflag:s8] =	dma.local @!p0 [hbm:s6], $0xF7A  }
0x23: {  	s9 =	sor.u32 $0xD0000000, s2;
	s6 =	simm.s32 $0x108;
	_ =	swait.ge @!p0 [sflag:s8], $0x0  }
0x24: {  	s3 =	sadd.s32 $0x88, s3;
	s6 =	simm.s32 @!p1 $0x1082;
	[sflag:s4] =	ssyncset.s32 $0xFFFFF086  }
0x25: {  	[simem:s6], [sflag:s4] =	dma.local [hbm:s3], $0xF7A  }
0x26: {  	[smem:$0x3F9E] =	sst s1;
	(tag) =	ssettag s2;
	_ =	strace s9  }
0x27: {  	s1 =	sld [smem:$0x3FAE]  }
0x28: {  	s2 =	sld [smem:$0x3FAF]  }
0x29: {  	s4 =	sld [smem:$0x3FB1]  }
0x2a: {  	p0 =	seq.s32 s5, $0x0;
	s5 =	sld [smem:$0x3FB2]  }
0x2b: {  	s6 =	sld [smem:$0x3FB3]  }
0x2c: {  	s7 =	sld [smem:$0x3FB4]  }
0x2d: {  	s3 =	simm.s32 $0x108;
	s8 =	sld [smem:$0x3FB5]  }
0x2e: {  	s3 =	simm.s32 @!p0 $0x1082;
	s9 =	sld [smem:$0x3FB6]  }
0x2f: {  	lr =	sadd.s32 s0, s3;
	s0 =	sld [smem:$0x3FAD]  }
0x30: {  	s3 =	sld [smem:$0x3FB0]  }
0x31: {  	[smem:$0x3FB9] =	sst s10  }
0x32: {  	s10 =	sld [smem:$0x3FB7];
	_ =	sdelay $0x3  }
0x33: {  	p0 =	seq.s32 s10, $0x1;
	s10 =	sld [smem:$0x3FB9];
	_ =	sdelay $0x3  }
0x34: {  	[smem:$0x3FB9] =	sst s10  }
0x35: {  	s10 =	sld [smem:$0x3FB8];
	_ =	sdelay $0x3  }
0x36: {  	p1 =	seq.s32 s10, $0x1;
	s10 =	sld [smem:$0x3FB9];
	_ =	sdelay $0x3  }
0x37: {  	[smem:$0x3FB9] =	sst s10  }
0x38: {  	s10 =	sld [smem:$0x3FBA]  }
0x39: {  	_ = 	snop;
	(pc) =	sbr.ind lr, $3  }
0x3a: {  	_ = 	snop  }
0x3b: {  	_ = 	snop  }
0x3c: {  	p2 =	seq.s32 s10, $0x1;
	s10 =	sld [smem:$0x3FB9]  }
0x3d: {  	_ =	shalt  }
0x3e: {  	_ =	shalt  }
0x3f: {  	_ =	shalt  }
0x40: {  	_ =	shalt  }
0x41: {  	_ =	shalt  }
0x42: {  	_ =	shalt  }
0x43: {  	_ =	shalt  }
0x44: {  	_ =	shalt  }
0x45: {  	_ =	shalt  }
0x46: {  	_ =	shalt  }
0x47: {  	_ =	shalt  }
0x48: {  	_ =	shalt  }
0x49: {  	_ =	shalt  }
0x4a: {  	_ =	shalt  }
0x4b: {  	_ =	shalt  }
0x4c: {  	_ =	shalt  }
0x4d: {  	_ =	shalt  }
0x4e: {  	_ =	shalt  }
0x4f: {  	_ =	shalt  }
0x50: {  	_ =	shalt  }
0x51: {  	_ =	shalt  }
0x52: {  	_ =	shalt  }
0x53: {  	_ =	shalt  }
0x54: {  	_ =	shalt  }
0x55: {  	_ =	shalt  }
0x56: {  	_ =	shalt  }
0x57: {  	_ =	shalt  }
0x58: {  	_ =	shalt  }
0x59: {  	_ =	shalt  }
0x5a: {  	_ =	shalt  }
0x5b: {  	_ =	shalt  }
0x5c: {  	_ =	shalt  }
0x5d: {  	_ =	shalt  }
0x5e: {  	_ =	shalt  }
0x5f: {  	_ =	shalt  }
0x60: {  	_ =	shalt  }
0x61: {  	_ =	shalt  }
0x62: {  	_ =	shalt  }
0x63: {  	_ =	shalt  }
0x64: {  	_ =	shalt  }
0x65: {  	_ =	shalt  }
0x66: {  	_ =	shalt  }
0x67: {  	_ =	shalt  }
0x68: {  	_ =	shalt  }
0x69: {  	_ =	shalt  }
0x6a: {  	_ =	shalt  }
0x6b: {  	_ =	shalt  }
0x6c: {  	_ =	shalt  }
0x6d: {  	_ =	shalt  }
0x6e: {  	_ =	shalt  }
0x6f: {  	_ =	shalt  }
0x70: {  	_ =	shalt  }
0x71: {  	_ =	shalt  }
0x72: {  	_ =	shalt  }
0x73: {  	_ =	shalt  }
0x74: {  	_ =	shalt  }
0x75: {  	_ =	shalt  }
0x76: {  	_ =	shalt  }
0x77: {  	_ =	shalt  }
0x78: {  	_ =	shalt  }
0x79: {  	_ =	shalt  }
0x7a: {  	_ =	shalt  }
0x7b: {  	_ =	shalt  }
0x7c: {  	_ =	shalt  }
0x7d: {  	_ =	shalt  }
0x7e: {  	_ =	shalt  }
0x7f: {  	_ =	shalt  }
0x80: {  	_ =	shalt  }
0x81: {  	_ =	shalt  }
0x82: {  	_ =	shalt  }
0x83: {  	_ =	shalt  }
0x84: {  	_ =	shalt  }
0x85: {  	_ =	shalt  }
0x86: {  	_ =	shalt  }
0x87: {  	_ =	shalt  }
.Lfunc_end0:
.L_simem_size_0:
called_computation_lowered:
.L_overlay_start_0:
0x88: {  	s2 =	sld [smem:$0x3FD9]  }
0x89: {  	s3 =	sld [smem:$0x3FFE];
	_ =	sdelay $0x1  }
0x8a: {  	s1 =	srdreg.scid  }
0x8b: {  	s0 =	sand.u32 $0x1, s1  }
0x8c: {  	s17 =	sshll.u32 s0, $0xA;
	s2 =	sadd.s32 s3, s2  }
0x8d: {  	s2 =	sadd.s32 s2, s17  }
0x8e: {  	[smem:$0x3FC5] =	sst s2  }
0x8f: {  	_ = 	snop  }
0x90: {  	s2 =	sld [smem:$0x3FD0];
	(tm) =	ssettm $0x1  }
0x91: {  	s18 =	sld [smem:$0x3FFB];
	_ =	sdelay $0x3  }
0x92: {  	_ =	strace s18  }
0x93: {  	s3 =	sld [smem:$0x3FFC];
	_ =	sdelay $0x3  }
0x94: {  	_ =	strace s3  }
0x95: {  	s3 =	sld [smem:$0x3FFD];
	_ =	sdelay $0x3  }
0x96: {  	_ =	strace s3  }
0x97: {  	_ =	strace $0x8FFFFFFF  }
0x98: {  	s19 =	sld [smem:$0x3FDB];
	_ =	sdelay $0x1  }
0x99: {  	s4 =	simm.s32 $_scs_section_size  }
0x9a: {  	s5 =	simm.s32 $_size__tile_overlayer_lowered;
	s6 =	simm.s32 $_tile_overlayer_lowered  }
0x9b: {  	s22 =	simm.s32 $0x1BFF;
	s21 =	sshll.u32 s6, $0x1;
	s3 =	sadd.s32 s4, s19  }
0x9c: {  	s7 =	simm.s32 $0x0;
	s20 =	sshll.u32 s5, $0x1;
	s5 =	sadd.s32 s21, s3  }
0x9d: {  	[timem:s7], [sflag:s22] =	dma.local [hbm:s5], s20  }
0x9e: {  	_ =	swait.ge [sflag:s22], s20  }
0x9f: {  	s4 =	ssub.s32 $0x0, s20;
	[sflag:s22] =	ssyncset.done $0x0  }
0xa0: {  	[sflag:s22] =	ssyncadd.s32 s4;
	_ =	sdelay $0x1  }
0xa1: {  	s23 =	simm.s32 $0x1B8B  }
0xa2: {  	_ =	swait.ge [sflag:s23], $0x1  }
0xa3: {  	[sflag:s23] =	ssyncset.done $0x0  }
0xa4: {  	s25 =	simm.s32 $0x1B8E;
	s24 =	sld [smem:$0x3FFE];
	[sflag:s23] =	ssyncadd.s32 $0xFFFFFFFF  }
0xa5: {  	s26 =	simm.s32 $execute0_lowered;
	[smem:$0x3FD2] =	sst s25  }
0xa6: {  	s5 =	sshll.u32 s26, $0x1;
	_ =	strace $0x80000046;
	[dreg:$0x1] =	wrdreg $0xFFFFFFFF  }
0xa7: {  	s28 =	simm.s32 $_size_execute0_lowered;
	s3 =	sadd.s32 s3, s5;
	[dreg:$0x0] =	wrdreg $0x0  }
0xa8: {  	s5 =	sshll.u32 s28, $0x1;
	[dreg:$0x2] =	wrdreg s3  }
0xa9: {  	[dreg:$0x3] =	wrdreg s5  }
0xaa: {  	[dreg:$0x4] =	wrdreg $0xC0  }
0xab: {  	_ =	task [dreg:s7], $0x5FFFF  }
0xac: {  	[dreg:$0x1] =	wrdreg $0xFFFFFFFF  }
0xad: {  	[dreg:$0x0] =	wrdreg $0x60  }
0xae: {  	[dreg:$0x2] =	wrdreg s24  }
0xaf: {  	[dreg:$0x3] =	wrdreg s2  }
0xb0: {  	[dreg:$0x4] =	wrdreg $0x9  }
0xb1: {  	_ =	task.clear_ibuf [dreg:s7], $0x5FFFF;
	_ =	strace $0x90000046  }
0xb2: {  	s29 =	simm.s32 $0x9;
	_ =	strace $0x80000048  }
0xb3: {  	_ =	swait.ge [sflag:s29], $0x1  }
0xb4: {  	[sflag:s29] =	ssyncadd.s32 $0xFFFFFFFF  }
0xb5: {  	_ =	strace $0x90000048  }
0xb6: {  	_ =	sfence  }
0xb7: {  	s30 =	sld [smem:$0x0];
	_ =	sdelay $0x2  }
0xb8: {  	s31 =	sshll.u32 s1, $0xD;
	s1 =	sshrl.u32 s1, $0x2  }
0xb9: {  	s3 =	sand.u32 $0x4000, s31;
	s1 =	sadd.s32 s1, s30  }
0xba: {  	s0 =	sor.u32 s3, s0;
	s1 =	sshll.u32 s1, $0x11  }
0xbb: {  	s0 =	sor.u32 s1, s0  }
0xbc: {  	s0 =	sadd.s32 $0x8F2B, s0  }
0xbd: {  	[sflag:s0] =	ssyncadd.remote.s32 $0x1  }
0xbe: {  	_ =	sfence.sel $0xFFFF  }
0xbf: {  	[dreg:$0x0] =	wrdreg $0xFFFFFFFF;
	(pc) =	sbr.abs _section_cstart, $3  }
0xc0: {  	[dreg:$0x1] =	wrdreg $0xFFFFFFFF  }
0xc1: {  	_ =	task.clear_ibuf [dreg:s7], $0x2FFFF;
	_ =	strace $0x9FFFFFFF  }
0xc2: {  	(tm) =	ssettm $0x7FFFFFFF  }
0xc3: {  	_ =	shalt  }
tec
execute0_lowered:
.L_overlay_start_1:
0x0: {  	(tag) =	ssettag $0x1  }
0x1: {  	s0 =	rddreg [dreg:$0x0]  }
0x2: {  	s3 =	simm.s32 $0x0;
	s1 =	srdreg.scid;
	s5 =	stileid.u32  }
0x3: {  	s7 =	simm.s32 $0x28800;
	s15 =	simm.s32 $0x5;
	s16 =	simm.s32 $0x80  }
0x4: {  	s19 =	simm.s32 $0x1;
	s20 =	simm.s32 $0x3;
	s21 =	simm.s32 $0x7680  }
0x5: {  	s22 =	simm.s32 $0xE280;
	s23 =	simm.s32 $0x18480;
	s28 =	simm.s32 $0x2  }
0x6: {  	s29 =	simm.s32 $0x4;
	s31 =	simm.s32 $0x100;
	[smem:$0x7FF] =	sst s3  }
0x7: {  	s4 =	sadd.s32 $0x1B0A00, s0;
	s1 =	sand.u32 $0x1, s1;
	s2 =	sshll.u32 s5, $0x1  }
0x8: {  	s6 =	smul.u32 $0xD8000, s5;
	s5 =	sadd.s32 $0xA00, s0;
	s8 =	sadd.s32 $0x200, s0  }
0x9: {  	_ =	strace $0x80000047;
	p0 =	seq.s32 s1, $0x1;
	s2 =	sor.u32 s1, s2  }
0xa: {  	[dreg:$0x3] =	wrdreg s8;
	s1 =	ssub.s32 $0x2, s1;
	s7 =	simm.s32 @!p0 $0x0  }
0xb: {  	s24 =	sshll.u32 s2, $0xB;
	s2 =	sshll.u32 s2, $0x4;
	s9 =	sshrl.u32 s1, $0x1  }
0xc: {  	s6 =	sadd.s32 s7, s6;
	s25 =	sadd.s32 s24, s0;
	s0 =	sadd.s32 s2, s0  }
0xd: {  	s1 =	ssub.s32 s1, s9;
	s24 =	simm.s32 $0x11880;
	s8 =	sadd.s32 $0x8A600, s6  }
.Ltmp0:
0xe: {  	s9 =	sadd.s32 $0x8DC00, s6;
	s0 =	sadd.s32 $0x370A00, s0;
	(pc) =	sbr.rel .LBB2_1-.Ltmp0, $4  }
0xf: {  	v0 =	vimm.f32 $0.0e+00;
	v1 =	vimm.s32 $0x7;
	v2 =	vlaneseq.u32;
	s26 =	sshrl.u32 s6, $0x3;
	s12 =	sadd.s32 $0x360A00, s25;
	s13 =	sadd.s32 $0x360A10, s25  }
0x10: {  	v3 =	vimm.f32 $1.000000000e+00;
	v4 =	vimm.s32 $0x0;
	v5 =	vor.u32 $0x400, v2;
	s14 =	smax.u32 s1, $0x1;
	s25 =	simm.s32 $0x1A480;
	s11 =	sadd.s32 $0x10E00, s26  }
0x11: {  	v6 =	vor.u32 $0x800, v2;
	v7 =	vor.u32 $0xC00, v2;
	v8 =	vor.u32 $0x1000, v2;
	[dreg:$0x5] =	wrdreg s0;
	s26 =	simm.s32 $0x14E80;
	s30 =	sadd.s32 s4, s11  }
0x12: {  	v9 =	vor.u32 $0x1400, v2;
	v10 =	vor.u32 $0x1800, v2;
	v11 =	vor.u32 $0x1C00, v2;
	s0 =	simm.s32 $0x0;
	s11 =	sadd.s32 s5, s11;
	[dreg:$0x4] =	wrdreg s30  }
.LBB2_39:
0x13: {  	[tilespmem:$0x1C480] =	vst v16;
	s1 =	rddreg [dreg:$0x5];
	s2 =	simm.s32 $0x1C480  }
0x14: {  	[hbm4b:s1+s3] =	stream.linear.scatter [tilespmem:s2], [sflag:$0x5], $0x80, $0x38;
	[tilespmem:$0x1C500] =	vst v63  }
0x15: {  	_ =	swait.ge [sflag:s15], $0x80  }
0x16: {  	[sflag:s15] =	ssyncset.done $0x0  }
0x17: {  	[sflag:s15] =	ssyncadd.s32 $0xFFFFFF80  }
0x18: {  	[hbm4b:s12+s16] =	stream.strided.scatter [tilespmem:s23], [sflag:$0x5], $0x2000, s31, s16, $0x38;
	[tilespmem:$0x1C500] =	vst v63  }
0x19: {  	s0 =	sadd.s32 $0x1, s0;
	_ =	swait.ge [sflag:s15], $0x2000  }
0x1a: {  	p0 =	sne.s32 s0, s14;
	[sflag:s15] =	ssyncset.done $0x0  }
.Ltmp1:
0x1b: {  	[sflag:s15] =	ssyncadd.s32 $0xFFFFE000;
	(pc) =	sbr.rel @!p0 .LBB2_40-.Ltmp1, $4  }
0x1c: {  	[hbm4b:s13+s16] =	stream.strided.scatter [tilespmem:s25], [sflag:$0x5], $0x2000, s31, s16, $0x38;
	[tilespmem:$0x1C500] =	vst v63  }
0x1d: {  	_ =	swait.ge [sflag:s15], $0x2000  }
0x1e: {  	[sflag:s15] =	ssyncset.done $0x0  }
0x1f: {  	[sflag:s15] =	ssyncadd.s32 $0xFFFFE000  }
.LBB2_1:
0x20: {  	s1 =	rddreg [dreg:$0x1]  }
0x21: {  	[tilespmem:s3], [sflag:$0x5] =	stream.linear.gather [hbm4b:s1+s3], $0x80, $0x38;
	[tilespmem:$0x1C500] =	vst v63  }
0x22: {  	_ =	swait.ge [sflag:s15], $0x80  }
0x23: {  	[sflag:s15] =	ssyncset.done $0x0  }
0x24: {  	s30 =	rddreg [dreg:$0x3];
	[sflag:s15] =	ssyncadd.s32 $0xFFFFFF80  }
0x25: {  	[tilespmem:s16], [sflag:$0x5] =	stream.linear.gather [hbm4b:s30+s3], $0x4000, $0x38;
	[tilespmem:$0x1C500] =	vst v63  }
0x26: {  	_ =	swait.ge [sflag:s15], $0x4000  }
0x27: {  	[sflag:s15] =	ssyncset.done $0x0  }
0x28: {  	s1 =	simm.s32 $0x0;
	[sflag:s15] =	ssyncadd.s32 $0xFFFFC000  }
.LBB2_2:
0x29: {  	p0 =	sne.s32 s1, $0x7FC0  }
.Ltmp2:
0x2a: {  	_ = 	snop;
	(pc) =	sbr.rel @p0 .LBB2_2-.Ltmp2, $4  }
0x2b: {  	_ = 	snop  }
0x2c: {  	s2 =	sshra.s32 s1, $0x2  }
0x2d: {  	[tilespmem:s2+$0x18480] =	vst v0  }
0x2e: {  	s1 =	sadd.s32 $0x40, s1;
	[tilespmem:s2+$0x1A480] =	vst v0  }
0x2f: {  	s1 =	simm.s32 $0x40;
	s2 =	simm.s32 $0x0  }
.LBB2_4:
0x30: {  	p0 =	sne.s32 s1, $0xD7C0;
	[tilespmem:s2+$0x11880] =	vst v0;
	s6 =	smov.u32 s1;
	s1 =	sadd.s32 $0x40, s1  }
.Ltmp3:
0x31: {  	[tilespmem:s2+$0x14E80] =	vst v0;
	(pc) =	sbr.rel @p0 .LBB2_4-.Ltmp3, $2  }
0x32: {  	_ =	sdelay $0x2  }
0x33: {  	s2 =	sshra.s32 s6, $0x2  }
0x34: {  	[tilespmem:s2+$0x11880] =	vst v0  }
0x35: {  	[tilespmem:s2+$0x14E80] =	vst v0  }
0x36: {  	v12 =	vld [tilespmem:$0x0]  }
0x37: {  	v13 =	vld [tilespmem:$0x10]  }
.Ltmp4:
0x38: {  	_ = 	snop;
	(pc) =	sbr.rel .LBB2_6-.Ltmp4, $4  }
0x39: {  	s2 =	simm.s32 $0x0;
	s1 =	rddreg [dreg:$0x4];
	s6 =	simm.s32 $0x4080  }
0x3a: {  	[tilespmem:s6], [sflag:$0x1] =	stream.linear.gather [hbm4b:s1+s2], $0x3600, $0x38;
	[tilespmem:$0x1C500] =	vst v63  }
0x3b: {  	s30 =	simm.s32 $0xAC80  }
0x3c: {  	v16 =	vimm.f32 $0.0e+00;
	[tilespmem:s30], [sflag:$0x3] =	stream.linear.gather [hbm4b:s11+s2], $0x3600, $0x38;
	v14 =	vperm.xlane v12, v1;
	v15 =	vperm.xlane v13, v1;
	[tilespmem:$0x1C500] =	vst v63  }
.LBB2_33:
0x3d: {  	s17 =	simm.s32 $0x0;
	s18 =	simm.s32 $0x0  }
.LBB2_37:
0x3e: {  	vm0 =	vle.f32 v14, v18  }
0x3f: {  	vm6 =	vle.f32 v15, v18;
	v19 =	vsel vm0, $0x8, v4  }
0x40: {  	v21 =	vsel vm6, $0x8, v4;
	v20 =	vor.u32 $0x3, v19  }
0x41: {  	v22 =	vor.u32 $0x3, v21;
	v20 =	vperm.xlane v12, v20  }
0x42: {  	v22 =	vperm.xlane v13, v22  }
0x43: {  	vm7 =	vle.f32 v20, v18  }
0x44: {  	vm8 =	vle.f32 v22, v18;
	v20 =	vsel vm7, $0x4, v4  }
0x45: {  	v58 =	vsel vm8, $0x4, v4;
	v19 =	vor.u32 v19, v20  }
0x46: {  	v20 =	vor.u32 v21, v58;
	v59 =	vor.u32 $0x1, v19  }
0x47: {  	v61 =	vor.u32 $0x1, v20;
	v60 =	vperm.xlane v12, v59  }
0x48: {  	v22 =	vperm.xlane v13, v61  }
0x49: {  	vm9 =	vle.f32 v60, v18  }
0x4a: {  	vm10 =	vle.f32 v22, v18;
	v21 =	vsel vm9, $0x2, v4  }
0x4b: {  	v62 =	vsel vm10, $0x2, v4;
	v19 =	vor.u32 v21, v19  }
0x4c: {  	v20 =	vor.u32 v62, v20;
	v63 =	vperm.xlane v12, v19  }
0x4d: {  	v21 =	vperm.xlane v13, v20  }
0x4e: {  	vm11 =	vle.f32 v63, v18  }
0x4f: {  	vm12 =	vle.f32 v21, v18;
	v22 =	vsel vm11, $0x1, v4  }
0x50: {  	v21 =	vsel vm12, $0x1, v4;
	v19 =	vor.u32 v22, v19  }
0x51: {  	v20 =	vor.u32 v21, v20;
	v22 =	vperm.xlane v12, v19  }
0x52: {  	v21 =	vperm.xlane v13, v20  }
0x53: {  	vm13 =	vle.f32 v22, v18  }
0x54: {  	vm14 =	vle.f32 v21, v18;
	v22 =	vsel vm13, $0x1, v4  }
0x55: {  	v18 =	vsel vm14, $0x1, v4;
	v19 =	vadd.s32 v22, v19  }
0x56: {  	s6 =	sadd.s32 @p0 $0x400, s17;
	s7 =	sadd.s32 @p0 $0x10, s18;
	s10 =	simm.s32 $0x0;
	v18 =	vadd.s32 v18, v19  }
0x57: {  	s10 =	smov.u32 @p0 s7;
	s1 =	smov.u32 @p0 s6;
	v18 =	vadd.s32 v20, v18  }
0x58: {  	s1 =	sand.u32 $0x1C00, s1;
	v19 =	vor.u32 s10, v2;
	v18 =	vshll.u32 v18, $0x4  }
0x59: {  	vm15 =	vlt.s32 v19, v17;
	v17 =	vadd.s32 s1, v18  }
0x5a: {  	v17 =	vor.u32 v2, v17;
	_ =	sdelay $0x4  }
0x5b: {  	[tilespmem:v17+s25+$0x0] =	vst.idx.add.f32.msk vm15, v3  }
.LBB2_38:
0x5c: {  	s2 =	sadd.s32 $0x1, s2  }
0x5d: {  	p0 =	sne.s32 s2, $0x6  }
.Ltmp5:
0x5e: {  	_ = 	snop;
	(pc) =	sbr.rel @!p0 .LBB2_39-.Ltmp5, $1  }
0x5f: {  	_ =	sdelay $0x3  }
.LBB2_6:
0x60: {  	_ =	swait.ge [sflag:s19], $0x3600  }
0x61: {  	s1 =	smul.u32 $0x6C00, s2;
	[sflag:s19] =	ssyncset.done $0x0  }
0x62: {  	[sflag:s19] =	ssyncadd.s32 $0xFFFFCA00  }
0x63: {  	s6 =	sadd.s32 s1, s8;
	_ =	swait.ge [sflag:s20], $0x3600  }
0x64: {  	s6 =	sshrl.u32 s6, $0x3;
	[sflag:s20] =	ssyncset.done $0x0  }
0x65: {  	s17 =	simm.s32 $0xFFFFFF80;
	s7 =	sadd.s32 s4, s6;
	[sflag:s20] =	ssyncadd.s32 $0xFFFFCA00  }
0x66: {  	[tilespmem:s21], [sflag:$0x2] =	stream.linear.gather [hbm4b:s7+s3], $0x3600, $0x38;
	[tilespmem:$0x1C500] =	vst v63  }
0x67: {  	s18 =	simm.s32 $0x40C0;
	s30 =	simm.s32 $0xACC0;
	s6 =	sadd.s32 s5, s6  }
0x68: {  	v17 =	vimm.s32 $0x0;
	v20 =	vimm.s32 $0x0;
	[tilespmem:s22], [sflag:$0x4] =	stream.linear.gather [hbm4b:s6+s3], $0x3600, $0x38;
	[tilespmem:$0x1C500] =	vst v63  }
.LBB2_7:
0x69: {  	v32 =	vld [tilespmem:s18+$0xFFFFFFC0];
	_ =	sdelay $0x4  }
0x6a: {  	v18 =	vmul.f32 $1.024000000e+03, v32;
	_ =	sdelay $0x1  }
0x6b: {  	v18 =	vtrunc.f32 v18  }
0x6c: {  	v18 =	vcvt.f32.s32 v18;
	_ =	sdelay $0x1  }
0x6d: {  	v18 =	vshll.u32 v18, $0x4  }
0x6e: {  	v18 =	vor.u32 v2, v18;
	_ =	sdelay $0x4  }
0x6f: {  	v19 =	vld.idx.msk [tilespmem:v18+s16+$0x0], $0xffff;
	_ =	sdelay $0x2  }
0x70: {  	v31 =	vld [tilespmem:s18+$0xFFFFFFD0]  }
0x71: {  	v18 =	vld [tilespmem:s30+$0xFFFFFFC0]  }
0x72: {  	vm1 =	veq.s32 v19, $0x21  }
0x73: {  	v21 =	vsel vm1, $0x1, v4  }
0x74: {  	(xrf0) =	vadd.scan.msk.s32 $0xffff, v21;
	_ =	sdelay $0x1  }
0x75: {  	v22 =	vmul.f32 $1.024000000e+03, v31;
	v21 =	vmul.f32 $1.024000000e+03, v18;
	_ =	sdelay $0x1  }
0x76: {  	v22 =	vtrunc.f32 v22;
	v21 =	vtrunc.f32 v21  }
0x77: {  	v19 =	vshll.u32 v19, $0x4;
	v23 =	vsel vm1, $0xFFFFFFFF, v4;
	v21 =	vcvt.f32.s32 v21  }
0x78: {  	v22 =	vcvt.f32.s32 v22;
	v19 =	vor.u32 v2, v19;
	v23 =	vadd.s32 v23, v20;
	v24, _, _ =	vpop (xrf0)  }
0x79: {  	v21 =	vshll.u32 v21, $0x4;
	v23 =	vadd.s32 v24, v23  }
0x7a: {  	v22 =	vshll.u32 v22, $0x4;
	v21 =	vor.u32 v2, v21  }
0x7b: {  	v22 =	vor.u32 v2, v22;
	_ =	sdelay $0x1  }
0x7c: {  	[tilespmem:v19+s23+$0x0] =	vst.idx.add.f32.msk $0xffff, v3  }
0x7d: {  	[tilespmem:v23+s24+$0x0] =	vst.idx.msk vm1, v32  }
0x7e: {  	v21 =	vld.idx.msk [tilespmem:v21+s16+$0x0], $0xffff  }
0x7f: {  	v22 =	vld.idx.msk [tilespmem:v22+s16+$0x0], $0xffff;
	_ =	sdelay $0x3  }
0x80: {  	v19 =	vld [tilespmem:s30+$0xFFFFFFD0];
	vm0 =	veq.s32 v21, $0x21  }
0x81: {  	v33 =	vld [tilespmem:s18+$0xFFFFFFE0];
	vm2 =	veq.s32 v22, $0x21;
	v23 =	vsel vm0, $0x1, v4  }
0x82: {  	(xrf0) =	vadd.scan.msk.s32 $0xffff, v23;
	v23 =	vsel vm2, $0x1, v4  }
0x83: {  	(xrf0) =	vadd.scan.msk.s32 $0xffff, v23;
	_ =	sdelay $0x1  }
0x84: {  	v47 =	vmul.f32 $1.024000000e+03, v19;
	v23 =	vmpcnt.ones.xlane vm1  }
0x85: {  	v26 =	vmul.f32 $1.024000000e+03, v33  }
0x86: {  	v27 =	vadd.s32 v20, v23;
	v20 =	vshll.u32 v22, $0x4;
	v22 =	vtrunc.f32 v47  }
0x87: {  	v48 =	vtrunc.f32 v26;
	v23 =	vsel vm2, $0xFFFFFFFF, v4;
	v22 =	vcvt.f32.s32 v22;
	v25, _, _ =	vpop (xrf0)  }
0x88: {  	v24 =	vcvt.f32.s32 v48;
	v20 =	vadd.s32 v5, v20;
	v23 =	vadd.s32 v23, v27;
	v49, _, _ =	vpop (xrf0)  }
0x89: {  	v22 =	vshll.u32 v22, $0x4;
	v23 =	vadd.s32 v49, v23  }
0x8a: {  	v24 =	vshll.u32 v24, $0x4;
	v22 =	vor.u32 v2, v22  }
0x8b: {  	v24 =	vor.u32 v2, v24;
	_ =	sdelay $0x1  }
0x8c: {  	[tilespmem:v20+s23+$0x0] =	vst.idx.add.f32.msk $0xffff, v3  }
0x8d: {  	[tilespmem:v23+s24+$0x0] =	vst.idx.msk vm2, v31  }
0x8e: {  	v23 =	vld.idx.msk [tilespmem:v22+s16+$0x0], $0xffff  }
0x8f: {  	v22 =	vld.idx.msk [tilespmem:v24+s16+$0x0], $0xffff;
	_ =	sdelay $0x2  }
0x90: {  	v38 =	vld [tilespmem:s18+$0xFFFFFFF0]  }
0x91: {  	v20 =	vld [tilespmem:s30+$0xFFFFFFE0];
	vm1 =	veq.s32 v23, $0x21  }
0x92: {  	vm3 =	veq.s32 v22, $0x21;
	v50 =	vsel vm1, $0x1, v4  }
0x93: {  	v51 =	vsel vm3, $0x1, v4;
	(xrf0) =	vadd.scan.msk.s32 $0xffff, v50  }
0x94: {  	(xrf0) =	vadd.scan.msk.s32 $0xffff, v51  }
0x95: {  	v29 =	vmul.f32 $1.024000000e+03, v38  }
0x96: {  	v52 =	vmpcnt.ones.xlane vm2;
	v53 =	vmul.f32 $1.024000000e+03, v20;
	_ =	sdelay $0x1  }
0x97: {  	v29 =	vtrunc.f32 v29;
	v24 =	vadd.s32 v27, v52;
	v26 =	vtrunc.f32 v53  }
0x98: {  	v26 =	vcvt.f32.s32 v26;
	v22 =	vshll.u32 v22, $0x4;
	v54 =	vsel vm3, $0xFFFFFFFF, v4;
	v28, _, _ =	vpop (xrf0)  }
0x99: {  	v29 =	vcvt.f32.s32 v29;
	v22 =	vadd.s32 v6, v22;
	v27 =	vadd.s32 v54, v24;
	v30, _, _ =	vpop (xrf0)  }
0x9a: {  	v26 =	vshll.u32 v26, $0x4;
	v27 =	vadd.s32 v30, v27  }
0x9b: {  	v29 =	vshll.u32 v29, $0x4;
	v26 =	vor.u32 v2, v26  }
0x9c: {  	v29 =	vor.u32 v2, v29;
	_ =	sdelay $0x1  }
0x9d: {  	[tilespmem:v22+s23+$0x0] =	vst.idx.add.f32.msk $0xffff, v3  }
0x9e: {  	[tilespmem:v27+s24+$0x0] =	vst.idx.msk vm3, v33  }
0x9f: {  	v26 =	vld.idx.msk [tilespmem:v26+s16+$0x0], $0xffff  }
0xa0: {  	v55 =	vld.idx.msk [tilespmem:v29+s16+$0x0], $0xffff;
	_ =	sdelay $0x2  }
0xa1: {  	v41 =	vld [tilespmem:s18+$0x0]  }
0xa2: {  	v22 =	vld [tilespmem:s30+$0xFFFFFFF0];
	vm2 =	veq.s32 v26, $0x21  }
0xa3: {  	vm4 =	veq.s32 v55, $0x21;
	v56 =	vsel vm2, $0x1, v4  }
0xa4: {  	v57 =	vsel vm4, $0x1, v4;
	(xrf0) =	vadd.scan.msk.s32 $0xffff, v56  }
0xa5: {  	(xrf0) =	vadd.scan.msk.s32 $0xffff, v57;
	_ =	sdelay $0x1  }
0xa6: {  	v34 =	vmul.f32 $1.024000000e+03, v41;
	v59 =	vmul.f32 $1.024000000e+03, v22  }
0xa7: {  	v58 =	vmpcnt.ones.xlane vm3  }
0xa8: {  	v34 =	vtrunc.f32 v34;
	v60 =	vshll.u32 v55, $0x4;
	v61 =	vtrunc.f32 v59  }
0xa9: {  	v62 =	vsel vm4, $0xFFFFFFFF, v4;
	v35 =	vadd.s32 v24, v58;
	v27 =	vcvt.f32.s32 v61;
	v30, _, _ =	vpop (xrf0)  }
0xaa: {  	v34 =	vcvt.f32.s32 v34;
	v24 =	vadd.s32 v7, v60;
	v29 =	vadd.s32 v62, v35;
	v36, _, _ =	vpop (xrf0)  }
0xab: {  	v27 =	vshll.u32 v27, $0x4;
	v29 =	vadd.s32 v36, v29  }
0xac: {  	v34 =	vshll.u32 v34, $0x4;
	v27 =	vor.u32 v2, v27  }
0xad: {  	v34 =	vor.u32 v2, v34;
	_ =	sdelay $0x1  }
0xae: {  	[tilespmem:v24+s23+$0x0] =	vst.idx.add.f32.msk $0xffff, v3  }
0xaf: {  	[tilespmem:v29+s24+$0x0] =	vst.idx.msk vm4, v38  }
0xb0: {  	v29 =	vld.idx.msk [tilespmem:v27+s16+$0x0], $0xffff  }
0xb1: {  	v63 =	vld.idx.msk [tilespmem:v34+s16+$0x0], $0xffff;
	_ =	sdelay $0x2  }
0xb2: {  	v42 =	vld [tilespmem:s18+$0x10]  }
0xb3: {  	v24 =	vld [tilespmem:s30+$0x0];
	vm3 =	veq.s32 v29, $0x21  }
0xb4: {  	vm5 =	veq.s32 v63, $0x21;
	v39 =	vsel vm3, $0x1, v4  }
0xb5: {  	v45 =	vsel vm5, $0x1, v4;
	(xrf0) =	vadd.scan.msk.s32 $0xffff, v39  }
0xb6: {  	(xrf0) =	vadd.scan.msk.s32 $0xffff, v45;
	_ =	sdelay $0x1  }
0xb7: {  	v37 =	vmul.f32 $1.024000000e+03, v42;
	v47 =	vmul.f32 $1.024000000e+03, v24  }
0xb8: {  	v46 =	vmpcnt.ones.xlane vm4  }
0xb9: {  	v37 =	vtrunc.f32 v37;
	v49 =	vsel vm5, $0xFFFFFFFF, v4;
	v48 =	vtrunc.f32 v47  }
0xba: {  	v34 =	vcvt.f32.s32 v48;
	v27 =	vshll.u32 v63, $0x4;
	v39 =	vadd.s32 v35, v46;
	v36, _, _ =	vpop (xrf0)  }
0xbb: {  	v37 =	vcvt.f32.s32 v37;
	v27 =	vadd.s32 v8, v27;
	v35 =	vadd.s32 v49, v39;
	v40, _, _ =	vpop (xrf0)  }
0xbc: {  	v34 =	vshll.u32 v34, $0x4;
	v35 =	vadd.s32 v40, v35  }
0xbd: {  	v37 =	vshll.u32 v37, $0x4;
	v34 =	vor.u32 v2, v34  }
0xbe: {  	v37 =	vor.u32 v2, v37;
	_ =	sdelay $0x1  }
0xbf: {  	[tilespmem:v27+s23+$0x0] =	vst.idx.add.f32.msk $0xffff, v3  }
0xc0: {  	[tilespmem:v35+s24+$0x0] =	vst.idx.msk vm5, v41  }
0xc1: {  	v34 =	vld.idx.msk [tilespmem:v34+s16+$0x0], $0xffff  }
0xc2: {  	v37 =	vld.idx.msk [tilespmem:v37+s16+$0x0], $0xffff;
	_ =	sdelay $0x3  }
0xc3: {  	v27 =	vld [tilespmem:s30+$0x10];
	vm14 =	veq.s32 v34, $0x21  }
0xc4: {  	vm6 =	veq.s32 v37, $0x21;
	v35 =	vld [tilespmem:s18+$0x20];
	v50 =	vsel vm14, $0x1, v4  }
0xc5: {  	v51 =	vsel vm6, $0x1, v4;
	(xrf0) =	vadd.scan.msk.s32 $0xffff, v50  }
0xc6: {  	(xrf0) =	vadd.scan.msk.s32 $0xffff, v51;
	_ =	sdelay $0x1  }
0xc7: {  	v43 =	vmul.f32 $1.024000000e+03, v27  }
0xc8: {  	v52 =	vmpcnt.ones.xlane vm5;
	v44 =	vmul.f32 $1.024000000e+03, v35  }
0xc9: {  	v37 =	vshll.u32 v37, $0x4;
	v54 =	vsel vm6, $0xFFFFFFFF, v4;
	v53 =	vtrunc.f32 v43  }
0xca: {  	v45 =	vadd.s32 v39, v52;
	v39 =	vcvt.f32.s32 v53;
	v44 =	vtrunc.f32 v44;
	v40, _, _ =	vpop (xrf0)  }
0xcb: {  	v37 =	vadd.s32 v9, v37;
	v43 =	vadd.s32 v54, v45;
	v44 =	vcvt.f32.s32 v44;
	v46, _, _ =	vpop (xrf0)  }
0xcc: {  	v39 =	vshll.u32 v39, $0x4;
	v43 =	vadd.s32 v46, v43  }
0xcd: {  	v39 =	vor.u32 v2, v39;
	v44 =	vshll.u32 v44, $0x4  }
0xce: {  	v44 =	vor.u32 v2, v44;
	_ =	sdelay $0x1  }
0xcf: {  	[tilespmem:v37+s23+$0x0] =	vst.idx.add.f32.msk $0xffff, v3  }
0xd0: {  	[tilespmem:v43+s24+$0x0] =	vst.idx.msk vm6, v42  }
0xd1: {  	v39 =	vld.idx.msk [tilespmem:v39+s16+$0x0], $0xffff  }
0xd2: {  	v55 =	vld.idx.msk [tilespmem:v44+s16+$0x0], $0xffff;
	_ =	sdelay $0x1  }
0xd3: {  	v56 =	vsub.f32 v32, v18;
	v32 =	vld [tilespmem:s30+$0x20]  }
0xd4: {  	v37 =	vld [tilespmem:s18+$0x30]  }
0xd5: {  	vm15 =	veq.s32 v39, $0x21  }
0xd6: {  	vm8 =	veq.s32 v55, $0x21;
	v57 =	vsel vm15, $0x1, v4  }
0xd7: {  	v58 =	vsel vm8, $0x1, v4;
	(xrf0) =	vadd.scan.msk.s32 $0xffff, v57  }
0xd8: {  	v21 =	vshll.u32 v21, $0x4;
	(xrf0) =	vadd.scan.msk.s32 $0xffff, v58  }
0xd9: {  	v21 =	vor.u32 v2, v21;
	v48 =	vmul.f32 $1.024000000e+03, v32;
	v50 =	vmul.f32 $1.024000000e+03, v37  }
0xda: {  	v31 =	vsub.f32 v31, v19;
	v60 =	vmpcnt.ones.xlane vm6;
	v47 =	vmul.f32 $5.000000000e-01, v56  }
0xdb: {  	v23 =	vshll.u32 v23, $0x4;
	v61 =	vtrunc.f32 v48;
	v50 =	vtrunc.f32 v50  }
0xdc: {  	v45 =	vadd.s32 v45, v60;
	v50 =	vcvt.f32.s32 v50;
	v44 =	vmul.f32 v47, v56  }
0xdd: {  	v47 =	vcvt.f32.s32 v61;
	v43 =	vshll.u32 v55, $0x4;
	v51 =	vsel vm8, $0xFFFFFFFF, v4;
	v48, _, _ =	vpop (xrf0)  }
0xde: {  	v50 =	vshll.u32 v50, $0x4;
	v43 =	vadd.s32 v10, v43;
	v51 =	vadd.s32 v51, v45;
	v52, _, _ =	vpop (xrf0)  }
0xdf: {  	v50 =	vor.u32 v2, v50;
	v47 =	vshll.u32 v47, $0x4;
	v51 =	vadd.s32 v52, v51  }
0xe0: {  	v23 =	vadd.s32 v5, v23;
	v26 =	vshll.u32 v26, $0x4;
	v47 =	vor.u32 v2, v47  }
0xe1: {  	v62 =	vmul.f32 $5.000000000e-01, v31;
	v33 =	vsub.f32 v33, v20;
	v26 =	vadd.s32 v6, v26  }
0xe2: {  	v59 =	vand.u32 $0x7FFFFFFF, v56;
	v38 =	vsub.f32 v38, v22;
	v29 =	vshll.u32 v29, $0x4  }
0xe3: {  	v29 =	vadd.s32 v7, v29;
	v49 =	vand.u32 $0x7FFFFFFF, v31;
	v41 =	vsub.f32 v41, v24;
	[tilespmem:v43+s23+$0x0] =	vst.idx.add.f32.msk $0xffff, v3  }
0xe4: {  	vm7 =	vlt.f32 v59, $1.000000000e+00;
	v31 =	vmul.f32 v62, v31;
	v63 =	vadd.f32 $-5.000000000e-01, v49;
	v50 =	vld.idx.msk [tilespmem:v50+s16+$0x0], $0xffff;
	[tilespmem:v51+s24+$0x0] =	vst.idx.msk vm8, v35  }
0xe5: {  	vm9 =	vlt.f32 v49, $1.000000000e+00;
	v60 =	vmul.f32 $5.000000000e-01, v41;
	v46 =	vadd.f32 $-5.000000000e-01, v59;
	v47 =	vld.idx.msk [tilespmem:v47+s16+$0x0], $0xffff  }
0xe6: {  	v31 =	vsel vm9, v31, v63;
	v56 =	vand.u32 $0x7FFFFFFF, v33;
	v61 =	vand.u32 $0x7FFFFFFF, v41  }
0xe7: {  	v41 =	vmul.f32 v60, v41;
	vm10 =	vlt.f32 v56, $1.000000000e+00;
	v44 =	vsel vm7, v44, v46  }
0xe8: {  	vm9 =	vlt.f32 v61, $1.000000000e+00;
	v46 =	vadd.f32 $-5.000000000e-01, v56;
	v16 =	vadd.f32 v44, v16  }
0xe9: {  	v55 =	vmul.f32 $5.000000000e-01, v33;
	v42 =	vsub.f32 v42, v27;
	v57 =	vmul.f32 $5.000000000e-01, v38  }
0xea: {  	v49 =	vld [tilespmem:s30+$0x30];
	v16 =	vadd.f32 v31, v16;
	vm7 =	veq.s32 v50, $0x21;
	vm6 =	veq.s32 v47, $0x21  }
0xeb: {  	v58 =	vand.u32 $0x7FFFFFFF, v38;
	v38 =	vmul.f32 v57, v38;
	v57 =	vsel vm6, $0x1, v4  }
0xec: {  	v59 =	vadd.f32 $-5.000000000e-01, v58;
	vm11 =	vlt.f32 v58, $1.000000000e+00;
	v58 =	vsel vm7, $0x1, v4;
	(xrf0) =	vadd.scan.msk.s32 $0xffff, v57  }
0xed: {  	v33 =	vmul.f32 v55, v33;
	v62 =	vmul.f32 $5.000000000e-01, v42;
	v63 =	vand.u32 $0x7FFFFFFF, v42;
	(xrf0) =	vadd.scan.msk.s32 $0xffff, v58  }
0xee: {  	v56 =	vadd.f32 $-5.000000000e-01, v63;
	vm12 =	vlt.f32 v63, $1.000000000e+00;
	v55 =	vshll.u32 v50, $0x4  }
0xef: {  	v33 =	vsel vm10, v33, v46;
	v42 =	vmul.f32 v62, v42;
	v52 =	vmul.f32 $1.024000000e+03, v49  }
0xf0: {  	v16 =	vadd.f32 v33, v16;
	v43 =	vadd.f32 $-5.000000000e-01, v61;
	v61 =	vmpcnt.ones.xlane vm8  }
0xf1: {  	v42 =	vsel vm12, v42, v56;
	v56 =	vsel vm7, $0xFFFFFFFF, v4;
	v54 =	vtrunc.f32 v52  }
0xf2: {  	v41 =	vsel vm9, v41, v43;
	v31 =	vadd.s32 v45, v61;
	v43 =	vcvt.f32.s32 v54;
	v44, _, _ =	vpop (xrf0)  }
0xf3: {  	v45 =	vadd.s32 v11, v55;
	v46 =	vadd.s32 v56, v31;
	v38 =	vsel vm11, v38, v59;
	v58, _, _ =	vpop (xrf0)  }
0xf4: {  	v59 =	vsel vm0, $0xFFFFFFFF, v4;
	v43 =	vshll.u32 v43, $0x4;
	v46 =	vadd.s32 v58, v46  }
0xf5: {  	v60 =	vmpcnt.ones.xlane vm0;
	v62 =	vadd.s32 v59, v17;
	v43 =	vor.u32 v2, v43  }
0xf6: {  	v63 =	vsel vm1, $0xFFFFFFFF, v4;
	v16 =	vadd.f32 v38, v16;
	v25 =	vadd.s32 v25, v62  }
0xf7: {  	[tilespmem:v21+s25+$0x0] =	vst.idx.add.f32.msk $0xffff, v3;
	v61 =	vsel vm3, $0xFFFFFFFF, v4;
	v55 =	vshll.u32 v39, $0x4;
	v17 =	vadd.s32 v17, v60  }
0xf8: {  	v59 =	vmpcnt.ones.xlane vm2;
	[tilespmem:v45+s23+$0x0] =	vst.idx.add.f32.msk $0xffff, v3;
	v53 =	vadd.s32 v63, v17;
	v16 =	vadd.f32 v41, v16  }
0xf9: {  	v60 =	vsel vm2, $0xFFFFFFFF, v4;
	v28 =	vadd.s32 v28, v53;
	v53 =	vsub.f32 v35, v32;
	[tilespmem:v46+s24+$0x0] =	vst.idx.msk vm7, v37  }
0xfa: {  	v63 =	vmpcnt.ones.xlane vm3;
	v16 =	vadd.f32 v42, v16;
	v57 =	vmpcnt.ones.xlane vm1;
	v50 =	vld.idx.msk [tilespmem:v43+s16+$0x0], $0xffff  }
0xfb: {  	v56 =	vmul.f32 $5.000000000e-01, v53;
	v52 =	vsel vm15, $0xFFFFFFFF, v4;
	[tilespmem:v25+s26+$0x0] =	vst.idx.msk vm0, v18;
	v18 =	vshll.u32 v34, $0x4  }
0xfc: {  	v25 =	vand.u32 $0x7FFFFFFF, v53;
	v18 =	vadd.s32 v8, v18;
	v17 =	vadd.s32 v17, v57  }
0xfd: {  	v51 =	vmpcnt.ones.xlane vm14;
	v33 =	vadd.s32 v60, v17;
	v17 =	vadd.s32 v17, v59  }
0xfe: {  	v30 =	vadd.s32 v30, v33;
	v62 =	vadd.s32 v61, v17;
	v17 =	vadd.s32 v17, v63  }
0xff: {  	[tilespmem:v23+s25+$0x0] =	vst.idx.add.f32.msk $0xffff, v3;
	v33 =	vadd.s32 v36, v62;
	v46 =	vsel vm14, $0xFFFFFFFF, v4;
	vm13 =	veq.s32 v50, $0x21  }
0x100: {  	[tilespmem:v26+s25+$0x0] =	vst.idx.add.f32.msk $0xffff, v3;
	v36 =	vadd.s32 v46, v17;
	v17 =	vadd.s32 v17, v51;
	v54 =	vsel vm13, $0x1, v4  }
0x101: {  	v57 =	vadd.s32 v9, v55;
	v59 =	vmpcnt.ones.xlane vm6;
	v23 =	vadd.s32 v52, v17;
	(xrf0) =	vadd.scan.msk.s32 $0xffff, v54  }
0x102: {  	[tilespmem:v28+s26+$0x0] =	vst.idx.msk vm1, v19;
	v21 =	vadd.s32 v40, v36;
	v19 =	vadd.s32 v48, v23;
	v23 =	vmpcnt.ones.xlane vm15  }
0x103: {  	v60 =	vsub.f32 v37, v49;
	v58 =	vshll.u32 v47, $0x4;
	[tilespmem:v30+s26+$0x0] =	vst.idx.msk vm2, v20;
	v20 =	vmul.f32 v56, v53  }
0x104: {  	[tilespmem:v29+s25+$0x0] =	vst.idx.add.f32.msk $0xffff, v3;
	v28 =	vadd.s32 v10, v58;
	v17 =	vadd.s32 v17, v23;
	v23 =	vsel vm6, $0xFFFFFFFF, v4  }
0x105: {  	[tilespmem:v33+s26+$0x0] =	vst.idx.msk vm3, v22;
	v22 =	vadd.f32 $-5.000000000e-01, v25;
	v23 =	vadd.s32 v23, v17;
	v17 =	vadd.s32 v17, v59  }
0x106: {  	[tilespmem:v18+s25+$0x0] =	vst.idx.add.f32.msk $0xffff, v3;
	v18 =	vshll.u32 v50, $0x4;
	v23 =	vadd.s32 v44, v23;
	v61 =	vsel vm13, $0xFFFFFFFF, v4  }
0x107: {  	s17 =	sadd.s32 $0x80, s17;
	[tilespmem:v21+s26+$0x0] =	vst.idx.msk vm14, v24;
	v21 =	vmul.f32 $5.000000000e-01, v60;
	v18 =	vadd.s32 v11, v18;
	v29 =	vadd.s32 v61, v17;
	v62, _, _ =	vpop (xrf0)  }
0x108: {  	p0 =	slt.u32 s17, $0x3580;
	v63 =	vand.u32 $0x7FFFFFFF, v60;
	[tilespmem:v57+s25+$0x0] =	vst.idx.add.f32.msk $0xffff, v3;
	vm14 =	vlt.f32 v25, $1.000000000e+00;
	v24 =	vadd.s32 v62, v29  }
.Ltmp6:
0x109: {  	[tilespmem:v19+s26+$0x0] =	vst.idx.msk vm15, v27;
	v19 =	vsel vm14, v20, v22;
	v20 =	vmul.f32 v21, v60;
	v21 =	vadd.f32 $-5.000000000e-01, v63;
	(pc) =	sbr.rel @p0 .LBB2_7-.Ltmp6, $4  }
0x10a: {  	[tilespmem:v28+s25+$0x0] =	vst.idx.add.f32.msk $0xffff, v3;
	vm15 =	vlt.f32 v63, $1.000000000e+00;
	v16 =	vadd.f32 v19, v16  }
0x10b: {  	v19 =	vsel vm15, v20, v21;
	v20 =	vmpcnt.ones.xlane vm7;
	v21 =	vmpcnt.ones.xlane vm13;
	[tilespmem:v23+s26+$0x0] =	vst.idx.msk vm6, v32  }
0x10c: {  	v16 =	vadd.f32 v19, v16;
	[tilespmem:v18+s25+$0x0] =	vst.idx.add.f32.msk $0xffff, v3  }
0x10d: {  	s30 =	sadd.s32 $0x80, s30;
	s18 =	sadd.s32 $0x80, s18;
	v20 =	vadd.s32 v31, v20;
	v17 =	vadd.s32 v17, v21;
	[tilespmem:v24+s26+$0x0] =	vst.idx.msk vm13, v49  }
0x10e: {  	v18 =	vxor.u32 $0x80000000, v20  }
0x10f: {  	(xrf0) =	vmax.scan.msk.u32 $0xffff, v18;
	_ =	sdelay $0x5  }
0x110: {  	v18, _, _ =	vpop (xrf0)  }
0x111: {  	(v2sf) =	vpush v18, $0xF;
	_ =	sdelay $0xe  }
0x112: {  	s6 =	spop (v2sf)  }
0x113: {  	s6 =	sadd.s32 $0x8000000F, s6  }
0x114: {  	p0 =	slt.s32 s6, $0x10  }
.Ltmp7:
0x115: {  	_ = 	snop;
	(pc) =	sbr.rel @p0 .LBB2_15-.Ltmp7, $1  }
0x116: {  	_ =	sdelay $0x3  }
0x117: {  	s7 =	sshra.s32 s6, $0x1F  }
0x118: {  	s7 =	sshrl.u32 s7, $0x1C  }
0x119: {  	s18 =	sadd.s32 s7, s6  }
0x11a: {  	s6 =	sshra.s32 s18, $0x4  }
0x11b: {  	p1 =	sne.s32 s6, $0x1  }
.Ltmp8:
0x11c: {  	_ = 	snop;
	(pc) =	sbr.rel @!p1 .LBB2_10-.Ltmp8, $3  }
0x11d: {  	_ =	sdelay $0x1  }
0x11e: {  	s30 =	simm.s32 $0x11880  }
0x11f: {  	s17 =	simm.s32 $0x0;
	p0 =	por $0x0, $0x0;
	v18 =	vld [tilespmem:s30+$0x0];
	s7 =	sadd.s32 $0xFFFFFFFF, s6  }
0x120: {  	_ =	sdelay $0x3  }
0x121: {  	vm0 =	vle.f32 v14, v18  }
0x122: {  	vm6 =	vle.f32 v15, v18;
	v19 =	vsel vm0, $0x8, v4  }
0x123: {  	v22 =	vsel vm6, $0x8, v4;
	v21 =	vor.u32 $0x3, v19  }
0x124: {  	v23 =	vor.u32 $0x3, v22;
	v21 =	vperm.xlane v12, v21  }
0x125: {  	v23 =	vperm.xlane v13, v23  }
0x126: {  	vm7 =	vle.f32 v21, v18  }
0x127: {  	vm8 =	vle.f32 v23, v18;
	v21 =	vsel vm7, $0x4, v4  }
0x128: {  	v19 =	vor.u32 v19, v21;
	v21 =	vsel vm8, $0x4, v4  }
0x129: {  	v23 =	vor.u32 $0x1, v19;
	v21 =	vor.u32 v22, v21  }
0x12a: {  	v22 =	vperm.xlane v12, v23;
	v23 =	vor.u32 $0x1, v21  }
0x12b: {  	v23 =	vperm.xlane v13, v23  }
0x12c: {  	vm9 =	vle.f32 v22, v18  }
0x12d: {  	v22 =	vsel vm9, $0x2, v4;
	vm10 =	vle.f32 v23, v18  }
0x12e: {  	v19 =	vor.u32 v22, v19;
	v22 =	vsel vm10, $0x2, v4  }
0x12f: {  	v23 =	vperm.xlane v12, v19;
	v21 =	vor.u32 v22, v21  }
0x130: {  	v22 =	vperm.xlane v13, v21  }
0x131: {  	vm11 =	vle.f32 v23, v18  }
0x132: {  	v23 =	vsel vm11, $0x1, v4;
	vm12 =	vle.f32 v22, v18  }
0x133: {  	v19 =	vor.u32 v23, v19;
	v22 =	vsel vm12, $0x1, v4  }
0x134: {  	v23 =	vperm.xlane v12, v19;
	v21 =	vor.u32 v22, v21  }
0x135: {  	v22 =	vperm.xlane v13, v21  }
0x136: {  	vm13 =	vle.f32 v23, v18  }
0x137: {  	v23 =	vsel vm13, $0x1, v4;
	vm14 =	vle.f32 v22, v18  }
0x138: {  	v18 =	vsel vm14, $0x1, v4;
	v19 =	vadd.s32 v23, v19  }
0x139: {  	v18 =	vadd.s32 v18, v19  }
0x13a: {  	v18 =	vadd.s32 v21, v18  }
0x13b: {  	s6 =	sand.u32 $0x1C00, s17;
	v19 =	vor.u32 s17, v2;
	v18 =	vshll.u32 v18, $0x4  }
0x13c: {  	vm15 =	vlt.s32 v19, v20;
	v18 =	vadd.s32 s6, v18  }
0x13d: {  	v18 =	vor.u32 v2, v18  }
0x13e: {  	p1 =	sne.s32 s7, $0x1  }
.Ltmp9:
0x13f: {  	_ = 	snop;
	(pc) =	sbr.rel @!p1 .LBB2_12-.Ltmp9, $3  }
0x140: {  	_ =	sdelay $0x1  }
0x141: {  	s7 =	sadd.s32 $0xFFFFFFFF, s7;
	s6 =	simm.s32 $0x11890;
	[tilespmem:v18+s23+$0x0] =	vst.idx.add.f32.msk vm15, v3  }
0x142: {  	p0 =	por $0x1, $0x1;
	s18 =	simm.s32 $0x0;
	s30 =	simm.s32 $0x0;
	v18 =	vld [tilespmem:s6+$0x0]  }
.LBB2_13:
0x143: {  	p1 =	sne.s32 s7, $0x1;
	_ =	sdelay $0x3  }
0x144: {  	vm0 =	vle.f32 v14, v18  }
0x145: {  	v19 =	vsel vm0, $0x8, v4;
	vm0 =	vle.f32 v15, v18  }
0x146: {  	v21 =	vor.u32 $0x3, v19;
	v22 =	vsel vm0, $0x8, v4  }
0x147: {  	v21 =	vperm.xlane v12, v21;
	v23 =	vor.u32 $0x3, v22  }
0x148: {  	v23 =	vperm.xlane v13, v23  }
0x149: {  	vm0 =	vle.f32 v21, v18  }
0x14a: {  	v21 =	vsel vm0, $0x4, v4;
	vm0 =	vle.f32 v23, v18  }
0x14b: {  	v19 =	vor.u32 v19, v21;
	v21 =	vsel vm0, $0x4, v4  }
0x14c: {  	v23 =	vor.u32 $0x1, v19;
	v21 =	vor.u32 v22, v21  }
0x14d: {  	v22 =	vperm.xlane v12, v23;
	v23 =	vor.u32 $0x1, v21  }
0x14e: {  	v23 =	vperm.xlane v13, v23  }
0x14f: {  	vm0 =	vle.f32 v22, v18  }
0x150: {  	v22 =	vsel vm0, $0x2, v4;
	vm0 =	vle.f32 v23, v18  }
0x151: {  	v19 =	vor.u32 v22, v19;
	v22 =	vsel vm0, $0x2, v4  }
0x152: {  	v23 =	vperm.xlane v12, v19;
	v21 =	vor.u32 v22, v21  }
0x153: {  	v22 =	vperm.xlane v13, v21  }
0x154: {  	vm0 =	vle.f32 v23, v18  }
0x155: {  	v23 =	vsel vm0, $0x1, v4;
	vm0 =	vle.f32 v22, v18  }
0x156: {  	v19 =	vor.u32 v23, v19;
	v22 =	vsel vm0, $0x1, v4  }
0x157: {  	v23 =	vperm.xlane v12, v19;
	v21 =	vor.u32 v22, v21  }
0x158: {  	v22 =	vperm.xlane v13, v21  }
0x159: {  	vm0 =	vle.f32 v23, v18  }
0x15a: {  	v23 =	vsel vm0, $0x1, v4;
	vm0 =	vle.f32 v22, v18  }
0x15b: {  	v18 =	vsel vm0, $0x1, v4;
	v19 =	vadd.s32 v23, v19  }
0x15c: {  	v18 =	vadd.s32 v18, v19  }
0x15d: {  	s18 =	sadd.s32 $0x400, s18;
	s30 =	sadd.s32 $0x10, s30;
	v18 =	vadd.s32 v21, v18  }
0x15e: {  	s10 =	sand.u32 $0x1C00, s18;
	v19 =	vor.u32 s30, v2;
	v18 =	vshll.u32 v18, $0x4  }
0x15f: {  	vm0 =	vlt.s32 v19, v20;
	v18 =	vadd.s32 s10, v18  }
0x160: {  	v18 =	vor.u32 v2, v18;
	_ =	sdelay $0x1  }
.Ltmp10:
0x161: {  	(pc) =	sbr.rel @p1 .LBB2_13-.Ltmp10, $3  }
0x162: {  	_ =	sdelay $0x1  }
0x163: {  	s6 =	sadd.s32 $0x10, s6;
	[tilespmem:v18+s23+$0x0] =	vst.idx.add.f32.msk vm0, v3  }
0x164: {  	s7 =	sadd.s32 $0xFFFFFFFF, s7;
	v18 =	vld [tilespmem:s6+$0x0]  }
.LBB2_14:
0x165: {  	_ =	sdelay $0x3  }
0x166: {  	vm0 =	vle.f32 v14, v18  }
0x167: {  	vm6 =	vle.f32 v15, v18;
	v19 =	vsel vm0, $0x8, v4  }
0x168: {  	v22 =	vsel vm6, $0x8, v4;
	v21 =	vor.u32 $0x3, v19  }
0x169: {  	v23 =	vor.u32 $0x3, v22;
	v21 =	vperm.xlane v12, v21  }
0x16a: {  	v23 =	vperm.xlane v13, v23  }
0x16b: {  	vm7 =	vle.f32 v21, v18  }
0x16c: {  	vm8 =	vle.f32 v23, v18;
	v21 =	vsel vm7, $0x4, v4  }
0x16d: {  	v58 =	vsel vm8, $0x4, v4;
	v19 =	vor.u32 v19, v21  }
0x16e: {  	v21 =	vor.u32 v22, v58;
	v59 =	vor.u32 $0x1, v19  }
0x16f: {  	v61 =	vor.u32 $0x1, v21;
	v60 =	vperm.xlane v12, v59  }
0x170: {  	v23 =	vperm.xlane v13, v61  }
0x171: {  	vm9 =	vle.f32 v60, v18  }
0x172: {  	vm10 =	vle.f32 v23, v18;
	v22 =	vsel vm9, $0x2, v4  }
0x173: {  	v62 =	vsel vm10, $0x2, v4;
	v19 =	vor.u32 v22, v19  }
0x174: {  	v21 =	vor.u32 v62, v21;
	v63 =	vperm.xlane v12, v19  }
0x175: {  	v22 =	vperm.xlane v13, v21  }
0x176: {  	vm11 =	vle.f32 v63, v18  }
0x177: {  	vm12 =	vle.f32 v22, v18;
	v23 =	vsel vm11, $0x1, v4  }
0x178: {  	v22 =	vsel vm12, $0x1, v4;
	v19 =	vor.u32 v23, v19  }
0x179: {  	v21 =	vor.u32 v22, v21;
	v23 =	vperm.xlane v12, v19  }
0x17a: {  	v22 =	vperm.xlane v13, v21  }
0x17b: {  	vm13 =	vle.f32 v23, v18  }
0x17c: {  	vm14 =	vle.f32 v22, v18;
	v23 =	vsel vm13, $0x1, v4  }
0x17d: {  	v18 =	vsel vm14, $0x1, v4;
	v19 =	vadd.s32 v23, v19  }
0x17e: {  	s6 =	sadd.s32 @p0 $0x400, s18;
	s7 =	sadd.s32 @p0 $0x10, s30;
	s10 =	simm.s32 $0x0;
	v18 =	vadd.s32 v18, v19  }
0x17f: {  	s10 =	smov.u32 @p0 s7;
	s17 =	smov.u32 @p0 s6;
	v18 =	vadd.s32 v21, v18  }
0x180: {  	s6 =	sand.u32 $0x1C00, s17;
	v19 =	vor.u32 s10, v2;
	v18 =	vshll.u32 v18, $0x4  }
0x181: {  	vm15 =	vlt.s32 v19, v20;
	v18 =	vadd.s32 s6, v18  }
0x182: {  	v18 =	vor.u32 v2, v18;
	_ =	sdelay $0x4  }
0x183: {  	[tilespmem:v18+s23+$0x0] =	vst.idx.add.f32.msk vm15, v3  }
.LBB2_15:
0x184: {  	v18 =	vxor.u32 $0x80000000, v17  }
0x185: {  	(xrf0) =	vmax.scan.msk.u32 $0xffff, v18;
	_ =	sdelay $0x5  }
0x186: {  	v18, _, _ =	vpop (xrf0)  }
0x187: {  	(v2sf) =	vpush v18, $0xF;
	_ =	sdelay $0xe  }
0x188: {  	s6 =	spop (v2sf)  }
0x189: {  	s6 =	sadd.s32 $0x8000000F, s6  }
0x18a: {  	p0 =	slt.s32 s6, $0x10  }
.Ltmp11:
0x18b: {  	_ = 	snop;
	(pc) =	sbr.rel @p0 .LBB2_22-.Ltmp11, $1  }
0x18c: {  	_ =	sdelay $0x3  }
0x18d: {  	s7 =	sshra.s32 s6, $0x1F  }
0x18e: {  	s7 =	sshrl.u32 s7, $0x1C  }
0x18f: {  	s18 =	sadd.s32 s7, s6  }
0x190: {  	s6 =	sshra.s32 s18, $0x4  }
0x191: {  	p1 =	sne.s32 s6, $0x1  }
.Ltmp12:
0x192: {  	_ = 	snop;
	(pc) =	sbr.rel @!p1 .LBB2_17-.Ltmp12, $3  }
0x193: {  	_ =	sdelay $0x1  }
0x194: {  	s30 =	simm.s32 $0x14E80  }
0x195: {  	s17 =	simm.s32 $0x0;
	p0 =	por $0x0, $0x0;
	v18 =	vld [tilespmem:s30+$0x0];
	s7 =	sadd.s32 $0xFFFFFFFF, s6  }
0x196: {  	_ =	sdelay $0x3  }
0x197: {  	vm0 =	vle.f32 v14, v18  }
0x198: {  	vm6 =	vle.f32 v15, v18;
	v19 =	vsel vm0, $0x8, v4  }
0x199: {  	v21 =	vsel vm6, $0x8, v4;
	v20 =	vor.u32 $0x3, v19  }
0x19a: {  	v22 =	vor.u32 $0x3, v21;
	v20 =	vperm.xlane v12, v20  }
0x19b: {  	v22 =	vperm.xlane v13, v22  }
0x19c: {  	vm7 =	vle.f32 v20, v18  }
0x19d: {  	vm8 =	vle.f32 v22, v18;
	v20 =	vsel vm7, $0x4, v4  }
0x19e: {  	v19 =	vor.u32 v19, v20;
	v20 =	vsel vm8, $0x4, v4  }
0x19f: {  	v59 =	vor.u32 $0x1, v19;
	v20 =	vor.u32 v21, v20  }
0x1a0: {  	v60 =	vperm.xlane v12, v59;
	v61 =	vor.u32 $0x1, v20  }
0x1a1: {  	v22 =	vperm.xlane v13, v61  }
0x1a2: {  	vm9 =	vle.f32 v60, v18  }
0x1a3: {  	v21 =	vsel vm9, $0x2, v4;
	vm10 =	vle.f32 v22, v18  }
0x1a4: {  	v19 =	vor.u32 v21, v19;
	v62 =	vsel vm10, $0x2, v4  }
0x1a5: {  	v63 =	vperm.xlane v12, v19;
	v20 =	vor.u32 v62, v20  }
0x1a6: {  	v21 =	vperm.xlane v13, v20  }
0x1a7: {  	vm11 =	vle.f32 v63, v18  }
0x1a8: {  	v22 =	vsel vm11, $0x1, v4;
	vm12 =	vle.f32 v21, v18  }
0x1a9: {  	v19 =	vor.u32 v22, v19;
	v21 =	vsel vm12, $0x1, v4  }
0x1aa: {  	v22 =	vperm.xlane v12, v19;
	v20 =	vor.u32 v21, v20  }
0x1ab: {  	v21 =	vperm.xlane v13, v20  }
0x1ac: {  	vm13 =	vle.f32 v22, v18  }
0x1ad: {  	v22 =	vsel vm13, $0x1, v4;
	vm14 =	vle.f32 v21, v18  }
0x1ae: {  	v18 =	vsel vm14, $0x1, v4;
	v19 =	vadd.s32 v22, v19  }
0x1af: {  	v18 =	vadd.s32 v18, v19  }
0x1b0: {  	v18 =	vadd.s32 v20, v18  }
0x1b1: {  	s6 =	sand.u32 $0x1C00, s17;
	v19 =	vor.u32 s17, v2;
	v18 =	vshll.u32 v18, $0x4  }
0x1b2: {  	vm15 =	vlt.s32 v19, v17;
	v18 =	vadd.s32 s6, v18  }
0x1b3: {  	v18 =	vor.u32 v2, v18  }
0x1b4: {  	p1 =	sne.s32 s7, $0x1  }
.Ltmp13:
0x1b5: {  	_ = 	snop;
	(pc) =	sbr.rel @!p1 .LBB2_19-.Ltmp13, $3  }
0x1b6: {  	_ =	sdelay $0x1  }
0x1b7: {  	s7 =	sadd.s32 $0xFFFFFFFF, s7;
	s6 =	simm.s32 $0x14E90;
	[tilespmem:v18+s25+$0x0] =	vst.idx.add.f32.msk vm15, v3  }
0x1b8: {  	p0 =	por $0x1, $0x1;
	s18 =	simm.s32 $0x0;
	s30 =	simm.s32 $0x0;
	v18 =	vld [tilespmem:s6+$0x0]  }
.LBB2_20:
0x1b9: {  	p1 =	sne.s32 s7, $0x1;
	_ =	sdelay $0x3  }
0x1ba: {  	vm0 =	vle.f32 v14, v18  }
0x1bb: {  	v19 =	vsel vm0, $0x8, v4;
	vm0 =	vle.f32 v15, v18  }
0x1bc: {  	v20 =	vor.u32 $0x3, v19;
	v21 =	vsel vm0, $0x8, v4  }
0x1bd: {  	v20 =	vperm.xlane v12, v20;
	v22 =	vor.u32 $0x3, v21  }
0x1be: {  	v22 =	vperm.xlane v13, v22  }
0x1bf: {  	vm0 =	vle.f32 v20, v18  }
0x1c0: {  	v20 =	vsel vm0, $0x4, v4;
	vm0 =	vle.f32 v22, v18  }
0x1c1: {  	v19 =	vor.u32 v19, v20;
	v20 =	vsel vm0, $0x4, v4  }
0x1c2: {  	v22 =	vor.u32 $0x1, v19;
	v20 =	vor.u32 v21, v20  }
0x1c3: {  	v21 =	vperm.xlane v12, v22;
	v22 =	vor.u32 $0x1, v20  }
0x1c4: {  	v22 =	vperm.xlane v13, v22  }
0x1c5: {  	vm0 =	vle.f32 v21, v18  }
0x1c6: {  	v21 =	vsel vm0, $0x2, v4;
	vm0 =	vle.f32 v22, v18  }
0x1c7: {  	v19 =	vor.u32 v21, v19;
	v21 =	vsel vm0, $0x2, v4  }
0x1c8: {  	v22 =	vperm.xlane v12, v19;
	v20 =	vor.u32 v21, v20  }
0x1c9: {  	v21 =	vperm.xlane v13, v20  }
0x1ca: {  	vm0 =	vle.f32 v22, v18  }
0x1cb: {  	v22 =	vsel vm0, $0x1, v4;
	vm0 =	vle.f32 v21, v18  }
0x1cc: {  	v19 =	vor.u32 v22, v19;
	v21 =	vsel vm0, $0x1, v4  }
0x1cd: {  	v22 =	vperm.xlane v12, v19;
	v20 =	vor.u32 v21, v20  }
0x1ce: {  	v21 =	vperm.xlane v13, v20  }
0x1cf: {  	vm0 =	vle.f32 v22, v18  }
0x1d0: {  	v22 =	vsel vm0, $0x1, v4;
	vm0 =	vle.f32 v21, v18  }
0x1d1: {  	v18 =	vsel vm0, $0x1, v4;
	v19 =	vadd.s32 v22, v19  }
0x1d2: {  	v18 =	vadd.s32 v18, v19  }
0x1d3: {  	s18 =	sadd.s32 $0x400, s18;
	s30 =	sadd.s32 $0x10, s30;
	v18 =	vadd.s32 v20, v18  }
0x1d4: {  	s10 =	sand.u32 $0x1C00, s18;
	v19 =	vor.u32 s30, v2;
	v18 =	vshll.u32 v18, $0x4  }
0x1d5: {  	vm0 =	vlt.s32 v19, v17;
	v18 =	vadd.s32 s10, v18  }
0x1d6: {  	v18 =	vor.u32 v2, v18;
	_ =	sdelay $0x1  }
.Ltmp14:
0x1d7: {  	(pc) =	sbr.rel @p1 .LBB2_20-.Ltmp14, $3  }
0x1d8: {  	_ =	sdelay $0x1  }
0x1d9: {  	s6 =	sadd.s32 $0x10, s6;
	[tilespmem:v18+s25+$0x0] =	vst.idx.add.f32.msk vm0, v3  }
0x1da: {  	s7 =	sadd.s32 $0xFFFFFFFF, s7;
	v18 =	vld [tilespmem:s6+$0x0]  }
.LBB2_21:
0x1db: {  	_ =	sdelay $0x3  }
0x1dc: {  	vm0 =	vle.f32 v14, v18  }
0x1dd: {  	vm6 =	vle.f32 v15, v18;
	v19 =	vsel vm0, $0x8, v4  }
0x1de: {  	v21 =	vsel vm6, $0x8, v4;
	v20 =	vor.u32 $0x3, v19  }
0x1df: {  	v22 =	vor.u32 $0x3, v21;
	v20 =	vperm.xlane v12, v20  }
0x1e0: {  	v22 =	vperm.xlane v13, v22  }
0x1e1: {  	vm7 =	vle.f32 v20, v18  }
0x1e2: {  	vm8 =	vle.f32 v22, v18;
	v20 =	vsel vm7, $0x4, v4  }
0x1e3: {  	v58 =	vsel vm8, $0x4, v4;
	v19 =	vor.u32 v19, v20  }
0x1e4: {  	v20 =	vor.u32 v21, v58;
	v59 =	vor.u32 $0x1, v19  }
0x1e5: {  	v61 =	vor.u32 $0x1, v20;
	v60 =	vperm.xlane v12, v59  }
0x1e6: {  	v22 =	vperm.xlane v13, v61  }
0x1e7: {  	vm9 =	vle.f32 v60, v18  }
0x1e8: {  	vm10 =	vle.f32 v22, v18;
	v21 =	vsel vm9, $0x2, v4  }
0x1e9: {  	v62 =	vsel vm10, $0x2, v4;
	v19 =	vor.u32 v21, v19  }
0x1ea: {  	v20 =	vor.u32 v62, v20;
	v63 =	vperm.xlane v12, v19  }
0x1eb: {  	v21 =	vperm.xlane v13, v20  }
0x1ec: {  	vm11 =	vle.f32 v63, v18  }
0x1ed: {  	vm12 =	vle.f32 v21, v18;
	v22 =	vsel vm11, $0x1, v4  }
0x1ee: {  	v21 =	vsel vm12, $0x1, v4;
	v19 =	vor.u32 v22, v19  }
0x1ef: {  	v20 =	vor.u32 v21, v20;
	v22 =	vperm.xlane v12, v19  }
0x1f0: {  	v21 =	vperm.xlane v13, v20  }
0x1f1: {  	vm13 =	vle.f32 v22, v18  }
0x1f2: {  	vm14 =	vle.f32 v21, v18;
	v22 =	vsel vm13, $0x1, v4  }
0x1f3: {  	v18 =	vsel vm14, $0x1, v4;
	v19 =	vadd.s32 v22, v19  }
0x1f4: {  	s6 =	sadd.s32 @p0 $0x400, s18;
	s7 =	sadd.s32 @p0 $0x10, s30;
	s10 =	simm.s32 $0x0;
	v18 =	vadd.s32 v18, v19  }
0x1f5: {  	s10 =	smov.u32 @p0 s7;
	s17 =	smov.u32 @p0 s6;
	v18 =	vadd.s32 v20, v18  }
0x1f6: {  	s6 =	sand.u32 $0x1C00, s17;
	v19 =	vor.u32 s10, v2;
	v18 =	vshll.u32 v18, $0x4  }
0x1f7: {  	vm15 =	vlt.s32 v19, v17;
	v17 =	vadd.s32 s6, v18  }
0x1f8: {  	v17 =	vor.u32 v2, v17;
	_ =	sdelay $0x4  }
0x1f9: {  	[tilespmem:v17+s25+$0x0] =	vst.idx.add.f32.msk vm15, v3  }
.LBB2_22:
0x1fa: {  	p0 =	seq.s32 s2, $0x5  }
0x1fb: {  	s1 =	sadd.s32 @!p0 s1, s9  }
0x1fc: {  	s1 =	sshrl.u32 @!p0 s1, $0x3  }
0x1fd: {  	s7 =	simm.s32 @!p0 $0x0;
	s10 =	simm.s32 @!p0 $0x4080;
	s6 =	sadd.s32 @!p0 s4, s1  }
0x1fe: {  	[tilespmem:s10], [sflag:$0x1] =	stream.linear.gather @!p0 [hbm4b:s6+s7], $0x3600, $0x38;
	[tilespmem:$0x1C500] =	vst v63  }
0x1ff: {  	s1 =	sadd.s32 @!p0 s5, s1;
	s6 =	simm.s32 @!p0 $0xAC80  }
0x200: {  	[tilespmem:s6], [sflag:$0x3] =	stream.linear.gather @!p0 [hbm4b:s1+s7], $0x3600, $0x38;
	[tilespmem:$0x1C500] =	vst v63  }
0x201: {  	_ =	swait.ge [sflag:s28], $0x3600  }
0x202: {  	[sflag:s28] =	ssyncset.done $0x0  }
0x203: {  	[sflag:s28] =	ssyncadd.s32 $0xFFFFCA00  }
0x204: {  	_ =	swait.ge [sflag:s29], $0x3600  }
0x205: {  	s17 =	simm.s32 $0x76C0;
	[sflag:s29] =	ssyncset.done $0x0  }
0x206: {  	v17 =	vimm.s32 $0x0;
	s18 =	simm.s32 $0xE2C0;
	v20 =	vimm.s32 $0x0;
	s1 =	simm.s32 $0xFFFFFF80;
	[sflag:s29] =	ssyncadd.s32 $0xFFFFCA00  }
.LBB2_23:
0x207: {  	v32 =	vld [tilespmem:s17+$0xFFFFFFC0];
	_ =	sdelay $0x4  }
0x208: {  	v18 =	vmul.f32 $1.024000000e+03, v32;
	_ =	sdelay $0x1  }
0x209: {  	v18 =	vtrunc.f32 v18  }
0x20a: {  	v18 =	vcvt.f32.s32 v18;
	_ =	sdelay $0x1  }
0x20b: {  	v18 =	vshll.u32 v18, $0x4  }
0x20c: {  	v18 =	vor.u32 v2, v18;
	_ =	sdelay $0x4  }
0x20d: {  	v19 =	vld.idx.msk [tilespmem:v18+s16+$0x0], $0xffff;
	_ =	sdelay $0x2  }
0x20e: {  	v31 =	vld [tilespmem:s17+$0xFFFFFFD0]  }
0x20f: {  	v18 =	vld [tilespmem:s18+$0xFFFFFFC0]  }
0x210: {  	vm1 =	veq.s32 v19, $0x21  }
0x211: {  	v21 =	vsel vm1, $0x1, v4  }
0x212: {  	(xrf0) =	vadd.scan.msk.s32 $0xffff, v21;
	_ =	sdelay $0x1  }
0x213: {  	v22 =	vmul.f32 $1.024000000e+03, v31;
	v21 =	vmul.f32 $1.024000000e+03, v18;
	_ =	sdelay $0x1  }
0x214: {  	v22 =	vtrunc.f32 v22;
	v21 =	vtrunc.f32 v21  }
0x215: {  	v19 =	vshll.u32 v19, $0x4;
	v23 =	vsel vm1, $0xFFFFFFFF, v4;
	v21 =	vcvt.f32.s32 v21  }
0x216: {  	v22 =	vcvt.f32.s32 v22;
	v19 =	vor.u32 v2, v19;
	v23 =	vadd.s32 v23, v20;
	v24, _, _ =	vpop (xrf0)  }
0x217: {  	v21 =	vshll.u32 v21, $0x4;
	v23 =	vadd.s32 v24, v23  }
0x218: {  	v22 =	vshll.u32 v22, $0x4;
	v21 =	vor.u32 v2, v21  }
0x219: {  	v22 =	vor.u32 v2, v22;
	_ =	sdelay $0x1  }
0x21a: {  	[tilespmem:v19+s23+$0x0] =	vst.idx.add.f32.msk $0xffff, v3  }
0x21b: {  	[tilespmem:v23+s24+$0x0] =	vst.idx.msk vm1, v32  }
0x21c: {  	v21 =	vld.idx.msk [tilespmem:v21+s16+$0x0], $0xffff  }
0x21d: {  	v22 =	vld.idx.msk [tilespmem:v22+s16+$0x0], $0xffff;
	_ =	sdelay $0x3  }
0x21e: {  	v19 =	vld [tilespmem:s18+$0xFFFFFFD0];
	vm0 =	veq.s32 v21, $0x21  }
0x21f: {  	v33 =	vld [tilespmem:s17+$0xFFFFFFE0];
	vm2 =	veq.s32 v22, $0x21;
	v23 =	vsel vm0, $0x1, v4  }
0x220: {  	(xrf0) =	vadd.scan.msk.s32 $0xffff, v23;
	v23 =	vsel vm2, $0x1, v4  }
0x221: {  	(xrf0) =	vadd.scan.msk.s32 $0xffff, v23;
	_ =	sdelay $0x1  }
0x222: {  	v47 =	vmul.f32 $1.024000000e+03, v19;
	v23 =	vmpcnt.ones.xlane vm1  }
0x223: {  	v26 =	vmul.f32 $1.024000000e+03, v33  }
0x224: {  	v27 =	vadd.s32 v20, v23;
	v20 =	vshll.u32 v22, $0x4;
	v22 =	vtrunc.f32 v47  }
0x225: {  	v48 =	vtrunc.f32 v26;
	v23 =	vsel vm2, $0xFFFFFFFF, v4;
	v22 =	vcvt.f32.s32 v22;
	v25, _, _ =	vpop (xrf0)  }
0x226: {  	v24 =	vcvt.f32.s32 v48;
	v20 =	vadd.s32 v5, v20;
	v23 =	vadd.s32 v23, v27;
	v49, _, _ =	vpop (xrf0)  }
0x227: {  	v22 =	vshll.u32 v22, $0x4;
	v23 =	vadd.s32 v49, v23  }
0x228: {  	v24 =	vshll.u32 v24, $0x4;
	v22 =	vor.u32 v2, v22  }
0x229: {  	v24 =	vor.u32 v2, v24;
	_ =	sdelay $0x1  }
0x22a: {  	[tilespmem:v20+s23+$0x0] =	vst.idx.add.f32.msk $0xffff, v3  }
0x22b: {  	[tilespmem:v23+s24+$0x0] =	vst.idx.msk vm2, v31  }
0x22c: {  	v23 =	vld.idx.msk [tilespmem:v22+s16+$0x0], $0xffff  }
0x22d: {  	v22 =	vld.idx.msk [tilespmem:v24+s16+$0x0], $0xffff;
	_ =	sdelay $0x2  }
0x22e: {  	v38 =	vld [tilespmem:s17+$0xFFFFFFF0]  }
0x22f: {  	v20 =	vld [tilespmem:s18+$0xFFFFFFE0];
	vm1 =	veq.s32 v23, $0x21  }
0x230: {  	vm3 =	veq.s32 v22, $0x21;
	v50 =	vsel vm1, $0x1, v4  }
0x231: {  	v51 =	vsel vm3, $0x1, v4;
	(xrf0) =	vadd.scan.msk.s32 $0xffff, v50  }
0x232: {  	(xrf0) =	vadd.scan.msk.s32 $0xffff, v51  }
0x233: {  	v29 =	vmul.f32 $1.024000000e+03, v38  }
0x234: {  	v52 =	vmpcnt.ones.xlane vm2;
	v53 =	vmul.f32 $1.024000000e+03, v20;
	_ =	sdelay $0x1  }
0x235: {  	v29 =	vtrunc.f32 v29;
	v24 =	vadd.s32 v27, v52;
	v26 =	vtrunc.f32 v53  }
0x236: {  	v26 =	vcvt.f32.s32 v26;
	v22 =	vshll.u32 v22, $0x4;
	v54 =	vsel vm3, $0xFFFFFFFF, v4;
	v28, _, _ =	vpop (xrf0)  }
0x237: {  	v29 =	vcvt.f32.s32 v29;
	v22 =	vadd.s32 v6, v22;
	v27 =	vadd.s32 v54, v24;
	v30, _, _ =	vpop (xrf0)  }
0x238: {  	v26 =	vshll.u32 v26, $0x4;
	v27 =	vadd.s32 v30, v27  }
0x239: {  	v29 =	vshll.u32 v29, $0x4;
	v26 =	vor.u32 v2, v26  }
0x23a: {  	v29 =	vor.u32 v2, v29;
	_ =	sdelay $0x1  }
0x23b: {  	[tilespmem:v22+s23+$0x0] =	vst.idx.add.f32.msk $0xffff, v3  }
0x23c: {  	[tilespmem:v27+s24+$0x0] =	vst.idx.msk vm3, v33  }
0x23d: {  	v26 =	vld.idx.msk [tilespmem:v26+s16+$0x0], $0xffff  }
0x23e: {  	v55 =	vld.idx.msk [tilespmem:v29+s16+$0x0], $0xffff;
	_ =	sdelay $0x2  }
0x23f: {  	v41 =	vld [tilespmem:s17+$0x0]  }
0x240: {  	v22 =	vld [tilespmem:s18+$0xFFFFFFF0];
	vm2 =	veq.s32 v26, $0x21  }
0x241: {  	vm4 =	veq.s32 v55, $0x21;
	v56 =	vsel vm2, $0x1, v4  }
0x242: {  	v57 =	vsel vm4, $0x1, v4;
	(xrf0) =	vadd.scan.msk.s32 $0xffff, v56  }
0x243: {  	(xrf0) =	vadd.scan.msk.s32 $0xffff, v57;
	_ =	sdelay $0x1  }
0x244: {  	v34 =	vmul.f32 $1.024000000e+03, v41;
	v59 =	vmul.f32 $1.024000000e+03, v22  }
0x245: {  	v58 =	vmpcnt.ones.xlane vm3  }
0x246: {  	v34 =	vtrunc.f32 v34;
	v60 =	vshll.u32 v55, $0x4;
	v61 =	vtrunc.f32 v59  }
0x247: {  	v62 =	vsel vm4, $0xFFFFFFFF, v4;
	v35 =	vadd.s32 v24, v58;
	v27 =	vcvt.f32.s32 v61;
	v30, _, _ =	vpop (xrf0)  }
0x248: {  	v34 =	vcvt.f32.s32 v34;
	v24 =	vadd.s32 v7, v60;
	v29 =	vadd.s32 v62, v35;
	v36, _, _ =	vpop (xrf0)  }
0x249: {  	v27 =	vshll.u32 v27, $0x4;
	v29 =	vadd.s32 v36, v29  }
0x24a: {  	v34 =	vshll.u32 v34, $0x4;
	v27 =	vor.u32 v2, v27  }
0x24b: {  	v34 =	vor.u32 v2, v34;
	_ =	sdelay $0x1  }
0x24c: {  	[tilespmem:v24+s23+$0x0] =	vst.idx.add.f32.msk $0xffff, v3  }
0x24d: {  	[tilespmem:v29+s24+$0x0] =	vst.idx.msk vm4, v38  }
0x24e: {  	v29 =	vld.idx.msk [tilespmem:v27+s16+$0x0], $0xffff  }
0x24f: {  	v63 =	vld.idx.msk [tilespmem:v34+s16+$0x0], $0xffff;
	_ =	sdelay $0x2  }
0x250: {  	v42 =	vld [tilespmem:s17+$0x10]  }
0x251: {  	v24 =	vld [tilespmem:s18+$0x0];
	vm3 =	veq.s32 v29, $0x21  }
0x252: {  	vm5 =	veq.s32 v63, $0x21;
	v39 =	vsel vm3, $0x1, v4  }
0x253: {  	v45 =	vsel vm5, $0x1, v4;
	(xrf0) =	vadd.scan.msk.s32 $0xffff, v39  }
0x254: {  	(xrf0) =	vadd.scan.msk.s32 $0xffff, v45;
	_ =	sdelay $0x1  }
0x255: {  	v37 =	vmul.f32 $1.024000000e+03, v42;
	v47 =	vmul.f32 $1.024000000e+03, v24  }
0x256: {  	v46 =	vmpcnt.ones.xlane vm4  }
0x257: {  	v37 =	vtrunc.f32 v37;
	v49 =	vsel vm5, $0xFFFFFFFF, v4;
	v48 =	vtrunc.f32 v47  }
0x258: {  	v34 =	vcvt.f32.s32 v48;
	v27 =	vshll.u32 v63, $0x4;
	v39 =	vadd.s32 v35, v46;
	v36, _, _ =	vpop (xrf0)  }
0x259: {  	v37 =	vcvt.f32.s32 v37;
	v27 =	vadd.s32 v8, v27;
	v35 =	vadd.s32 v49, v39;
	v40, _, _ =	vpop (xrf0)  }
0x25a: {  	v34 =	vshll.u32 v34, $0x4;
	v35 =	vadd.s32 v40, v35  }
0x25b: {  	v37 =	vshll.u32 v37, $0x4;
	v34 =	vor.u32 v2, v34  }
0x25c: {  	v37 =	vor.u32 v2, v37;
	_ =	sdelay $0x1  }
0x25d: {  	[tilespmem:v27+s23+$0x0] =	vst.idx.add.f32.msk $0xffff, v3  }
0x25e: {  	[tilespmem:v35+s24+$0x0] =	vst.idx.msk vm5, v41  }
0x25f: {  	v34 =	vld.idx.msk [tilespmem:v34+s16+$0x0], $0xffff  }
0x260: {  	v37 =	vld.idx.msk [tilespmem:v37+s16+$0x0], $0xffff;
	_ =	sdelay $0x3  }
0x261: {  	v27 =	vld [tilespmem:s18+$0x10];
	vm14 =	veq.s32 v34, $0x21  }
0x262: {  	vm6 =	veq.s32 v37, $0x21;
	v35 =	vld [tilespmem:s17+$0x20];
	v50 =	vsel vm14, $0x1, v4  }
0x263: {  	v51 =	vsel vm6, $0x1, v4;
	(xrf0) =	vadd.scan.msk.s32 $0xffff, v50  }
0x264: {  	(xrf0) =	vadd.scan.msk.s32 $0xffff, v51;
	_ =	sdelay $0x1  }
0x265: {  	v43 =	vmul.f32 $1.024000000e+03, v27  }
0x266: {  	v52 =	vmpcnt.ones.xlane vm5;
	v44 =	vmul.f32 $1.024000000e+03, v35  }
0x267: {  	v37 =	vshll.u32 v37, $0x4;
	v54 =	vsel vm6, $0xFFFFFFFF, v4;
	v53 =	vtrunc.f32 v43  }
0x268: {  	v45 =	vadd.s32 v39, v52;
	v39 =	vcvt.f32.s32 v53;
	v44 =	vtrunc.f32 v44;
	v40, _, _ =	vpop (xrf0)  }
0x269: {  	v37 =	vadd.s32 v9, v37;
	v43 =	vadd.s32 v54, v45;
	v44 =	vcvt.f32.s32 v44;
	v46, _, _ =	vpop (xrf0)  }
0x26a: {  	v39 =	vshll.u32 v39, $0x4;
	v43 =	vadd.s32 v46, v43  }
0x26b: {  	v39 =	vor.u32 v2, v39;
	v44 =	vshll.u32 v44, $0x4  }
0x26c: {  	v44 =	vor.u32 v2, v44;
	_ =	sdelay $0x1  }
0x26d: {  	[tilespmem:v37+s23+$0x0] =	vst.idx.add.f32.msk $0xffff, v3  }
0x26e: {  	[tilespmem:v43+s24+$0x0] =	vst.idx.msk vm6, v42  }
0x26f: {  	v39 =	vld.idx.msk [tilespmem:v39+s16+$0x0], $0xffff  }
0x270: {  	v55 =	vld.idx.msk [tilespmem:v44+s16+$0x0], $0xffff;
	_ =	sdelay $0x1  }
0x271: {  	v56 =	vsub.f32 v32, v18;
	v32 =	vld [tilespmem:s18+$0x20]  }
0x272: {  	v37 =	vld [tilespmem:s17+$0x30]  }
0x273: {  	vm15 =	veq.s32 v39, $0x21  }
0x274: {  	vm8 =	veq.s32 v55, $0x21;
	v57 =	vsel vm15, $0x1, v4  }
0x275: {  	v58 =	vsel vm8, $0x1, v4;
	(xrf0) =	vadd.scan.msk.s32 $0xffff, v57  }
0x276: {  	v21 =	vshll.u32 v21, $0x4;
	(xrf0) =	vadd.scan.msk.s32 $0xffff, v58  }
0x277: {  	v21 =	vor.u32 v2, v21;
	v48 =	vmul.f32 $1.024000000e+03, v32;
	v50 =	vmul.f32 $1.024000000e+03, v37  }
0x278: {  	v31 =	vsub.f32 v31, v19;
	v60 =	vmpcnt.ones.xlane vm6;
	v47 =	vmul.f32 $5.000000000e-01, v56  }
0x279: {  	v23 =	vshll.u32 v23, $0x4;
	v61 =	vtrunc.f32 v48;
	v50 =	vtrunc.f32 v50  }
0x27a: {  	v45 =	vadd.s32 v45, v60;
	v50 =	vcvt.f32.s32 v50;
	v44 =	vmul.f32 v47, v56  }
0x27b: {  	v47 =	vcvt.f32.s32 v61;
	v43 =	vshll.u32 v55, $0x4;
	v51 =	vsel vm8, $0xFFFFFFFF, v4;
	v48, _, _ =	vpop (xrf0)  }
0x27c: {  	v50 =	vshll.u32 v50, $0x4;
	v43 =	vadd.s32 v10, v43;
	v51 =	vadd.s32 v51, v45;
	v52, _, _ =	vpop (xrf0)  }
0x27d: {  	v50 =	vor.u32 v2, v50;
	v47 =	vshll.u32 v47, $0x4;
	v51 =	vadd.s32 v52, v51  }
0x27e: {  	v23 =	vadd.s32 v5, v23;
	v26 =	vshll.u32 v26, $0x4;
	v47 =	vor.u32 v2, v47  }
0x27f: {  	v62 =	vmul.f32 $5.000000000e-01, v31;
	v33 =	vsub.f32 v33, v20;
	v26 =	vadd.s32 v6, v26  }
0x280: {  	v59 =	vand.u32 $0x7FFFFFFF, v56;
	v38 =	vsub.f32 v38, v22;
	v29 =	vshll.u32 v29, $0x4  }
0x281: {  	v29 =	vadd.s32 v7, v29;
	v49 =	vand.u32 $0x7FFFFFFF, v31;
	v41 =	vsub.f32 v41, v24;
	[tilespmem:v43+s23+$0x0] =	vst.idx.add.f32.msk $0xffff, v3  }
0x282: {  	vm7 =	vlt.f32 v59, $1.000000000e+00;
	v31 =	vmul.f32 v62, v31;
	v63 =	vadd.f32 $-5.000000000e-01, v49;
	v50 =	vld.idx.msk [tilespmem:v50+s16+$0x0], $0xffff;
	[tilespmem:v51+s24+$0x0] =	vst.idx.msk vm8, v35  }
0x283: {  	vm9 =	vlt.f32 v49, $1.000000000e+00;
	v60 =	vmul.f32 $5.000000000e-01, v41;
	v46 =	vadd.f32 $-5.000000000e-01, v59;
	v47 =	vld.idx.msk [tilespmem:v47+s16+$0x0], $0xffff  }
0x284: {  	v31 =	vsel vm9, v31, v63;
	v56 =	vand.u32 $0x7FFFFFFF, v33;
	v61 =	vand.u32 $0x7FFFFFFF, v41  }
0x285: {  	v41 =	vmul.f32 v60, v41;
	vm10 =	vlt.f32 v56, $1.000000000e+00;
	v44 =	vsel vm7, v44, v46  }
0x286: {  	vm9 =	vlt.f32 v61, $1.000000000e+00;
	v46 =	vadd.f32 $-5.000000000e-01, v56;
	v16 =	vadd.f32 v44, v16  }
0x287: {  	v55 =	vmul.f32 $5.000000000e-01, v33;
	v42 =	vsub.f32 v42, v27;
	v57 =	vmul.f32 $5.000000000e-01, v38  }
0x288: {  	v49 =	vld [tilespmem:s18+$0x30];
	v16 =	vadd.f32 v31, v16;
	vm7 =	veq.s32 v50, $0x21;
	vm6 =	veq.s32 v47, $0x21  }
0x289: {  	v58 =	vand.u32 $0x7FFFFFFF, v38;
	v38 =	vmul.f32 v57, v38;
	v57 =	vsel vm6, $0x1, v4  }
0x28a: {  	v59 =	vadd.f32 $-5.000000000e-01, v58;
	vm11 =	vlt.f32 v58, $1.000000000e+00;
	v58 =	vsel vm7, $0x1, v4;
	(xrf0) =	vadd.scan.msk.s32 $0xffff, v57  }
0x28b: {  	v33 =	vmul.f32 v55, v33;
	v62 =	vmul.f32 $5.000000000e-01, v42;
	v63 =	vand.u32 $0x7FFFFFFF, v42;
	(xrf0) =	vadd.scan.msk.s32 $0xffff, v58  }
0x28c: {  	v56 =	vadd.f32 $-5.000000000e-01, v63;
	vm12 =	vlt.f32 v63, $1.000000000e+00;
	v55 =	vshll.u32 v50, $0x4  }
0x28d: {  	v33 =	vsel vm10, v33, v46;
	v42 =	vmul.f32 v62, v42;
	v52 =	vmul.f32 $1.024000000e+03, v49  }
0x28e: {  	v16 =	vadd.f32 v33, v16;
	v43 =	vadd.f32 $-5.000000000e-01, v61;
	v61 =	vmpcnt.ones.xlane vm8  }
0x28f: {  	v42 =	vsel vm12, v42, v56;
	v56 =	vsel vm7, $0xFFFFFFFF, v4;
	v54 =	vtrunc.f32 v52  }
0x290: {  	v41 =	vsel vm9, v41, v43;
	v31 =	vadd.s32 v45, v61;
	v43 =	vcvt.f32.s32 v54;
	v44, _, _ =	vpop (xrf0)  }
0x291: {  	v45 =	vadd.s32 v11, v55;
	v46 =	vadd.s32 v56, v31;
	v38 =	vsel vm11, v38, v59;
	v58, _, _ =	vpop (xrf0)  }
0x292: {  	v59 =	vsel vm0, $0xFFFFFFFF, v4;
	v43 =	vshll.u32 v43, $0x4;
	v46 =	vadd.s32 v58, v46  }
0x293: {  	v60 =	vmpcnt.ones.xlane vm0;
	v62 =	vadd.s32 v59, v17;
	v43 =	vor.u32 v2, v43  }
0x294: {  	v63 =	vsel vm1, $0xFFFFFFFF, v4;
	v16 =	vadd.f32 v38, v16;
	v25 =	vadd.s32 v25, v62  }
0x295: {  	[tilespmem:v21+s25+$0x0] =	vst.idx.add.f32.msk $0xffff, v3;
	v61 =	vsel vm3, $0xFFFFFFFF, v4;
	v55 =	vshll.u32 v39, $0x4;
	v17 =	vadd.s32 v17, v60  }
0x296: {  	v59 =	vmpcnt.ones.xlane vm2;
	[tilespmem:v45+s23+$0x0] =	vst.idx.add.f32.msk $0xffff, v3;
	v53 =	vadd.s32 v63, v17;
	v16 =	vadd.f32 v41, v16  }
0x297: {  	v60 =	vsel vm2, $0xFFFFFFFF, v4;
	v28 =	vadd.s32 v28, v53;
	v53 =	vsub.f32 v35, v32;
	[tilespmem:v46+s24+$0x0] =	vst.idx.msk vm7, v37  }
0x298: {  	v63 =	vmpcnt.ones.xlane vm3;
	v16 =	vadd.f32 v42, v16;
	v57 =	vmpcnt.ones.xlane vm1;
	v50 =	vld.idx.msk [tilespmem:v43+s16+$0x0], $0xffff  }
0x299: {  	v56 =	vmul.f32 $5.000000000e-01, v53;
	v52 =	vsel vm15, $0xFFFFFFFF, v4;
	[tilespmem:v25+s26+$0x0] =	vst.idx.msk vm0, v18;
	v18 =	vshll.u32 v34, $0x4  }
0x29a: {  	v25 =	vand.u32 $0x7FFFFFFF, v53;
	v18 =	vadd.s32 v8, v18;
	v17 =	vadd.s32 v17, v57  }
0x29b: {  	v51 =	vmpcnt.ones.xlane vm14;
	v33 =	vadd.s32 v60, v17;
	v17 =	vadd.s32 v17, v59  }
0x29c: {  	v30 =	vadd.s32 v30, v33;
	v62 =	vadd.s32 v61, v17;
	v17 =	vadd.s32 v17, v63  }
0x29d: {  	[tilespmem:v23+s25+$0x0] =	vst.idx.add.f32.msk $0xffff, v3;
	v33 =	vadd.s32 v36, v62;
	v46 =	vsel vm14, $0xFFFFFFFF, v4;
	vm13 =	veq.s32 v50, $0x21  }
0x29e: {  	[tilespmem:v26+s25+$0x0] =	vst.idx.add.f32.msk $0xffff, v3;
	v36 =	vadd.s32 v46, v17;
	v17 =	vadd.s32 v17, v51;
	v54 =	vsel vm13, $0x1, v4  }
0x29f: {  	v57 =	vadd.s32 v9, v55;
	v59 =	vmpcnt.ones.xlane vm6;
	v23 =	vadd.s32 v52, v17;
	(xrf0) =	vadd.scan.msk.s32 $0xffff, v54  }
0x2a0: {  	[tilespmem:v28+s26+$0x0] =	vst.idx.msk vm1, v19;
	v21 =	vadd.s32 v40, v36;
	v19 =	vadd.s32 v48, v23;
	v23 =	vmpcnt.ones.xlane vm15  }
0x2a1: {  	v60 =	vsub.f32 v37, v49;
	v58 =	vshll.u32 v47, $0x4;
	[tilespmem:v30+s26+$0x0] =	vst.idx.msk vm2, v20;
	v20 =	vmul.f32 v56, v53  }
0x2a2: {  	[tilespmem:v29+s25+$0x0] =	vst.idx.add.f32.msk $0xffff, v3;
	v28 =	vadd.s32 v10, v58;
	v17 =	vadd.s32 v17, v23;
	v23 =	vsel vm6, $0xFFFFFFFF, v4  }
0x2a3: {  	[tilespmem:v33+s26+$0x0] =	vst.idx.msk vm3, v22;
	v22 =	vadd.f32 $-5.000000000e-01, v25;
	v23 =	vadd.s32 v23, v17;
	v17 =	vadd.s32 v17, v59  }
0x2a4: {  	[tilespmem:v18+s25+$0x0] =	vst.idx.add.f32.msk $0xffff, v3;
	v18 =	vshll.u32 v50, $0x4;
	v23 =	vadd.s32 v44, v23;
	v61 =	vsel vm13, $0xFFFFFFFF, v4  }
0x2a5: {  	s1 =	sadd.s32 $0x80, s1;
	[tilespmem:v21+s26+$0x0] =	vst.idx.msk vm14, v24;
	v21 =	vmul.f32 $5.000000000e-01, v60;
	v18 =	vadd.s32 v11, v18;
	v29 =	vadd.s32 v61, v17;
	v62, _, _ =	vpop (xrf0)  }
0x2a6: {  	p0 =	slt.u32 s1, $0x3580;
	v63 =	vand.u32 $0x7FFFFFFF, v60;
	[tilespmem:v57+s25+$0x0] =	vst.idx.add.f32.msk $0xffff, v3;
	vm14 =	vlt.f32 v25, $1.000000000e+00;
	v24 =	vadd.s32 v62, v29  }
.Ltmp15:
0x2a7: {  	[tilespmem:v19+s26+$0x0] =	vst.idx.msk vm15, v27;
	v19 =	vsel vm14, v20, v22;
	v20 =	vmul.f32 v21, v60;
	v21 =	vadd.f32 $-5.000000000e-01, v63;
	(pc) =	sbr.rel @p0 .LBB2_23-.Ltmp15, $4  }
0x2a8: {  	[tilespmem:v28+s25+$0x0] =	vst.idx.add.f32.msk $0xffff, v3;
	vm15 =	vlt.f32 v63, $1.000000000e+00;
	v16 =	vadd.f32 v19, v16  }
0x2a9: {  	v19 =	vsel vm15, v20, v21;
	v20 =	vmpcnt.ones.xlane vm7;
	v21 =	vmpcnt.ones.xlane vm13;
	[tilespmem:v23+s26+$0x0] =	vst.idx.msk vm6, v32  }
0x2aa: {  	v16 =	vadd.f32 v19, v16;
	[tilespmem:v18+s25+$0x0] =	vst.idx.add.f32.msk $0xffff, v3  }
0x2ab: {  	s18 =	sadd.s32 $0x80, s18;
	s17 =	sadd.s32 $0x80, s17;
	v20 =	vadd.s32 v31, v20;
	v17 =	vadd.s32 v17, v21;
	[tilespmem:v24+s26+$0x0] =	vst.idx.msk vm13, v49  }
0x2ac: {  	v18 =	vxor.u32 $0x80000000, v20  }
0x2ad: {  	(xrf0) =	vmax.scan.msk.u32 $0xffff, v18;
	_ =	sdelay $0x5  }
0x2ae: {  	v18, _, _ =	vpop (xrf0)  }
0x2af: {  	(v2sf) =	vpush v18, $0xF;
	_ =	sdelay $0xe  }
0x2b0: {  	s1 =	spop (v2sf)  }
0x2b1: {  	s1 =	sadd.s32 $0x8000000F, s1  }
0x2b2: {  	p0 =	slt.s32 s1, $0x10  }
.Ltmp16:
0x2b3: {  	_ = 	snop;
	(pc) =	sbr.rel @p0 .LBB2_31-.Ltmp16, $1  }
0x2b4: {  	_ =	sdelay $0x3  }
0x2b5: {  	s6 =	sshra.s32 s1, $0x1F  }
0x2b6: {  	s6 =	sshrl.u32 s6, $0x1C  }
0x2b7: {  	s30 =	sadd.s32 s6, s1  }
0x2b8: {  	s6 =	sshra.s32 s30, $0x4  }
0x2b9: {  	p1 =	sne.s32 s6, $0x1  }
.Ltmp17:
0x2ba: {  	_ = 	snop;
	(pc) =	sbr.rel @!p1 .LBB2_26-.Ltmp17, $3  }
0x2bb: {  	_ =	sdelay $0x1  }
0x2bc: {  	s7 =	simm.s32 $0x11880  }
0x2bd: {  	p0 =	por $0x0, $0x0;
	v18 =	vld [tilespmem:s7+$0x0];
	s1 =	simm.s32 $0x0;
	s7 =	sadd.s32 $0xFFFFFFFF, s6  }
0x2be: {  	_ =	sdelay $0x3  }
0x2bf: {  	vm0 =	vle.f32 v14, v18  }
0x2c0: {  	vm6 =	vle.f32 v15, v18;
	v19 =	vsel vm0, $0x8, v4  }
0x2c1: {  	v22 =	vsel vm6, $0x8, v4;
	v21 =	vor.u32 $0x3, v19  }
0x2c2: {  	v23 =	vor.u32 $0x3, v22;
	v21 =	vperm.xlane v12, v21  }
0x2c3: {  	v23 =	vperm.xlane v13, v23  }
0x2c4: {  	vm7 =	vle.f32 v21, v18  }
0x2c5: {  	vm8 =	vle.f32 v23, v18;
	v21 =	vsel vm7, $0x4, v4  }
0x2c6: {  	v19 =	vor.u32 v19, v21;
	v21 =	vsel vm8, $0x4, v4  }
0x2c7: {  	v23 =	vor.u32 $0x1, v19;
	v21 =	vor.u32 v22, v21  }
0x2c8: {  	v22 =	vperm.xlane v12, v23;
	v23 =	vor.u32 $0x1, v21  }
0x2c9: {  	v23 =	vperm.xlane v13, v23  }
0x2ca: {  	vm9 =	vle.f32 v22, v18  }
0x2cb: {  	v22 =	vsel vm9, $0x2, v4;
	vm10 =	vle.f32 v23, v18  }
0x2cc: {  	v19 =	vor.u32 v22, v19;
	v22 =	vsel vm10, $0x2, v4  }
0x2cd: {  	v23 =	vperm.xlane v12, v19;
	v21 =	vor.u32 v22, v21  }
0x2ce: {  	v22 =	vperm.xlane v13, v21  }
0x2cf: {  	vm11 =	vle.f32 v23, v18  }
0x2d0: {  	v23 =	vsel vm11, $0x1, v4;
	vm12 =	vle.f32 v22, v18  }
0x2d1: {  	v19 =	vor.u32 v23, v19;
	v22 =	vsel vm12, $0x1, v4  }
0x2d2: {  	v23 =	vperm.xlane v12, v19;
	v21 =	vor.u32 v22, v21  }
0x2d3: {  	v22 =	vperm.xlane v13, v21  }
0x2d4: {  	vm13 =	vle.f32 v23, v18  }
0x2d5: {  	v23 =	vsel vm13, $0x1, v4;
	vm14 =	vle.f32 v22, v18  }
0x2d6: {  	v18 =	vsel vm14, $0x1, v4;
	v19 =	vadd.s32 v23, v19  }
0x2d7: {  	v18 =	vadd.s32 v18, v19  }
0x2d8: {  	v18 =	vadd.s32 v21, v18  }
0x2d9: {  	s6 =	sand.u32 $0x1C00, s1;
	v19 =	vor.u32 s1, v2;
	v18 =	vshll.u32 v18, $0x4  }
0x2da: {  	vm15 =	vlt.s32 v19, v20;
	v18 =	vadd.s32 s6, v18  }
0x2db: {  	v18 =	vor.u32 v2, v18  }
0x2dc: {  	p1 =	sne.s32 s7, $0x1  }
.Ltmp18:
0x2dd: {  	_ = 	snop;
	(pc) =	sbr.rel @!p1 .LBB2_28-.Ltmp18, $3  }
0x2de: {  	_ =	sdelay $0x1  }
0x2df: {  	s7 =	sadd.s32 $0xFFFFFFFF, s7;
	s6 =	simm.s32 $0x11890;
	[tilespmem:v18+s23+$0x0] =	vst.idx.add.f32.msk vm15, v3  }
0x2e0: {  	p0 =	por $0x1, $0x1;
	s17 =	simm.s32 $0x0;
	s18 =	simm.s32 $0x0;
	v18 =	vld [tilespmem:s6+$0x0]  }
.LBB2_29:
0x2e1: {  	p1 =	sne.s32 s7, $0x1;
	_ =	sdelay $0x3  }
0x2e2: {  	vm0 =	vle.f32 v14, v18  }
0x2e3: {  	v19 =	vsel vm0, $0x8, v4;
	vm0 =	vle.f32 v15, v18  }
0x2e4: {  	v21 =	vor.u32 $0x3, v19;
	v22 =	vsel vm0, $0x8, v4  }
0x2e5: {  	v21 =	vperm.xlane v12, v21;
	v23 =	vor.u32 $0x3, v22  }
0x2e6: {  	v23 =	vperm.xlane v13, v23  }
0x2e7: {  	vm0 =	vle.f32 v21, v18  }
0x2e8: {  	v21 =	vsel vm0, $0x4, v4;
	vm0 =	vle.f32 v23, v18  }
0x2e9: {  	v19 =	vor.u32 v19, v21;
	v21 =	vsel vm0, $0x4, v4  }
0x2ea: {  	v23 =	vor.u32 $0x1, v19;
	v21 =	vor.u32 v22, v21  }
0x2eb: {  	v22 =	vperm.xlane v12, v23;
	v23 =	vor.u32 $0x1, v21  }
0x2ec: {  	v23 =	vperm.xlane v13, v23  }
0x2ed: {  	vm0 =	vle.f32 v22, v18  }
0x2ee: {  	v22 =	vsel vm0, $0x2, v4;
	vm0 =	vle.f32 v23, v18  }
0x2ef: {  	v19 =	vor.u32 v22, v19;
	v22 =	vsel vm0, $0x2, v4  }
0x2f0: {  	v23 =	vperm.xlane v12, v19;
	v21 =	vor.u32 v22, v21  }
0x2f1: {  	v22 =	vperm.xlane v13, v21  }
0x2f2: {  	vm0 =	vle.f32 v23, v18  }
0x2f3: {  	v23 =	vsel vm0, $0x1, v4;
	vm0 =	vle.f32 v22, v18  }
0x2f4: {  	v19 =	vor.u32 v23, v19;
	v22 =	vsel vm0, $0x1, v4  }
0x2f5: {  	v23 =	vperm.xlane v12, v19;
	v21 =	vor.u32 v22, v21  }
0x2f6: {  	v22 =	vperm.xlane v13, v21  }
0x2f7: {  	vm0 =	vle.f32 v23, v18  }
0x2f8: {  	v23 =	vsel vm0, $0x1, v4;
	vm0 =	vle.f32 v22, v18  }
0x2f9: {  	v18 =	vsel vm0, $0x1, v4;
	v19 =	vadd.s32 v23, v19  }
0x2fa: {  	v18 =	vadd.s32 v18, v19  }
0x2fb: {  	s17 =	sadd.s32 $0x400, s17;
	s18 =	sadd.s32 $0x10, s18;
	v18 =	vadd.s32 v21, v18  }
0x2fc: {  	s10 =	sand.u32 $0x1C00, s17;
	v19 =	vor.u32 s18, v2;
	v18 =	vshll.u32 v18, $0x4  }
0x2fd: {  	vm0 =	vlt.s32 v19, v20;
	v18 =	vadd.s32 s10, v18  }
0x2fe: {  	v18 =	vor.u32 v2, v18;
	_ =	sdelay $0x1  }
.Ltmp19:
0x2ff: {  	(pc) =	sbr.rel @p1 .LBB2_29-.Ltmp19, $3  }
0x300: {  	_ =	sdelay $0x1  }
0x301: {  	s6 =	sadd.s32 $0x10, s6;
	[tilespmem:v18+s23+$0x0] =	vst.idx.add.f32.msk vm0, v3  }
0x302: {  	s7 =	sadd.s32 $0xFFFFFFFF, s7;
	v18 =	vld [tilespmem:s6+$0x0]  }
.LBB2_30:
0x303: {  	_ =	sdelay $0x3  }
0x304: {  	vm0 =	vle.f32 v14, v18  }
0x305: {  	vm6 =	vle.f32 v15, v18;
	v19 =	vsel vm0, $0x8, v4  }
0x306: {  	v22 =	vsel vm6, $0x8, v4;
	v21 =	vor.u32 $0x3, v19  }
0x307: {  	v23 =	vor.u32 $0x3, v22;
	v21 =	vperm.xlane v12, v21  }
0x308: {  	v23 =	vperm.xlane v13, v23  }
0x309: {  	vm7 =	vle.f32 v21, v18  }
0x30a: {  	vm8 =	vle.f32 v23, v18;
	v21 =	vsel vm7, $0x4, v4  }
0x30b: {  	v58 =	vsel vm8, $0x4, v4;
	v19 =	vor.u32 v19, v21  }
0x30c: {  	v21 =	vor.u32 v22, v58;
	v59 =	vor.u32 $0x1, v19  }
0x30d: {  	v61 =	vor.u32 $0x1, v21;
	v60 =	vperm.xlane v12, v59  }
0x30e: {  	v23 =	vperm.xlane v13, v61  }
0x30f: {  	vm9 =	vle.f32 v60, v18  }
0x310: {  	vm10 =	vle.f32 v23, v18;
	v22 =	vsel vm9, $0x2, v4  }
0x311: {  	v62 =	vsel vm10, $0x2, v4;
	v19 =	vor.u32 v22, v19  }
0x312: {  	v21 =	vor.u32 v62, v21;
	v63 =	vperm.xlane v12, v19  }
0x313: {  	v22 =	vperm.xlane v13, v21  }
0x314: {  	vm11 =	vle.f32 v63, v18  }
0x315: {  	vm12 =	vle.f32 v22, v18;
	v23 =	vsel vm11, $0x1, v4  }
0x316: {  	v22 =	vsel vm12, $0x1, v4;
	v19 =	vor.u32 v23, v19  }
0x317: {  	v21 =	vor.u32 v22, v21;
	v23 =	vperm.xlane v12, v19  }
0x318: {  	v22 =	vperm.xlane v13, v21  }
0x319: {  	vm13 =	vle.f32 v23, v18  }
0x31a: {  	vm14 =	vle.f32 v22, v18;
	v23 =	vsel vm13, $0x1, v4  }
0x31b: {  	v18 =	vsel vm14, $0x1, v4;
	v19 =	vadd.s32 v23, v19  }
0x31c: {  	s6 =	sadd.s32 @p0 $0x400, s17;
	s7 =	sadd.s32 @p0 $0x10, s18;
	s10 =	simm.s32 $0x0;
	v18 =	vadd.s32 v18, v19  }
0x31d: {  	s10 =	smov.u32 @p0 s7;
	s1 =	smov.u32 @p0 s6;
	v18 =	vadd.s32 v21, v18  }
0x31e: {  	s1 =	sand.u32 $0x1C00, s1;
	v19 =	vor.u32 s10, v2;
	v18 =	vshll.u32 v18, $0x4  }
0x31f: {  	vm15 =	vlt.s32 v19, v20;
	v18 =	vadd.s32 s1, v18  }
0x320: {  	v18 =	vor.u32 v2, v18;
	_ =	sdelay $0x4  }
0x321: {  	[tilespmem:v18+s23+$0x0] =	vst.idx.add.f32.msk vm15, v3  }
.LBB2_31:
0x322: {  	v18 =	vxor.u32 $0x80000000, v17  }
0x323: {  	(xrf0) =	vmax.scan.msk.u32 $0xffff, v18;
	_ =	sdelay $0x5  }
0x324: {  	v18, _, _ =	vpop (xrf0)  }
0x325: {  	(v2sf) =	vpush v18, $0xF;
	_ =	sdelay $0xe  }
0x326: {  	s1 =	spop (v2sf)  }
0x327: {  	s1 =	sadd.s32 $0x8000000F, s1  }
0x328: {  	p0 =	slt.s32 s1, $0x10  }
.Ltmp20:
0x329: {  	_ = 	snop;
	(pc) =	sbr.rel @p0 .LBB2_38-.Ltmp20, $1  }
0x32a: {  	_ =	sdelay $0x3  }
0x32b: {  	s6 =	sshra.s32 s1, $0x1F  }
0x32c: {  	s6 =	sshrl.u32 s6, $0x1C  }
0x32d: {  	s30 =	sadd.s32 s6, s1  }
0x32e: {  	s6 =	sshra.s32 s30, $0x4  }
0x32f: {  	s7 =	simm.s32 $0x14E80;
	p1 =	sne.s32 s6, $0x1  }
.Ltmp21:
0x330: {  	v18 =	vld [tilespmem:s7+$0x0];
	(pc) =	sbr.rel @!p1 .LBB2_33-.Ltmp21, $2  }
0x331: {  	_ =	sdelay $0x2  }
0x332: {  	p0 =	por $0x0, $0x0;
	s1 =	simm.s32 $0x0;
	s7 =	sadd.s32 $0xFFFFFFFF, s6  }
0x333: {  	vm0 =	vle.f32 v14, v18  }
0x334: {  	vm6 =	vle.f32 v15, v18;
	v19 =	vsel vm0, $0x8, v4  }
0x335: {  	v21 =	vsel vm6, $0x8, v4;
	v20 =	vor.u32 $0x3, v19  }
0x336: {  	v22 =	vor.u32 $0x3, v21;
	v20 =	vperm.xlane v12, v20  }
0x337: {  	v22 =	vperm.xlane v13, v22  }
0x338: {  	vm7 =	vle.f32 v20, v18  }
0x339: {  	vm8 =	vle.f32 v22, v18;
	v20 =	vsel vm7, $0x4, v4  }
0x33a: {  	v19 =	vor.u32 v19, v20;
	v20 =	vsel vm8, $0x4, v4  }
0x33b: {  	v59 =	vor.u32 $0x1, v19;
	v20 =	vor.u32 v21, v20  }
0x33c: {  	v60 =	vperm.xlane v12, v59;
	v61 =	vor.u32 $0x1, v20  }
0x33d: {  	v22 =	vperm.xlane v13, v61  }
0x33e: {  	vm9 =	vle.f32 v60, v18  }
0x33f: {  	v21 =	vsel vm9, $0x2, v4;
	vm10 =	vle.f32 v22, v18  }
0x340: {  	v19 =	vor.u32 v21, v19;
	v62 =	vsel vm10, $0x2, v4  }
0x341: {  	v63 =	vperm.xlane v12, v19;
	v20 =	vor.u32 v62, v20  }
0x342: {  	v21 =	vperm.xlane v13, v20  }
0x343: {  	vm11 =	vle.f32 v63, v18  }
0x344: {  	v22 =	vsel vm11, $0x1, v4;
	vm12 =	vle.f32 v21, v18  }
0x345: {  	v19 =	vor.u32 v22, v19;
	v21 =	vsel vm12, $0x1, v4  }
0x346: {  	v22 =	vperm.xlane v12, v19;
	v20 =	vor.u32 v21, v20  }
0x347: {  	v21 =	vperm.xlane v13, v20  }
0x348: {  	vm13 =	vle.f32 v22, v18  }
0x349: {  	v22 =	vsel vm13, $0x1, v4;
	vm14 =	vle.f32 v21, v18  }
0x34a: {  	v18 =	vsel vm14, $0x1, v4;
	v19 =	vadd.s32 v22, v19  }
0x34b: {  	v18 =	vadd.s32 v18, v19  }
0x34c: {  	v18 =	vadd.s32 v20, v18  }
0x34d: {  	s6 =	sand.u32 $0x1C00, s1;
	v19 =	vor.u32 s1, v2;
	v18 =	vshll.u32 v18, $0x4  }
0x34e: {  	vm15 =	vlt.s32 v19, v17;
	v18 =	vadd.s32 s6, v18  }
0x34f: {  	v18 =	vor.u32 v2, v18;
	_ =	sdelay $0x4  }
0x350: {  	p1 =	sne.s32 s7, $0x1;
	s6 =	simm.s32 $0x14E90;
	[tilespmem:v18+s25+$0x0] =	vst.idx.add.f32.msk vm15, v3  }
.Ltmp22:
0x351: {  	v18 =	vld [tilespmem:s6+$0x0];
	(pc) =	sbr.rel @!p1 .LBB2_35-.Ltmp22, $3  }
0x352: {  	_ =	sdelay $0x1  }
0x353: {  	s7 =	sadd.s32 $0xFFFFFFFF, s7  }
0x354: {  	p0 =	por $0x1, $0x1;
	s17 =	simm.s32 $0x0;
	s18 =	simm.s32 $0x0  }
.LBB2_36:
0x355: {  	p1 =	sne.s32 s7, $0x1;
	_ =	sdelay $0x3  }
0x356: {  	vm0 =	vle.f32 v14, v18  }
0x357: {  	v19 =	vsel vm0, $0x8, v4;
	vm0 =	vle.f32 v15, v18  }
0x358: {  	v20 =	vor.u32 $0x3, v19;
	v21 =	vsel vm0, $0x8, v4  }
0x359: {  	v20 =	vperm.xlane v12, v20;
	v22 =	vor.u32 $0x3, v21  }
0x35a: {  	v22 =	vperm.xlane v13, v22  }
0x35b: {  	vm0 =	vle.f32 v20, v18  }
0x35c: {  	v20 =	vsel vm0, $0x4, v4;
	vm0 =	vle.f32 v22, v18  }
0x35d: {  	v19 =	vor.u32 v19, v20;
	v20 =	vsel vm0, $0x4, v4  }
0x35e: {  	v22 =	vor.u32 $0x1, v19;
	v20 =	vor.u32 v21, v20  }
0x35f: {  	v21 =	vperm.xlane v12, v22;
	v22 =	vor.u32 $0x1, v20  }
0x360: {  	v22 =	vperm.xlane v13, v22  }
0x361: {  	vm0 =	vle.f32 v21, v18  }
0x362: {  	v21 =	vsel vm0, $0x2, v4;
	vm0 =	vle.f32 v22, v18  }
0x363: {  	v19 =	vor.u32 v21, v19;
	v21 =	vsel vm0, $0x2, v4  }
0x364: {  	v22 =	vperm.xlane v12, v19;
	v20 =	vor.u32 v21, v20  }
0x365: {  	v21 =	vperm.xlane v13, v20  }
0x366: {  	vm0 =	vle.f32 v22, v18  }
0x367: {  	v22 =	vsel vm0, $0x1, v4;
	vm0 =	vle.f32 v21, v18  }
0x368: {  	v19 =	vor.u32 v22, v19;
	v21 =	vsel vm0, $0x1, v4  }
0x369: {  	v22 =	vperm.xlane v12, v19;
	v20 =	vor.u32 v21, v20  }
0x36a: {  	v21 =	vperm.xlane v13, v20  }
0x36b: {  	vm0 =	vle.f32 v22, v18  }
0x36c: {  	v22 =	vsel vm0, $0x1, v4;
	vm0 =	vle.f32 v21, v18  }
0x36d: {  	v18 =	vsel vm0, $0x1, v4;
	v19 =	vadd.s32 v22, v19  }
0x36e: {  	v18 =	vadd.s32 v18, v19  }
0x36f: {  	s17 =	sadd.s32 $0x400, s17;
	s18 =	sadd.s32 $0x10, s18;
	v18 =	vadd.s32 v20, v18  }
0x370: {  	s10 =	sand.u32 $0x1C00, s17;
	v19 =	vor.u32 s18, v2;
	v18 =	vshll.u32 v18, $0x4  }
0x371: {  	vm0 =	vlt.s32 v19, v17;
	v18 =	vadd.s32 s10, v18  }
0x372: {  	v18 =	vor.u32 v2, v18;
	_ =	sdelay $0x1  }
.Ltmp23:
0x373: {  	(pc) =	sbr.rel @p1 .LBB2_36-.Ltmp23, $3  }
0x374: {  	_ =	sdelay $0x1  }
0x375: {  	s6 =	sadd.s32 $0x10, s6;
	[tilespmem:v18+s25+$0x0] =	vst.idx.add.f32.msk vm0, v3  }
0x376: {  	s7 =	sadd.s32 $0xFFFFFFFF, s7;
	v18 =	vld [tilespmem:s6+$0x0]  }
.Ltmp24:
0x377: {  	_ = 	snop;
	(pc) =	sbr.rel .LBB2_37-.Ltmp24, $1  }
0x378: {  	_ =	sdelay $0x3  }
.LBB2_10:
.Ltmp25:
0x379: {  	(pc) =	sbr.rel .LBB2_14-.Ltmp25, $2  }
0x37a: {  	_ =	sdelay $0x2  }
0x37b: {  	s18 =	simm.s32 $0x0;
	s30 =	simm.s32 $0x0  }
.LBB2_17:
.Ltmp26:
0x37c: {  	(pc) =	sbr.rel .LBB2_21-.Ltmp26, $2  }
0x37d: {  	_ =	sdelay $0x2  }
0x37e: {  	s18 =	simm.s32 $0x0;
	s30 =	simm.s32 $0x0  }
.LBB2_26:
.Ltmp27:
0x37f: {  	(pc) =	sbr.rel .LBB2_30-.Ltmp27, $2  }
0x380: {  	_ =	sdelay $0x2  }
0x381: {  	s17 =	simm.s32 $0x0;
	s18 =	simm.s32 $0x0  }
.LBB2_12:
.Ltmp28:
0x382: {  	(pc) =	sbr.rel .LBB2_14-.Ltmp28, $2  }
0x383: {  	_ =	sdelay $0x2  }
0x384: {  	s18 =	simm.s32 $0x0;
	s30 =	simm.s32 $0x0  }
.LBB2_19:
.Ltmp29:
0x385: {  	(pc) =	sbr.rel .LBB2_21-.Ltmp29, $2  }
0x386: {  	_ =	sdelay $0x2  }
0x387: {  	s18 =	simm.s32 $0x0;
	s30 =	simm.s32 $0x0  }
.LBB2_28:
.Ltmp30:
0x388: {  	(pc) =	sbr.rel .LBB2_30-.Ltmp30, $2  }
0x389: {  	_ =	sdelay $0x2  }
0x38a: {  	s17 =	simm.s32 $0x0;
	s18 =	simm.s32 $0x0  }
.LBB2_35:
.Ltmp31:
0x38b: {  	(pc) =	sbr.rel .LBB2_37-.Ltmp31, $2  }
0x38c: {  	_ =	sdelay $0x2  }
0x38d: {  	s17 =	simm.s32 $0x0;
	s18 =	simm.s32 $0x0  }
.LBB2_40:
0x38e: {  	_ =	sfence.sel $0x180000  }
0x38f: {  	[bflag:$0x0] =	sbarrier.arrive $0xFFFF  }
0x390: {  	_ =	strace $0x90000047  }
0x391: {  	s0 =	stileid.u32;
	[bflag:$0x2] =	sbarrier.arrive $0xFFFF  }
0x392: {  	p0 =	sne.s32 s0, $0x0;
	s0 =	rddreg [dreg:$0x2]  }
0x393: {  	s0 =	sadd.s32 @!p0 $0x100000, s0  }
0x394: {  	[sflag:s0] =	ssyncadd.tile.s32 @!p0 $0x1;
	_ =	shalt  }
.Lfunc_end2:
_tile_overlayer_lowered:
.L_overlay_start_2:
0x395: {  	(tag) =	ssettag $0x2  }
0x396: {  	s0 =	rddreg [dreg:$0x0];
	s2 =	stileid.u32  }
0x397: {  	s1 =	rddreg [dreg:$0x1];
	p0 =	sne.s32 s2, $0x0  }
0x398: {  	s3 =	rddreg [dreg:$0x2];
	[bflag:$0x3] =	sbarrier.arrive $0xFFFF;
	s2 =	simm.s32 @!p0 $0x1C05  }
0x399: {  	[timem:s3], [sflag:s2] =	dma.local @!p0 [hbm:s0], s1  }
0x39a: {  	s0 =	simm.s32 @!p0 $0x5  }
0x39b: {  	_ =	swait.ge @!p0 [sflag:s0], s1  }
0x39c: {  	s1 =	ssub.s32 @!p0 $0x0, s1;
	[sflag:s0] =	ssyncset.done @!p0 $0x0  }
0x39d: {  	[sflag:s0] =	ssyncadd.s32 @!p0 s1  }
0x39e: {  	[bflag:$0x3] =	sbarrier.arrive $0xFFFF  }
0x39f: {  	_ =	shalt  }

</sc_bundles>
